<compile_context>
chip_gen: v7x
topology: tpu7x:2x2x1
jax: 0.10.2.dev20260603
libtpu: 0.0.44.dev20260713+nightly
codegen_flags: <defaults>
</compile_context>

<pallas_src>
import functools

import jax
import jax.numpy as jnp
from jax import lax
from jax.experimental import pallas as pl
from jax.experimental.pallas import tpu as pltpu
from jax.experimental.pallas import tpu_sc as plsc

N = 10000
E = 320000
D = 128
ED = 16
H = 128
OUT = 128
B = 256

NC = 2
NS = 16
NW = NC * NS
CH = 128
GRP = 40
NG = 2
NCHUNK = GRP * NG
EPW = NCHUNK * CH
EP = NW * EPW
NP_ = 10112
DUMP = N
RPS = NP_ // NS


def _ln(t, g, b, eps=1e-5):
    m = jnp.mean(t, axis=-1, keepdims=True)
    v = jnp.mean((t - m) ** 2, axis=-1, keepdims=True)
    return (t - m) / jnp.sqrt(v + eps) * g + b


_BE = 2048


def _edge_embed_body(ea_ref, We0_ref, bE0_ref, We1_ref, bE1_ref,
                     ee0_ref, ee1_ref):
    ea = ea_ref[...]
    ee0_ref[...] = jnp.dot(ea, We0_ref[...],
                           preferred_element_type=jnp.float32) + bE0_ref[...]
    ee1_ref[...] = jnp.dot(ea, We1_ref[...],
                           preferred_element_type=jnp.float32) + bE1_ref[...]


def _edge_embed(edge_attr, We0, bE0, We1, bE1):
    grid = (EP // _BE,)
    return pl.pallas_call(
        _edge_embed_body,
        grid=grid,
        in_specs=[
            pl.BlockSpec((_BE, ED), lambda i: (i, 0)),
            pl.BlockSpec((ED, D), lambda i: (0, 0)),
            pl.BlockSpec((1, D), lambda i: (0, 0)),
            pl.BlockSpec((ED, D), lambda i: (0, 0)),
            pl.BlockSpec((1, D), lambda i: (0, 0)),
        ],
        out_specs=[
            pl.BlockSpec((_BE, D), lambda i: (i, 0)),
            pl.BlockSpec((_BE, D), lambda i: (i, 0)),
        ],
        out_shape=[
            jax.ShapeDtypeStruct((EP, D), jnp.float32),
            jax.ShapeDtypeStruct((EP, D), jnp.float32),
        ],
    )(edge_attr, We0, bE0.reshape(1, D), We1, bE1.reshape(1, D))


def _msgpass_body(x_hbm, ee_hbm, src_hbm, dst_hbm, out_hbm,
                  src_g, dst_g, xbuf, eebuf, shared, gsem):
    cid = lax.axis_index("c")
    sid = lax.axis_index("s")
    wid = cid * NS + sid

    def zrow(r, _):
        for j in range(D // 16):
            xbuf[r, pl.ds(j * 16, 16)] = jnp.zeros((16,), jnp.float32)
        return 0
    lax.fori_loop(0, CH, zrow, 0)
    for k in range(RPS // CH):
        pltpu.sync_copy(xbuf, shared.at[pl.ds(sid * RPS + k * CH, CH)])
    rem = RPS % CH
    if rem:
        pltpu.sync_copy(xbuf.at[pl.ds(0, rem)],
                        shared.at[pl.ds(sid * RPS + (RPS // CH) * CH, rem)])

    plsc.subcore_barrier()

    def group(g, _):
        pltpu.sync_copy(src_hbm.at[wid, pl.ds(g * GRP, GRP)], src_g)
        pltpu.sync_copy(dst_hbm.at[wid, pl.ds(g * GRP, GRP)], dst_g)

        def chunk(c, _):
            pltpu.async_copy(x_hbm.at[src_g.at[c]], xbuf, gsem)
            pltpu.sync_copy(
                ee_hbm.at[pl.ds(wid * EPW + (g * GRP + c) * CH, CH)], eebuf)
            pltpu.make_async_copy(x_hbm.at[pl.ds(0, CH)], xbuf, gsem).wait()

            def row(r4, _):
                for rr in range(4):
                    r = r4 * 4 + rr
                    for jj in range(D // 16):
                        sl = pl.ds(jj * 16, 16)
                        eebuf[r, sl] = jnp.maximum(
                            xbuf[r, sl] + eebuf[r, sl], 0.0)
                return 0
            lax.fori_loop(0, CH // 4, row, 0)

            pltpu.sync_copy(eebuf, shared.at[dst_g.at[c]], add=True)
            return 0

        lax.fori_loop(0, GRP, chunk, 0)
        return 0

    lax.fori_loop(0, NG, group, 0)

    plsc.subcore_barrier()

    pltpu.sync_copy(shared.at[pl.ds(sid * RPS, RPS)],
                    out_hbm.at[cid, pl.ds(sid * RPS, RPS)])


def _msgpass(x, ee, src3, dst3):
    mesh = plsc.VectorSubcoreMesh(core_axis_name="c", subcore_axis_name="s",
                                  num_cores=NC, num_subcores=NS)
    f = pl.kernel(
        _msgpass_body,
        out_type=jax.ShapeDtypeStruct((NC, NP_, D), jnp.float32),
        mesh=mesh,
        scratch_types=[
            pltpu.VMEM((GRP, CH), jnp.int32),
            pltpu.VMEM((GRP, CH), jnp.int32),
            pltpu.VMEM((CH, D), jnp.float32),
            pltpu.VMEM((CH, D), jnp.float32),
            pltpu.VMEM_SHARED((NP_, D), jnp.float32),
            pltpu.SemaphoreType.DMA,
        ],
    )
    return f(x, ee, src3, dst3)


_BN = 2000


def _node_mlp_body(x_ref, p_ref, W1_ref, b1_ref, g1_ref, be1_ref,
                   W2_ref, b2_ref, g2_ref, be2_ref, o_ref):
    h = x_ref[...] + p_ref[0] + p_ref[1]
    t = jnp.dot(h, W1_ref[...], preferred_element_type=jnp.float32) + b1_ref[...]
    t = jnp.maximum(_ln(t, g1_ref[...], be1_ref[...]), 0.0)
    u = jnp.dot(t, W2_ref[...], preferred_element_type=jnp.float32) + b2_ref[...]
    o_ref[...] = jnp.maximum(_ln(u, g2_ref[...], be2_ref[...]), 0.0)


def _node_mlp(x, p, W1, b1, g1, be1, W2, b2, g2, be2):
    grid = (N // _BN,)
    row = lambda v: v.reshape(1, D)
    return pl.pallas_call(
        _node_mlp_body,
        grid=grid,
        in_specs=[
            pl.BlockSpec((_BN, D), lambda i: (i, 0)),
            pl.BlockSpec((NC, _BN, D), lambda i: (0, i, 0)),
            pl.BlockSpec((D, D), lambda i: (0, 0)),
            pl.BlockSpec((1, D), lambda i: (0, 0)),
            pl.BlockSpec((1, D), lambda i: (0, 0)),
            pl.BlockSpec((1, D), lambda i: (0, 0)),
            pl.BlockSpec((D, D), lambda i: (0, 0)),
            pl.BlockSpec((1, D), lambda i: (0, 0)),
            pl.BlockSpec((1, D), lambda i: (0, 0)),
            pl.BlockSpec((1, D), lambda i: (0, 0)),
        ],
        out_specs=pl.BlockSpec((_BN, D), lambda i: (i, 0)),
        out_shape=jax.ShapeDtypeStruct((N, D), jnp.float32),
    )(x, p, W1, row(b1), row(g1), row(be1), W2, row(b2), row(g2), row(be2))


def _final_body(x_ref, p_ref, batch_ref, W1_ref, b1_ref, g1_ref, be1_ref,
                W2_ref, b2_ref, g2_ref, be2_ref, Wp_ref, bp_ref,
                o_ref, pooled_acc, counts_acc):
    i = pl.program_id(0)
    h = x_ref[...] + p_ref[0] + p_ref[1]
    t = jnp.dot(h, W1_ref[...], preferred_element_type=jnp.float32) + b1_ref[...]
    t = jnp.maximum(_ln(t, g1_ref[...], be1_ref[...]), 0.0)
    u = jnp.dot(t, W2_ref[...], preferred_element_type=jnp.float32) + b2_ref[...]
    x2 = jnp.maximum(_ln(u, g2_ref[...], be2_ref[...]), 0.0)

    bvec = batch_ref[0, 0, :]
    mask = (bvec[:, None] ==
            lax.broadcasted_iota(jnp.int32, (_BN, B), 1)).astype(jnp.float32)
    pm = lax.dot_general(mask, x2, (((0,), (0,)), ((), ())),
                         preferred_element_type=jnp.float32)
    cm = jnp.sum(mask, axis=0)[None, :]

    @pl.when(i == 0)
    def _():
        pooled_acc[...] = jnp.zeros_like(pooled_acc)
        counts_acc[...] = jnp.zeros_like(counts_acc)

    pooled_acc[...] += pm
    counts_acc[...] += cm

    @pl.when(i == pl.num_programs(0) - 1)
    def _():
        cnt = jnp.maximum(counts_acc[0, :], 1.0)
        proj = jnp.dot(pooled_acc[...], Wp_ref[...],
                       preferred_element_type=jnp.float32)
        o_ref[...] = proj / cnt[:, None] + bp_ref[...]


def _final(x, p, batch, W1, b1, g1, be1, W2, b2, g2, be2, Wp, bp):
    grid = (N // _BN,)
    row = lambda v: v.reshape(1, D)
    return pl.pallas_call(
        _final_body,
        grid=grid,
        in_specs=[
            pl.BlockSpec((_BN, D), lambda i: (i, 0)),
            pl.BlockSpec((NC, _BN, D), lambda i: (0, i, 0)),
            pl.BlockSpec((1, 1, _BN), lambda i: (i, 0, 0)),
            pl.BlockSpec((D, D), lambda i: (0, 0)),
            pl.BlockSpec((1, D), lambda i: (0, 0)),
            pl.BlockSpec((1, D), lambda i: (0, 0)),
            pl.BlockSpec((1, D), lambda i: (0, 0)),
            pl.BlockSpec((D, D), lambda i: (0, 0)),
            pl.BlockSpec((1, D), lambda i: (0, 0)),
            pl.BlockSpec((1, D), lambda i: (0, 0)),
            pl.BlockSpec((1, D), lambda i: (0, 0)),
            pl.BlockSpec((D, OUT), lambda i: (0, 0)),
            pl.BlockSpec((1, OUT), lambda i: (0, 0)),
        ],
        out_specs=pl.BlockSpec((B, OUT), lambda i: (0, 0)),
        out_shape=jax.ShapeDtypeStruct((B, OUT), jnp.float32),
        scratch_shapes=[
            pltpu.VMEM((B, D), jnp.float32),
            pltpu.VMEM((1, B), jnp.float32),
        ],
    )(x, p, batch.reshape(N // _BN, 1, _BN), W1, row(b1), row(g1), row(be1),
      W2, row(b2), row(g2), row(be2), Wp, bp.reshape(1, OUT))


def kernel(x, edge_index, edge_attr, batch,
           We0, bE0, W10, b10, g10, be10, W20, b20, g20, be20,
           We1, bE1, W11, b11, g11, be11, W21, b21, g21, be21, Wp, bp):
    pad = EPW - E // NW
    src3 = jnp.pad(edge_index[0].reshape(NW, E // NW), ((0, 0), (0, pad)),
                   constant_values=0).reshape(NW, NCHUNK, CH)
    dst3 = jnp.pad(edge_index[1].reshape(NW, E // NW), ((0, 0), (0, pad)),
                   constant_values=DUMP).reshape(NW, NCHUNK, CH)
    eap = jnp.pad(edge_attr.reshape(NW, E // NW, ED),
                  ((0, 0), (0, pad), (0, 0))).reshape(EP, ED)
    ee0, ee1 = _edge_embed(eap, We0, bE0, We1, bE1)
    p0 = _msgpass(x, ee0, src3, dst3)
    x1 = _node_mlp(x, p0, W10, b10, g10, be10, W20, b20, g20, be20)
    p1 = _msgpass(x1, ee1, src3, dst3)
    return _final(x1, p1, batch, W11, b11, g11, be11,
                  W21, b21, g21, be21, Wp, bp)

# --- scband reference (transcript-rebuilt; emitter-appended) ---
"""Pipeline reference for scband-compound-encoder-88871463289182 (READ-ONLY COPY).

The authoritative reference and input builder live on the scoring server;
editing this copy changes nothing except your own understanding.
"""

import jax, jax.numpy as jnp
import numpy as np

N = 10000
E = 320000
D = 128
ED = 16
H = 128
OUT = 128
B = 256


def _ln(x, g, b, eps=1e-5):
    m = jnp.mean(x, axis=-1, keepdims=True)
    v = jnp.mean((x - m) ** 2, axis=-1, keepdims=True)
    return (x - m) / jnp.sqrt(v + eps) * g + b


def setup_inputs(seed: int = 0):
    key = jax.random.key(seed)
    ks = jax.random.split(key, 40)
    inp = {}
    inp["x"] = jax.random.normal(ks[0], (N, D), dtype=jnp.float32)
    inp["edge_index"] = jax.random.randint(ks[1], (2, E), 0, N, dtype=jnp.int32)
    inp["edge_attr"] = jax.random.normal(ks[2], (E, ED), dtype=jnp.float32)
    inp["batch"] = jnp.sort(jax.random.randint(ks[3], (N,), 0, B, dtype=jnp.int32))
    i = 4
    for in_dim, s in [(D, "0"), (H, "1")]:
        inp["We" + s] = 0.02 * jax.random.normal(ks[i], (ED, in_dim), dtype=jnp.float32); i += 1
        inp["bE" + s] = jnp.zeros((in_dim,), jnp.float32)
        inp["W1" + s] = 0.02 * jax.random.normal(ks[i], (in_dim, H), dtype=jnp.float32); i += 1
        inp["b1" + s] = jnp.zeros((H,), jnp.float32)
        inp["g1" + s] = jnp.ones((H,), jnp.float32)
        inp["be1" + s] = jnp.zeros((H,), jnp.float32)
        inp["W2" + s] = 0.02 * jax.random.normal(ks[i], (H, H), dtype=jnp.float32); i += 1
        inp["b2" + s] = jnp.zeros((H,), jnp.float32)
        inp["g2" + s] = jnp.ones((H,), jnp.float32)
        inp["be2" + s] = jnp.zeros((H,), jnp.float32)
    inp["Wp"] = 0.02 * jax.random.normal(ks[i], (H, OUT), dtype=jnp.float32)
    inp["bp"] = jnp.zeros((OUT,), jnp.float32)
    return inp


def _gine(x, src, dst, edge_attr, We, bE, W1, b1, g1, be1, W2, b2, g2, be2):
    # GINEConv: msg = relu(x_j + lin(edge_attr)); aggr = sum; out = mlp((1+eps)*x + aggr), eps=0
    ee = edge_attr @ We + bE
    msg = jax.nn.relu(x[src] + ee)
    aggr = jax.ops.segment_sum(msg, dst, num_segments=N)
    h = x + aggr
    h = _ln(h @ W1 + b1, g1, be1)
    h = jax.nn.relu(h)
    h = _ln(h @ W2 + b2, g2, be2)
    return h


def reference(x, edge_index, edge_attr, batch, We0, bE0, W10, b10, g10, be10, W20, b20, g20, be20, We1, bE1, W11, b11, g11, be11, W21, b21, g21, be21, Wp, bp):
    src = edge_index[0]
    dst = edge_index[1]
    x = jax.nn.relu(_gine(x, src, dst, edge_attr, We0, bE0, W10, b10, g10, be10, W20, b20, g20, be20))
    x = jax.nn.relu(_gine(x, src, dst, edge_attr, We1, bE1, W11, b11, g11, be11, W21, b21, g21, be21))
    counts = jnp.maximum(jnp.bincount(batch, length=B), 1).astype(jnp.float32)
    pooled = jax.ops.segment_sum(x, batch, num_segments=B) / counts[:, None]
    return pooled @ Wp + bp

if __name__ == "__main__":
    import jax
    _d = setup_inputs()
    print(jax.jit(kernel)(*tuple(_d.values())))

</pallas_src>

<mosaic_0001>
#map = affine_map<(d0, d1) -> (0, 0)>
#map1 = affine_map<(d0, d1) -> (0, 0, 0)>
module attributes {stable_mosaic.version = 14 : i64} {
  func.func @_msgpass_body(%arg0: i32, %arg1: i32, %arg2: memref<10000x128xf32, #tpu.memory_space<hbm>>, %arg3: memref<327680x128xf32, #tpu.memory_space<hbm>>, %arg4: memref<32x80x128xi32, #tpu.memory_space<hbm>>, %arg5: memref<32x80x128xi32, #tpu.memory_space<hbm>>, %arg6: memref<2x10112x128xf32, #tpu.memory_space<hbm>>, %arg7: memref<40x128xi32, #tpu.memory_space<vmem>>, %arg8: memref<40x128xi32, #tpu.memory_space<vmem>>, %arg9: memref<128x128xf32, #tpu.memory_space<vmem>>, %arg10: memref<128x128xf32, #tpu.memory_space<vmem>>, %arg11: memref<10112x128xf32, #tpu.memory_space<vmem_shared>>, %arg12: memref<!tpu.dma_semaphore, #tpu.memory_space<semaphore_mem>>) attributes {dimension_semantics = [#tpu.dimension_semantics<core_parallel>, #tpu.dimension_semantics<subcore_parallel>], iteration_bounds = array<i64: 2, 16>, scalar_prefetch = 0 : i64, scratch_operands = 6 : i64, tpu.core_type = #tpu.core_type<sc_vector_subcore>, window_params = [{transform_indices = #map}, {transform_indices = #map}, {transform_indices = #map1}, {transform_indices = #map1}, {transform_indices = #map1}]} {
    %mul3A = arith.constant 16 : i32
    %mul3A_0 = arith.muli %arg0, %mul3A : i32
    %add3A = arith.addi %mul3A_0, %arg1 : i32
    %scan3A = arith.constant 0 : i32
    %scan3A_1 = arith.constant 0 : i32
    %scan3A_2 = arith.constant 128 : i32
    %scan3A_3 = arith.addi %scan3A_1, %scan3A_2 : i32
    %scan3A_4 = arith.constant 1 : i32
    %scan3A_5 = scf.for %scan3A_39 = %scan3A_1 to %scan3A_3 step %scan3A_4 iter_args(%scan3A_40 = %scan3A) -> (i32)  : i32 {
      %broadcast_in_dim3A = arith.constant 0.000000e+00 : f32
      %broadcast_in_dim3A_41 = vector.broadcast %broadcast_in_dim3A : f32 to vector<16xf32>
      %swap3A = arith.index_cast %scan3A_39 : i32 to index
      %swap3A_42 = arith.constant 0 : index
      %swap3A_43 = tpu.vector_load %arg9[%swap3A, %swap3A_42] {strides = array<i32>} : memref<128x128xf32, #tpu.memory_space<vmem>>, vector<1x16xf32>,
      %swap3A_44 = vector.shape_cast %swap3A_43 : vector<1x16xf32> to vector<16xf32>
      %swap3A_45 = vector.shape_cast %broadcast_in_dim3A_41 : vector<16xf32> to vector<1x16xf32>
      tpu.vector_store %arg9[%swap3A, %swap3A_42], %swap3A_45 {strides = array<i32>} : memref<128x128xf32, #tpu.memory_space<vmem>>, vector<1x16xf32>,
      %broadcast_in_dim3A_46 = arith.constant 0.000000e+00 : f32
      %broadcast_in_dim3A_47 = vector.broadcast %broadcast_in_dim3A_46 : f32 to vector<16xf32>
      %swap3A_48 = arith.index_cast %scan3A_39 : i32 to index
      %swap3A_49 = arith.constant 16 : index
      %swap3A_50 = tpu.vector_load %arg9[%swap3A_48, %swap3A_49] {strides = array<i32>} : memref<128x128xf32, #tpu.memory_space<vmem>>, vector<1x16xf32>,
      %swap3A_51 = vector.shape_cast %swap3A_50 : vector<1x16xf32> to vector<16xf32>
      %swap3A_52 = vector.shape_cast %broadcast_in_dim3A_47 : vector<16xf32> to vector<1x16xf32>
      tpu.vector_store %arg9[%swap3A_48, %swap3A_49], %swap3A_52 {strides = array<i32>} : memref<128x128xf32, #tpu.memory_space<vmem>>, vector<1x16xf32>,
      %broadcast_in_dim3A_53 = arith.constant 0.000000e+00 : f32
      %broadcast_in_dim3A_54 = vector.broadcast %broadcast_in_dim3A_53 : f32 to vector<16xf32>
      %swap3A_55 = arith.index_cast %scan3A_39 : i32 to index
      %swap3A_56 = arith.constant 32 : index
      %swap3A_57 = tpu.vector_load %arg9[%swap3A_55, %swap3A_56] {strides = array<i32>} : memref<128x128xf32, #tpu.memory_space<vmem>>, vector<1x16xf32>,
      %swap3A_58 = vector.shape_cast %swap3A_57 : vector<1x16xf32> to vector<16xf32>
      %swap3A_59 = vector.shape_cast %broadcast_in_dim3A_54 : vector<16xf32> to vector<1x16xf32>
      tpu.vector_store %arg9[%swap3A_55, %swap3A_56], %swap3A_59 {strides = array<i32>} : memref<128x128xf32, #tpu.memory_space<vmem>>, vector<1x16xf32>,
      %broadcast_in_dim3A_60 = arith.constant 0.000000e+00 : f32
      %broadcast_in_dim3A_61 = vector.broadcast %broadcast_in_dim3A_60 : f32 to vector<16xf32>
      %swap3A_62 = arith.index_cast %scan3A_39 : i32 to index
      %swap3A_63 = arith.constant 48 : index
      %swap3A_64 = tpu.vector_load %arg9[%swap3A_62, %swap3A_63] {strides = array<i32>} : memref<128x128xf32, #tpu.memory_space<vmem>>, vector<1x16xf32>,
      %swap3A_65 = vector.shape_cast %swap3A_64 : vector<1x16xf32> to vector<16xf32>
      %swap3A_66 = vector.shape_cast %broadcast_in_dim3A_61 : vector<16xf32> to vector<1x16xf32>
      tpu.vector_store %arg9[%swap3A_62, %swap3A_63], %swap3A_66 {strides = array<i32>} : memref<128x128xf32, #tpu.memory_space<vmem>>, vector<1x16xf32>,
      %broadcast_in_dim3A_67 = arith.constant 0.000000e+00 : f32
      %broadcast_in_dim3A_68 = vector.broadcast %broadcast_in_dim3A_67 : f32 to vector<16xf32>
      %swap3A_69 = arith.index_cast %scan3A_39 : i32 to index
      %swap3A_70 = arith.constant 64 : index
      %swap3A_71 = tpu.vector_load %arg9[%swap3A_69, %swap3A_70] {strides = array<i32>} : memref<128x128xf32, #tpu.memory_space<vmem>>, vector<1x16xf32>,
      %swap3A_72 = vector.shape_cast %swap3A_71 : vector<1x16xf32> to vector<16xf32>
      %swap3A_73 = vector.shape_cast %broadcast_in_dim3A_68 : vector<16xf32> to vector<1x16xf32>
      tpu.vector_store %arg9[%swap3A_69, %swap3A_70], %swap3A_73 {strides = array<i32>} : memref<128x128xf32, #tpu.memory_space<vmem>>, vector<1x16xf32>,
      %broadcast_in_dim3A_74 = arith.constant 0.000000e+00 : f32
      %broadcast_in_dim3A_75 = vector.broadcast %broadcast_in_dim3A_74 : f32 to vector<16xf32>
      %swap3A_76 = arith.index_cast %scan3A_39 : i32 to index
      %swap3A_77 = arith.constant 80 : index
      %swap3A_78 = tpu.vector_load %arg9[%swap3A_76, %swap3A_77] {strides = array<i32>} : memref<128x128xf32, #tpu.memory_space<vmem>>, vector<1x16xf32>,
      %swap3A_79 = vector.shape_cast %swap3A_78 : vector<1x16xf32> to vector<16xf32>
      %swap3A_80 = vector.shape_cast %broadcast_in_dim3A_75 : vector<16xf32> to vector<1x16xf32>
      tpu.vector_store %arg9[%swap3A_76, %swap3A_77], %swap3A_80 {strides = array<i32>} : memref<128x128xf32, #tpu.memory_space<vmem>>, vector<1x16xf32>,
      %broadcast_in_dim3A_81 = arith.constant 0.000000e+00 : f32
      %broadcast_in_dim3A_82 = vector.broadcast %broadcast_in_dim3A_81 : f32 to vector<16xf32>
      %swap3A_83 = arith.index_cast %scan3A_39 : i32 to index
      %swap3A_84 = arith.constant 96 : index
      %swap3A_85 = tpu.vector_load %arg9[%swap3A_83, %swap3A_84] {strides = array<i32>} : memref<128x128xf32, #tpu.memory_space<vmem>>, vector<1x16xf32>,
      %swap3A_86 = vector.shape_cast %swap3A_85 : vector<1x16xf32> to vector<16xf32>
      %swap3A_87 = vector.shape_cast %broadcast_in_dim3A_82 : vector<16xf32> to vector<1x16xf32>
      tpu.vector_store %arg9[%swap3A_83, %swap3A_84], %swap3A_87 {strides = array<i32>} : memref<128x128xf32, #tpu.memory_space<vmem>>, vector<1x16xf32>,
      %broadcast_in_dim3A_88 = arith.constant 0.000000e+00 : f32
      %broadcast_in_dim3A_89 = vector.broadcast %broadcast_in_dim3A_88 : f32 to vector<16xf32>
      %swap3A_90 = arith.index_cast %scan3A_39 : i32 to index
      %swap3A_91 = arith.constant 112 : index
      %swap3A_92 = tpu.vector_load %arg9[%swap3A_90, %swap3A_91] {strides = array<i32>} : memref<128x128xf32, #tpu.memory_space<vmem>>, vector<1x16xf32>,
      %swap3A_93 = vector.shape_cast %swap3A_92 : vector<1x16xf32> to vector<16xf32>
      %swap3A_94 = vector.shape_cast %broadcast_in_dim3A_89 : vector<16xf32> to vector<1x16xf32>
      tpu.vector_store %arg9[%swap3A_90, %swap3A_91], %swap3A_94 {strides = array<i32>} : memref<128x128xf32, #tpu.memory_space<vmem>>, vector<1x16xf32>,
      %scan3A_95 = arith.constant 0 : i32
      scf.yield %scan3A_95 : i32
    }
    %scan3A_6 = arith.constant 128 : i32
    %mul3A_7 = arith.constant 632 : i32
    %mul3A_8 = arith.muli %arg1, %mul3A_7 : i32
    %add3A_9 = arith.constant 0 : i32
    %add3A_10 = arith.addi %mul3A_8, %add3A_9 : i32
    "tpu.region"() ({
      %run_scoped3A = tpu.sem_alloc : memref<!tpu.dma_semaphore, #tpu.memory_space<semaphore_mem>>
      %dma_start3A = arith.constant 0 : i32
      %dma_start3A_39 = tpu.memref_slice %arg11[%add3A_10, %dma_start3A] : memref<10112x128xf32, #tpu.memory_space<vmem_shared>> -> memref<128x128xf32, #tpu.memory_space<vmem_shared>>
      %dma_start3A_40 = arith.constant 0 : i32
      %dma_start3A_41 = tpu.memref_slice %arg11[%add3A_10, %dma_start3A_40] : memref<10112x128xf32, #tpu.memory_space<vmem_shared>> -> memref<128x128xf32, #tpu.memory_space<vmem_shared>>
      tpu.enqueue_dma source(%arg9 : memref<128x128xf32, #tpu.memory_space<vmem>>) target(%dma_start3A_41 : memref<128x128xf32, #tpu.memory_space<vmem_shared>>) target_semaphore(%run_scoped3A : memref<!tpu.dma_semaphore, #tpu.memory_space<semaphore_mem>>)
      %dma_wait3A = arith.constant 0 : i32
      %dma_wait3A_42 = tpu.memref_slice %arg11[%add3A_10, %dma_wait3A] : memref<10112x128xf32, #tpu.memory_space<vmem_shared>> -> memref<128x128xf32, #tpu.memory_space<vmem_shared>>
      %dma_wait3A_43 = arith.constant 0 : i32
      %dma_wait3A_44 = tpu.memref_slice %arg11[%add3A_10, %dma_wait3A_43] : memref<10112x128xf32, #tpu.memory_space<vmem_shared>> -> memref<128x128xf32, #tpu.memory_space<vmem_shared>>
      tpu.wait_dma2 semaphore(%run_scoped3A : memref<!tpu.dma_semaphore, #tpu.memory_space<semaphore_mem>>) src(%arg9 : memref<128x128xf32, #tpu.memory_space<vmem>>) dst(%dma_wait3A_44 : memref<128x128xf32, #tpu.memory_space<vmem_shared>>)
      tpu.yield
    }) : () -> ()
    %mul3A_11 = arith.constant 632 : i32
    %mul3A_12 = arith.muli %arg1, %mul3A_11 : i32
    %add3A_13 = arith.constant 128 : i32
    %add3A_14 = arith.addi %mul3A_12, %add3A_13 : i32
    "tpu.region"() ({
      %run_scoped3A = tpu.sem_alloc : memref<!tpu.dma_semaphore, #tpu.memory_space<semaphore_mem>>
      %dma_start3A = arith.constant 0 : i32
      %dma_start3A_39 = tpu.memref_slice %arg11[%add3A_14, %dma_start3A] : memref<10112x128xf32, #tpu.memory_space<vmem_shared>> -> memref<128x128xf32, #tpu.memory_space<vmem_shared>>
      %dma_start3A_40 = arith.constant 0 : i32
      %dma_start3A_41 = tpu.memref_slice %arg11[%add3A_14, %dma_start3A_40] : memref<10112x128xf32, #tpu.memory_space<vmem_shared>> -> memref<128x128xf32, #tpu.memory_space<vmem_shared>>
      tpu.enqueue_dma source(%arg9 : memref<128x128xf32, #tpu.memory_space<vmem>>) target(%dma_start3A_41 : memref<128x128xf32, #tpu.memory_space<vmem_shared>>) target_semaphore(%run_scoped3A : memref<!tpu.dma_semaphore, #tpu.memory_space<semaphore_mem>>)
      %dma_wait3A = arith.constant 0 : i32
      %dma_wait3A_42 = tpu.memref_slice %arg11[%add3A_14, %dma_wait3A] : memref<10112x128xf32, #tpu.memory_space<vmem_shared>> -> memref<128x128xf32, #tpu.memory_space<vmem_shared>>
      %dma_wait3A_43 = arith.constant 0 : i32
      %dma_wait3A_44 = tpu.memref_slice %arg11[%add3A_14, %dma_wait3A_43] : memref<10112x128xf32, #tpu.memory_space<vmem_shared>> -> memref<128x128xf32, #tpu.memory_space<vmem_shared>>
      tpu.wait_dma2 semaphore(%run_scoped3A : memref<!tpu.dma_semaphore, #tpu.memory_space<semaphore_mem>>) src(%arg9 : memref<128x128xf32, #tpu.memory_space<vmem>>) dst(%dma_wait3A_44 : memref<128x128xf32, #tpu.memory_space<vmem_shared>>)
      tpu.yield
    }) : () -> ()
    %mul3A_15 = arith.constant 632 : i32
    %mul3A_16 = arith.muli %arg1, %mul3A_15 : i32
    %add3A_17 = arith.constant 256 : i32
    %add3A_18 = arith.addi %mul3A_16, %add3A_17 : i32
    "tpu.region"() ({
      %run_scoped3A = tpu.sem_alloc : memref<!tpu.dma_semaphore, #tpu.memory_space<semaphore_mem>>
      %dma_start3A = arith.constant 0 : i32
      %dma_start3A_39 = tpu.memref_slice %arg11[%add3A_18, %dma_start3A] : memref<10112x128xf32, #tpu.memory_space<vmem_shared>> -> memref<128x128xf32, #tpu.memory_space<vmem_shared>>
      %dma_start3A_40 = arith.constant 0 : i32
      %dma_start3A_41 = tpu.memref_slice %arg11[%add3A_18, %dma_start3A_40] : memref<10112x128xf32, #tpu.memory_space<vmem_shared>> -> memref<128x128xf32, #tpu.memory_space<vmem_shared>>
      tpu.enqueue_dma source(%arg9 : memref<128x128xf32, #tpu.memory_space<vmem>>) target(%dma_start3A_41 : memref<128x128xf32, #tpu.memory_space<vmem_shared>>) target_semaphore(%run_scoped3A : memref<!tpu.dma_semaphore, #tpu.memory_space<semaphore_mem>>)
      %dma_wait3A = arith.constant 0 : i32
      %dma_wait3A_42 = tpu.memref_slice %arg11[%add3A_18, %dma_wait3A] : memref<10112x128xf32, #tpu.memory_space<vmem_shared>> -> memref<128x128xf32, #tpu.memory_space<vmem_shared>>
      %dma_wait3A_43 = arith.constant 0 : i32
      %dma_wait3A_44 = tpu.memref_slice %arg11[%add3A_18, %dma_wait3A_43] : memref<10112x128xf32, #tpu.memory_space<vmem_shared>> -> memref<128x128xf32, #tpu.memory_space<vmem_shared>>
      tpu.wait_dma2 semaphore(%run_scoped3A : memref<!tpu.dma_semaphore, #tpu.memory_space<semaphore_mem>>) src(%arg9 : memref<128x128xf32, #tpu.memory_space<vmem>>) dst(%dma_wait3A_44 : memref<128x128xf32, #tpu.memory_space<vmem_shared>>)
      tpu.yield
    }) : () -> ()
    %mul3A_19 = arith.constant 632 : i32
    %mul3A_20 = arith.muli %arg1, %mul3A_19 : i32
    %add3A_21 = arith.constant 384 : i32
    %add3A_22 = arith.addi %mul3A_20, %add3A_21 : i32
    "tpu.region"() ({
      %run_scoped3A = tpu.sem_alloc : memref<!tpu.dma_semaphore, #tpu.memory_space<semaphore_mem>>
      %dma_start3A = arith.constant 0 : i32
      %dma_start3A_39 = tpu.memref_slice %arg11[%add3A_22, %dma_start3A] : memref<10112x128xf32, #tpu.memory_space<vmem_shared>> -> memref<128x128xf32, #tpu.memory_space<vmem_shared>>
      %dma_start3A_40 = arith.constant 0 : i32
      %dma_start3A_41 = tpu.memref_slice %arg11[%add3A_22, %dma_start3A_40] : memref<10112x128xf32, #tpu.memory_space<vmem_shared>> -> memref<128x128xf32, #tpu.memory_space<vmem_shared>>
      tpu.enqueue_dma source(%arg9 : memref<128x128xf32, #tpu.memory_space<vmem>>) target(%dma_start3A_41 : memref<128x128xf32, #tpu.memory_space<vmem_shared>>) target_semaphore(%run_scoped3A : memref<!tpu.dma_semaphore, #tpu.memory_space<semaphore_mem>>)
      %dma_wait3A = arith.constant 0 : i32
      %dma_wait3A_42 = tpu.memref_slice %arg11[%add3A_22, %dma_wait3A] : memref<10112x128xf32, #tpu.memory_space<vmem_shared>> -> memref<128x128xf32, #tpu.memory_space<vmem_shared>>
      %dma_wait3A_43 = arith.constant 0 : i32
      %dma_wait3A_44 = tpu.memref_slice %arg11[%add3A_22, %dma_wait3A_43] : memref<10112x128xf32, #tpu.memory_space<vmem_shared>> -> memref<128x128xf32, #tpu.memory_space<vmem_shared>>
      tpu.wait_dma2 semaphore(%run_scoped3A : memref<!tpu.dma_semaphore, #tpu.memory_space<semaphore_mem>>) src(%arg9 : memref<128x128xf32, #tpu.memory_space<vmem>>) dst(%dma_wait3A_44 : memref<128x128xf32, #tpu.memory_space<vmem_shared>>)
      tpu.yield
    }) : () -> ()
    %mul3A_23 = arith.constant 632 : i32
    %mul3A_24 = arith.muli %arg1, %mul3A_23 : i32
    %add3A_25 = arith.constant 512 : i32
    %add3A_26 = arith.addi %mul3A_24, %add3A_25 : i32
    "tpu.region"() ({
      %run_scoped3A = tpu.sem_alloc : memref<!tpu.dma_semaphore, #tpu.memory_space<semaphore_mem>>
      %dma_start3A = arith.constant 0 : i32
      %dma_start3A_39 = arith.constant 0 : i32
      %dma_start3A_40 = tpu.memref_slice %arg9[%dma_start3A, %dma_start3A_39] : memref<128x128xf32, #tpu.memory_space<vmem>> -> memref<120x128xf32, #tpu.memory_space<vmem>>
      %dma_start3A_41 = arith.constant 0 : i32
      %dma_start3A_42 = tpu.memref_slice %arg11[%add3A_26, %dma_start3A_41] : memref<10112x128xf32, #tpu.memory_space<vmem_shared>> -> memref<120x128xf32, #tpu.memory_space<vmem_shared>>
      %dma_start3A_43 = arith.constant 0 : i32
      %dma_start3A_44 = tpu.memref_slice %arg11[%add3A_26, %dma_start3A_43] : memref<10112x128xf32, #tpu.memory_space<vmem_shared>> -> memref<120x128xf32, #tpu.memory_space<vmem_shared>>
      %dma_start3A_45 = arith.constant 0 : i32
      %dma_start3A_46 = arith.constant 0 : i32
      %dma_start3A_47 = tpu.memref_slice %arg9[%dma_start3A_45, %dma_start3A_46] : memref<128x128xf32, #tpu.memory_space<vmem>> -> memref<120x128xf32, #tpu.memory_space<vmem>>
      tpu.enqueue_dma source(%dma_start3A_47 : memref<120x128xf32, #tpu.memory_space<vmem>>) target(%dma_start3A_44 : memref<120x128xf32, #tpu.memory_space<vmem_shared>>) target_semaphore(%run_scoped3A : memref<!tpu.dma_semaphore, #tpu.memory_space<semaphore_mem>>)
      %dma_wait3A = arith.constant 0 : i32
      %dma_wait3A_48 = arith.constant 0 : i32
      %dma_wait3A_49 = tpu.memref_slice %arg9[%dma_wait3A, %dma_wait3A_48] : memref<128x128xf32, #tpu.memory_space<vmem>> -> memref<120x128xf32, #tpu.memory_space<vmem>>
      %dma_wait3A_50 = arith.constant 0 : i32
      %dma_wait3A_51 = tpu.memref_slice %arg11[%add3A_26, %dma_wait3A_50] : memref<10112x128xf32, #tpu.memory_space<vmem_shared>> -> memref<120x128xf32, #tpu.memory_space<vmem_shared>>
      %dma_wait3A_52 = arith.constant 0 : i32
      %dma_wait3A_53 = tpu.memref_slice %arg11[%add3A_26, %dma_wait3A_52] : memref<10112x128xf32, #tpu.memory_space<vmem_shared>> -> memref<120x128xf32, #tpu.memory_space<vmem_shared>>
      %dma_wait3A_54 = arith.constant 0 : i32
      %dma_wait3A_55 = arith.constant 0 : i32
      %dma_wait3A_56 = tpu.memref_slice %arg9[%dma_wait3A_54, %dma_wait3A_55] : memref<128x128xf32, #tpu.memory_space<vmem>> -> memref<120x128xf32, #tpu.memory_space<vmem>>
      tpu.wait_dma2 semaphore(%run_scoped3A : memref<!tpu.dma_semaphore, #tpu.memory_space<semaphore_mem>>) src(%dma_wait3A_56 : memref<120x128xf32, #tpu.memory_space<vmem>>) dst(%dma_wait3A_53 : memref<120x128xf32, #tpu.memory_space<vmem_shared>>)
      tpu.yield
    }) : () -> ()
    %barrier3A = arith.constant 0 : index
    tpu.barrier barrier_id(%barrier3A)
    %scan3A_27 = arith.constant 0 : i32
    %scan3A_28 = arith.constant 0 : i32
    %scan3A_29 = arith.constant 2 : i32
    %scan3A_30 = arith.addi %scan3A_28, %scan3A_29 : i32
    %scan3A_31 = arith.constant 1 : i32
    %scan3A_32 = scf.for %scan3A_39 = %scan3A_28 to %scan3A_30 step %scan3A_31 iter_args(%scan3A_40 = %scan3A_27) -> (i32)  : i32 {
      %mul3A_41 = arith.constant 40 : i32
      %mul3A_42 = arith.muli %scan3A_39, %mul3A_41 : i32
      "tpu.region"() ({
        %run_scoped3A = tpu.sem_alloc : memref<!tpu.dma_semaphore, #tpu.memory_space<semaphore_mem>>
        %dma_start3A = arith.constant 0 : i32
        %dma_start3A_53 = tpu.memref_slice %arg4[%add3A, %mul3A_42, %dma_start3A] : memref<32x80x128xi32, #tpu.memory_space<hbm>> -> memref<1x40x128xi32, #tpu.memory_space<hbm>>
        %dma_start3A_54 = tpu.memref_squeeze %dma_start3A_53 : memref<1x40x128xi32, #tpu.memory_space<hbm>> -> memref<40x128xi32, #tpu.memory_space<hbm>>
        %dma_start3A_55 = arith.constant 0 : i32
        %dma_start3A_56 = tpu.memref_slice %arg4[%add3A, %mul3A_42, %dma_start3A_55] : memref<32x80x128xi32, #tpu.memory_space<hbm>> -> memref<1x40x128xi32, #tpu.memory_space<hbm>>
        %dma_start3A_57 = tpu.memref_squeeze %dma_start3A_56 : memref<1x40x128xi32, #tpu.memory_space<hbm>> -> memref<40x128xi32, #tpu.memory_space<hbm>>
        tpu.enqueue_dma source(%dma_start3A_57 : memref<40x128xi32, #tpu.memory_space<hbm>>) target(%arg7 : memref<40x128xi32, #tpu.memory_space<vmem>>) target_semaphore(%run_scoped3A : memref<!tpu.dma_semaphore, #tpu.memory_space<semaphore_mem>>)
        %dma_wait3A = arith.constant 0 : i32
        %dma_wait3A_58 = tpu.memref_slice %arg4[%add3A, %mul3A_42, %dma_wait3A] : memref<32x80x128xi32, #tpu.memory_space<hbm>> -> memref<1x40x128xi32, #tpu.memory_space<hbm>>
        %dma_wait3A_59 = tpu.memref_squeeze %dma_wait3A_58 : memref<1x40x128xi32, #tpu.memory_space<hbm>> -> memref<40x128xi32, #tpu.memory_space<hbm>>
        %dma_wait3A_60 = arith.constant 0 : i32
        %dma_wait3A_61 = tpu.memref_slice %arg4[%add3A, %mul3A_42, %dma_wait3A_60] : memref<32x80x128xi32, #tpu.memory_space<hbm>> -> memref<1x40x128xi32, #tpu.memory_space<hbm>>
        %dma_wait3A_62 = tpu.memref_squeeze %dma_wait3A_61 : memref<1x40x128xi32, #tpu.memory_space<hbm>> -> memref<40x128xi32, #tpu.memory_space<hbm>>
        tpu.wait_dma2 semaphore(%run_scoped3A : memref<!tpu.dma_semaphore, #tpu.memory_space<semaphore_mem>>) src(%dma_wait3A_62 : memref<40x128xi32, #tpu.memory_space<hbm>>) dst(%arg7 : memref<40x128xi32, #tpu.memory_space<vmem>>)
        tpu.yield
      }) : () -> ()
      %mul3A_43 = arith.constant 40 : i32
      %mul3A_44 = arith.muli %scan3A_39, %mul3A_43 : i32
      "tpu.region"() ({
        %run_scoped3A = tpu.sem_alloc : memref<!tpu.dma_semaphore, #tpu.memory_space<semaphore_mem>>
        %dma_start3A = arith.constant 0 : i32
        %dma_start3A_53 = tpu.memref_slice %arg5[%add3A, %mul3A_44, %dma_start3A] : memref<32x80x128xi32, #tpu.memory_space<hbm>> -> memref<1x40x128xi32, #tpu.memory_space<hbm>>
        %dma_start3A_54 = tpu.memref_squeeze %dma_start3A_53 : memref<1x40x128xi32, #tpu.memory_space<hbm>> -> memref<40x128xi32, #tpu.memory_space<hbm>>
        %dma_start3A_55 = arith.constant 0 : i32
        %dma_start3A_56 = tpu.memref_slice %arg5[%add3A, %mul3A_44, %dma_start3A_55] : memref<32x80x128xi32, #tpu.memory_space<hbm>> -> memref<1x40x128xi32, #tpu.memory_space<hbm>>
        %dma_start3A_57 = tpu.memref_squeeze %dma_start3A_56 : memref<1x40x128xi32, #tpu.memory_space<hbm>> -> memref<40x128xi32, #tpu.memory_space<hbm>>
        tpu.enqueue_dma source(%dma_start3A_57 : memref<40x128xi32, #tpu.memory_space<hbm>>) target(%arg8 : memref<40x128xi32, #tpu.memory_space<vmem>>) target_semaphore(%run_scoped3A : memref<!tpu.dma_semaphore, #tpu.memory_space<semaphore_mem>>)
        %dma_wait3A = arith.constant 0 : i32
        %dma_wait3A_58 = tpu.memref_slice %arg5[%add3A, %mul3A_44, %dma_wait3A] : memref<32x80x128xi32, #tpu.memory_space<hbm>> -> memref<1x40x128xi32, #tpu.memory_space<hbm>>
        %dma_wait3A_59 = tpu.memref_squeeze %dma_wait3A_58 : memref<1x40x128xi32, #tpu.memory_space<hbm>> -> memref<40x128xi32, #tpu.memory_space<hbm>>
        %dma_wait3A_60 = arith.constant 0 : i32
        %dma_wait3A_61 = tpu.memref_slice %arg5[%add3A, %mul3A_44, %dma_wait3A_60] : memref<32x80x128xi32, #tpu.memory_space<hbm>> -> memref<1x40x128xi32, #tpu.memory_space<hbm>>
        %dma_wait3A_62 = tpu.memref_squeeze %dma_wait3A_61 : memref<1x40x128xi32, #tpu.memory_space<hbm>> -> memref<40x128xi32, #tpu.memory_space<hbm>>
        tpu.wait_dma2 semaphore(%run_scoped3A : memref<!tpu.dma_semaphore, #tpu.memory_space<semaphore_mem>>) src(%dma_wait3A_62 : memref<40x128xi32, #tpu.memory_space<hbm>>) dst(%arg8 : memref<40x128xi32, #tpu.memory_space<vmem>>)
        tpu.yield
      }) : () -> ()
      %scan3A_45 = arith.constant 0 : i32
      %scan3A_46 = arith.constant 0 : i32
      %scan3A_47 = arith.constant 40 : i32
      %scan3A_48 = arith.addi %scan3A_46, %scan3A_47 : i32
      %scan3A_49 = arith.constant 1 : i32
      %scan3A_50 = scf.for %scan3A_53 = %scan3A_46 to %scan3A_48 step %scan3A_49 iter_args(%scan3A_54 = %scan3A_45) -> (i32)  : i32 {
        %dma_start3A = arith.constant 0 : i32
        %dma_start3A_55 = tpu.memref_slice %arg7[%scan3A_53, %dma_start3A] : memref<40x128xi32, #tpu.memory_space<vmem>> -> memref<1x128xi32, #tpu.memory_space<vmem>>
        %dma_start3A_56 = tpu.memref_squeeze %dma_start3A_55 : memref<1x128xi32, #tpu.memory_space<vmem>> -> memref<128xi32, #tpu.memory_space<vmem>>
        %dma_start3A_57 = arith.constant 0 : i32
        %dma_start3A_58 = arith.constant 0 : i32
        %dma_start3A_59 = tpu.memref_slice %arg2[%dma_start3A_57, %dma_start3A_58] : memref<10000x128xf32, #tpu.memory_space<hbm>> -> memref<10000x128xf32, #tpu.memory_space<hbm>>
        tpu.enqueue_indirect_dma source(%dma_start3A_59 : memref<10000x128xf32, #tpu.memory_space<hbm>>) target(%arg9 : memref<128x128xf32, #tpu.memory_space<vmem>>) offsets(%dma_start3A_56 : memref<128xi32, #tpu.memory_space<vmem>>) semaphore(%arg12 : memref<!tpu.dma_semaphore, #tpu.memory_space<semaphore_mem>>)
        %mul3A_60 = arith.constant 10240 : i32
        %mul3A_61 = arith.muli %add3A, %mul3A_60 : i32
        %mul3A_62 = arith.constant 40 : i32
        %mul3A_63 = arith.muli %scan3A_39, %mul3A_62 : i32
        %add3A_64 = arith.addi %mul3A_63, %scan3A_53 : i32
        %mul3A_65 = arith.constant 128 : i32
        %mul3A_66 = arith.muli %add3A_64, %mul3A_65 : i32
        %add3A_67 = arith.addi %mul3A_61, %mul3A_66 : i32
        "tpu.region"() ({
          %run_scoped3A = tpu.sem_alloc : memref<!tpu.dma_semaphore, #tpu.memory_space<semaphore_mem>>
          %dma_start3A_81 = arith.constant 0 : i32
          %dma_start3A_82 = tpu.memref_slice %arg3[%add3A_67, %dma_start3A_81] : memref<327680x128xf32, #tpu.memory_space<hbm>> -> memref<128x128xf32, #tpu.memory_space<hbm>>
          %dma_start3A_83 = arith.constant 0 : i32
          %dma_start3A_84 = tpu.memref_slice %arg3[%add3A_67, %dma_start3A_83] : memref<327680x128xf32, #tpu.memory_space<hbm>> -> memref<128x128xf32, #tpu.memory_space<hbm>>
          tpu.enqueue_dma source(%dma_start3A_84 : memref<128x128xf32, #tpu.memory_space<hbm>>) target(%arg10 : memref<128x128xf32, #tpu.memory_space<vmem>>) target_semaphore(%run_scoped3A : memref<!tpu.dma_semaphore, #tpu.memory_space<semaphore_mem>>)
          %dma_wait3A_85 = arith.constant 0 : i32
          %dma_wait3A_86 = tpu.memref_slice %arg3[%add3A_67, %dma_wait3A_85] : memref<327680x128xf32, #tpu.memory_space<hbm>> -> memref<128x128xf32, #tpu.memory_space<hbm>>
          %dma_wait3A_87 = arith.constant 0 : i32
          %dma_wait3A_88 = tpu.memref_slice %arg3[%add3A_67, %dma_wait3A_87] : memref<327680x128xf32, #tpu.memory_space<hbm>> -> memref<128x128xf32, #tpu.memory_space<hbm>>
          tpu.wait_dma2 semaphore(%run_scoped3A : memref<!tpu.dma_semaphore, #tpu.memory_space<semaphore_mem>>) src(%dma_wait3A_88 : memref<128x128xf32, #tpu.memory_space<hbm>>) dst(%arg10 : memref<128x128xf32, #tpu.memory_space<vmem>>)
          tpu.yield
        }) : () -> ()
        %dma_wait3A = arith.constant 0 : i32
        %dma_wait3A_68 = arith.constant 0 : i32
        %dma_wait3A_69 = tpu.memref_slice %arg2[%dma_wait3A, %dma_wait3A_68] : memref<10000x128xf32, #tpu.memory_space<hbm>> -> memref<128x128xf32, #tpu.memory_space<hbm>>
        %dma_wait3A_70 = arith.constant 0 : i32
        %dma_wait3A_71 = arith.constant 0 : i32
        %dma_wait3A_72 = tpu.memref_slice %arg2[%dma_wait3A_70, %dma_wait3A_71] : memref<10000x128xf32, #tpu.memory_space<hbm>> -> memref<128x128xf32, #tpu.memory_space<hbm>>
        tpu.wait_dma2 semaphore(%arg12 : memref<!tpu.dma_semaphore, #tpu.memory_space<semaphore_mem>>) src(%dma_wait3A_72 : memref<128x128xf32, #tpu.memory_space<hbm>>) dst(%arg9 : memref<128x128xf32, #tpu.memory_space<vmem>>)
        %scan3A_73 = arith.constant 0 : i32
        %scan3A_74 = arith.constant 0 : i32
        %scan3A_75 = arith.constant 32 : i32
        %scan3A_76 = arith.addi %scan3A_74, %scan3A_75 : i32
        %scan3A_77 = arith.constant 1 : i32
        %scan3A_78 = scf.for %scan3A_81 = %scan3A_74 to %scan3A_76 step %scan3A_77 iter_args(%scan3A_82 = %scan3A_73) -> (i32)  : i32 {
          %mul3A_83 = arith.constant 4 : i32
          %mul3A_84 = arith.muli %scan3A_81, %mul3A_83 : i32
          %add3A_85 = arith.constant 0 : i32
          %add3A_86 = arith.addi %mul3A_84, %add3A_85 : i32
          %get3A = arith.index_cast %add3A_86 : i32 to index
          %get3A_87 = arith.constant 0 : index
          %get3A_88 = tpu.vector_load %arg9[%get3A, %get3A_87] {strides = array<i32>} : memref<128x128xf32, #tpu.memory_space<vmem>>, vector<1x16xf32>,
          %get3A_89 = vector.shape_cast %get3A_88 : vector<1x16xf32> to vector<16xf32>
          %get3A_90 = arith.index_cast %add3A_86 : i32 to index
          %get3A_91 = arith.constant 0 : index
          %get3A_92 = tpu.vector_load %arg10[%get3A_90, %get3A_91] {strides = array<i32>} : memref<128x128xf32, #tpu.memory_space<vmem>>, vector<1x16xf32>,
          %get3A_93 = vector.shape_cast %get3A_92 : vector<1x16xf32> to vector<16xf32>
          %add3A_94 = arith.addf %get3A_89, %get3A_93 : vector<16xf32>
          %max3A = arith.constant 0.000000e+00 : f32
          %max3A_95 = vector.broadcast %max3A : f32 to vector<16xf32>
          %max3A_96 = arith.maximumf %add3A_94, %max3A_95 : vector<16xf32>
          %swap3A = arith.index_cast %add3A_86 : i32 to index
          %swap3A_97 = arith.constant 0 : index
          %swap3A_98 = tpu.vector_load %arg10[%swap3A, %swap3A_97] {strides = array<i32>} : memref<128x128xf32, #tpu.memory_space<vmem>>, vector<1x16xf32>,
          %swap3A_99 = vector.shape_cast %swap3A_98 : vector<1x16xf32> to vector<16xf32>
          %swap3A_100 = vector.shape_cast %max3A_96 : vector<16xf32> to vector<1x16xf32>
          tpu.vector_store %arg10[%swap3A, %swap3A_97], %swap3A_100 {strides = array<i32>} : memref<128x128xf32, #tpu.memory_space<vmem>>, vector<1x16xf32>,
          %get3A_101 = arith.index_cast %add3A_86 : i32 to index
          %get3A_102 = arith.constant 16 : index
          %get3A_103 = tpu.vector_load %arg9[%get3A_101, %get3A_102] {strides = array<i32>} : memref<128x128xf32, #tpu.memory_space<vmem>>, vector<1x16xf32>,
          %get3A_104 = vector.shape_cast %get3A_103 : vector<1x16xf32> to vector<16xf32>
          %get3A_105 = arith.index_cast %add3A_86 : i32 to index
          %get3A_106 = arith.constant 16 : index
          %get3A_107 = tpu.vector_load %arg10[%get3A_105, %get3A_106] {strides = array<i32>} : memref<128x128xf32, #tpu.memory_space<vmem>>, vector<1x16xf32>,
          %get3A_108 = vector.shape_cast %get3A_107 : vector<1x16xf32> to vector<16xf32>
          %add3A_109 = arith.addf %get3A_104, %get3A_108 : vector<16xf32>
          %max3A_110 = arith.constant 0.000000e+00 : f32
          %max3A_111 = vector.broadcast %max3A_110 : f32 to vector<16xf32>
          %max3A_112 = arith.maximumf %add3A_109, %max3A_111 : vector<16xf32>
          %swap3A_113 = arith.index_cast %add3A_86 : i32 to index
          %swap3A_114 = arith.constant 16 : index
          %swap3A_115 = tpu.vector_load %arg10[%swap3A_113, %swap3A_114] {strides = array<i32>} : memref<128x128xf32, #tpu.memory_space<vmem>>, vector<1x16xf32>,
          %swap3A_116 = vector.shape_cast %swap3A_115 : vector<1x16xf32> to vector<16xf32>
          %swap3A_117 = vector.shape_cast %max3A_112 : vector<16xf32> to vector<1x16xf32>
          tpu.vector_store %arg10[%swap3A_113, %swap3A_114], %swap3A_117 {strides = array<i32>} : memref<128x128xf32, #tpu.memory_space<vmem>>, vector<1x16xf32>,
          %get3A_118 = arith.index_cast %add3A_86 : i32 to index
          %get3A_119 = arith.constant 32 : index
          %get3A_120 = tpu.vector_load %arg9[%get3A_118, %get3A_119] {strides = array<i32>} : memref<128x128xf32, #tpu.memory_space<vmem>>, vector<1x16xf32>,
          %get3A_121 = vector.shape_cast %get3A_120 : vector<1x16xf32> to vector<16xf32>
          %get3A_122 = arith.index_cast %add3A_86 : i32 to index
          %get3A_123 = arith.constant 32 : index
          %get3A_124 = tpu.vector_load %arg10[%get3A_122, %get3A_123] {strides = array<i32>} : memref<128x128xf32, #tpu.memory_space<vmem>>, vector<1x16xf32>,
          %get3A_125 = vector.shape_cast %get3A_124 : vector<1x16xf32> to vector<16xf32>
          %add3A_126 = arith.addf %get3A_121, %get3A_125 : vector<16xf32>
          %max3A_127 = arith.constant 0.000000e+00 : f32
          %max3A_128 = vector.broadcast %max3A_127 : f32 to vector<16xf32>
          %max3A_129 = arith.maximumf %add3A_126, %max3A_128 : vector<16xf32>
          %swap3A_130 = arith.index_cast %add3A_86 : i32 to index
          %swap3A_131 = arith.constant 32 : index
          %swap3A_132 = tpu.vector_load %arg10[%swap3A_130, %swap3A_131] {strides = array<i32>} : memref<128x128xf32, #tpu.memory_space<vmem>>, vector<1x16xf32>,
          %swap3A_133 = vector.shape_cast %swap3A_132 : vector<1x16xf32> to vector<16xf32>
          %swap3A_134 = vector.shape_cast %max3A_129 : vector<16xf32> to vector<1x16xf32>
          tpu.vector_store %arg10[%swap3A_130, %swap3A_131], %swap3A_134 {strides = array<i32>} : memref<128x128xf32, #tpu.memory_space<vmem>>, vector<1x16xf32>,
          %get3A_135 = arith.index_cast %add3A_86 : i32 to index
          %get3A_136 = arith.constant 48 : index
          %get3A_137 = tpu.vector_load %arg9[%get3A_135, %get3A_136] {strides = array<i32>} : memref<128x128xf32, #tpu.memory_space<vmem>>, vector<1x16xf32>,
          %get3A_138 = vector.shape_cast %get3A_137 : vector<1x16xf32> to vector<16xf32>
          %get3A_139 = arith.index_cast %add3A_86 : i32 to index
          %get3A_140 = arith.constant 48 : index
          %get3A_141 = tpu.vector_load %arg10[%get3A_139, %get3A_140] {strides = array<i32>} : memref<128x128xf32, #tpu.memory_space<vmem>>, vector<1x16xf32>,
          %get3A_142 = vector.shape_cast %get3A_141 : vector<1x16xf32> to vector<16xf32>
          %add3A_143 = arith.addf %get3A_138, %get3A_142 : vector<16xf32>
          %max3A_144 = arith.constant 0.000000e+00 : f32
          %max3A_145 = vector.broadcast %max3A_144 : f32 to vector<16xf32>
          %max3A_146 = arith.maximumf %add3A_143, %max3A_145 : vector<16xf32>
          %swap3A_147 = arith.index_cast %add3A_86 : i32 to index
          %swap3A_148 = arith.constant 48 : index
          %swap3A_149 = tpu.vector_load %arg10[%swap3A_147, %swap3A_148] {strides = array<i32>} : memref<128x128xf32, #tpu.memory_space<vmem>>, vector<1x16xf32>,
          %swap3A_150 = vector.shape_cast %swap3A_149 : vector<1x16xf32> to vector<16xf32>
          %swap3A_151 = vector.shape_cast %max3A_146 : vector<16xf32> to vector<1x16xf32>
          tpu.vector_store %arg10[%swap3A_147, %swap3A_148], %swap3A_151 {strides = array<i32>} : memref<128x128xf32, #tpu.memory_space<vmem>>, vector<1x16xf32>,
          %get3A_152 = arith.index_cast %add3A_86 : i32 to index
          %get3A_153 = arith.constant 64 : index
          %get3A_154 = tpu.vector_load %arg9[%get3A_152, %get3A_153] {strides = array<i32>} : memref<128x128xf32, #tpu.memory_space<vmem>>, vector<1x16xf32>,
          %get3A_155 = vector.shape_cast %get3A_154 : vector<1x16xf32> to vector<16xf32>
          %get3A_156 = arith.index_cast %add3A_86 : i32 to index
          %get3A_157 = arith.constant 64 : index
          %get3A_158 = tpu.vector_load %arg10[%get3A_156, %get3A_157] {strides = array<i32>} : memref<128x128xf32, #tpu.memory_space<vmem>>, vector<1x16xf32>,
          %get3A_159 = vector.shape_cast %get3A_158 : vector<1x16xf32> to vector<16xf32>
          %add3A_160 = arith.addf %get3A_155, %get3A_159 : vector<16xf32>
          %max3A_161 = arith.constant 0.000000e+00 : f32
          %max3A_162 = vector.broadcast %max3A_161 : f32 to vector<16xf32>
          %max3A_163 = arith.maximumf %add3A_160, %max3A_162 : vector<16xf32>
          %swap3A_164 = arith.index_cast %add3A_86 : i32 to index
          %swap3A_165 = arith.constant 64 : index
          %swap3A_166 = tpu.vector_load %arg10[%swap3A_164, %swap3A_165] {strides = array<i32>} : memref<128x128xf32, #tpu.memory_space<vmem>>, vector<1x16xf32>,
          %swap3A_167 = vector.shape_cast %swap3A_166 : vector<1x16xf32> to vector<16xf32>
          %swap3A_168 = vector.shape_cast %max3A_163 : vector<16xf32> to vector<1x16xf32>
          tpu.vector_store %arg10[%swap3A_164, %swap3A_165], %swap3A_168 {strides = array<i32>} : memref<128x128xf32, #tpu.memory_space<vmem>>, vector<1x16xf32>,
          %get3A_169 = arith.index_cast %add3A_86 : i32 to index
          %get3A_170 = arith.constant 80 : index
          %get3A_171 = tpu.vector_load %arg9[%get3A_169, %get3A_170] {strides = array<i32>} : memref<128x128xf32, #tpu.memory_space<vmem>>, vector<1x16xf32>,
          %get3A_172 = vector.shape_cast %get3A_171 : vector<1x16xf32> to vector<16xf32>
          %get3A_173 = arith.index_cast %add3A_86 : i32 to index
          %get3A_174 = arith.constant 80 : index
          %get3A_175 = tpu.vector_load %arg10[%get3A_173, %get3A_174] {strides = array<i32>} : memref<128x128xf32, #tpu.memory_space<vmem>>, vector<1x16xf32>,
          %get3A_176 = vector.shape_cast %get3A_175 : vector<1x16xf32> to vector<16xf32>
          %add3A_177 = arith.addf %get3A_172, %get3A_176 : vector<16xf32>
          %max3A_178 = arith.constant 0.000000e+00 : f32
          %max3A_179 = vector.broadcast %max3A_178 : f32 to vector<16xf32>
          %max3A_180 = arith.maximumf %add3A_177, %max3A_179 : vector<16xf32>
          %swap3A_181 = arith.index_cast %add3A_86 : i32 to index
          %swap3A_182 = arith.constant 80 : index
          %swap3A_183 = tpu.vector_load %arg10[%swap3A_181, %swap3A_182] {strides = array<i32>} : memref<128x128xf32, #tpu.memory_space<vmem>>, vector<1x16xf32>,
          %swap3A_184 = vector.shape_cast %swap3A_183 : vector<1x16xf32> to vector<16xf32>
          %swap3A_185 = vector.shape_cast %max3A_180 : vector<16xf32> to vector<1x16xf32>
          tpu.vector_store %arg10[%swap3A_181, %swap3A_182], %swap3A_185 {strides = array<i32>} : memref<128x128xf32, #tpu.memory_space<vmem>>, vector<1x16xf32>,
          %get3A_186 = arith.index_cast %add3A_86 : i32 to index
          %get3A_187 = arith.constant 96 : index
          %get3A_188 = tpu.vector_load %arg9[%get3A_186, %get3A_187] {strides = array<i32>} : memref<128x128xf32, #tpu.memory_space<vmem>>, vector<1x16xf32>,
          %get3A_189 = vector.shape_cast %get3A_188 : vector<1x16xf32> to vector<16xf32>
          %get3A_190 = arith.index_cast %add3A_86 : i32 to index
          %get3A_191 = arith.constant 96 : index
          %get3A_192 = tpu.vector_load %arg10[%get3A_190, %get3A_191] {strides = array<i32>} : memref<128x128xf32, #tpu.memory_space<vmem>>, vector<1x16xf32>,
          %get3A_193 = vector.shape_cast %get3A_192 : vector<1x16xf32> to vector<16xf32>
          %add3A_194 = arith.addf %get3A_189, %get3A_193 : vector<16xf32>
          %max3A_195 = arith.constant 0.000000e+00 : f32
          %max3A_196 = vector.broadcast %max3A_195 : f32 to vector<16xf32>
          %max3A_197 = arith.maximumf %add3A_194, %max3A_196 : vector<16xf32>
          %swap3A_198 = arith.index_cast %add3A_86 : i32 to index
          %swap3A_199 = arith.constant 96 : index
          %swap3A_200 = tpu.vector_load %arg10[%swap3A_198, %swap3A_199] {strides = array<i32>} : memref<128x128xf32, #tpu.memory_space<vmem>>, vector<1x16xf32>,
          %swap3A_201 = vector.shape_cast %swap3A_200 : vector<1x16xf32> to vector<16xf32>
          %swap3A_202 = vector.shape_cast %max3A_197 : vector<16xf32> to vector<1x16xf32>
          tpu.vector_store %arg10[%swap3A_198, %swap3A_199], %swap3A_202 {strides = array<i32>} : memref<128x128xf32, #tpu.memory_space<vmem>>, vector<1x16xf32>,
          %get3A_203 = arith.index_cast %add3A_86 : i32 to index
          %get3A_204 = arith.constant 112 : index
          %get3A_205 = tpu.vector_load %arg9[%get3A_203, %get3A_204] {strides = array<i32>} : memref<128x128xf32, #tpu.memory_space<vmem>>, vector<1x16xf32>,
          %get3A_206 = vector.shape_cast %get3A_205 : vector<1x16xf32> to vector<16xf32>
          %get3A_207 = arith.index_cast %add3A_86 : i32 to index
          %get3A_208 = arith.constant 112 : index
          %get3A_209 = tpu.vector_load %arg10[%get3A_207, %get3A_208] {strides = array<i32>} : memref<128x128xf32, #tpu.memory_space<vmem>>, vector<1x16xf32>,
          %get3A_210 = vector.shape_cast %get3A_209 : vector<1x16xf32> to vector<16xf32>
          %add3A_211 = arith.addf %get3A_206, %get3A_210 : vector<16xf32>
          %max3A_212 = arith.constant 0.000000e+00 : f32
          %max3A_213 = vector.broadcast %max3A_212 : f32 to vector<16xf32>
          %max3A_214 = arith.maximumf %add3A_211, %max3A_213 : vector<16xf32>
          %swap3A_215 = arith.index_cast %add3A_86 : i32 to index
          %swap3A_216 = arith.constant 112 : index
          %swap3A_217 = tpu.vector_load %arg10[%swap3A_215, %swap3A_216] {strides = array<i32>} : memref<128x128xf32, #tpu.memory_space<vmem>>, vector<1x16xf32>,
          %swap3A_218 = vector.shape_cast %swap3A_217 : vector<1x16xf32> to vector<16xf32>
          %swap3A_219 = vector.shape_cast %max3A_214 : vector<16xf32> to vector<1x16xf32>
          tpu.vector_store %arg10[%swap3A_215, %swap3A_216], %swap3A_219 {strides = array<i32>} : memref<128x128xf32, #tpu.memory_space<vmem>>, vector<1x16xf32>,
          %mul3A_220 = arith.constant 4 : i32
          %mul3A_221 = arith.muli %scan3A_81, %mul3A_220 : i32
          %add3A_222 = arith.constant 1 : i32
          %add3A_223 = arith.addi %mul3A_221, %add3A_222 : i32
          %get3A_224 = arith.index_cast %add3A_223 : i32 to index
          %get3A_225 = arith.constant 0 : index
          %get3A_226 = tpu.vector_load %arg9[%get3A_224, %get3A_225] {strides = array<i32>} : memref<128x128xf32, #tpu.memory_space<vmem>>, vector<1x16xf32>,
          %get3A_227 = vector.shape_cast %get3A_226 : vector<1x16xf32> to vector<16xf32>
          %get3A_228 = arith.index_cast %add3A_223 : i32 to index
          %get3A_229 = arith.constant 0 : index
          %get3A_230 = tpu.vector_load %arg10[%get3A_228, %get3A_229] {strides = array<i32>} : memref<128x128xf32, #tpu.memory_space<vmem>>, vector<1x16xf32>,
          %get3A_231 = vector.shape_cast %get3A_230 : vector<1x16xf32> to vector<16xf32>
          %add3A_232 = arith.addf %get3A_227, %get3A_231 : vector<16xf32>
          %max3A_233 = arith.constant 0.000000e+00 : f32
          %max3A_234 = vector.broadcast %max3A_233 : f32 to vector<16xf32>
          %max3A_235 = arith.maximumf %add3A_232, %max3A_234 : vector<16xf32>
          %swap3A_236 = arith.index_cast %add3A_223 : i32 to index
          %swap3A_237 = arith.constant 0 : index
          %swap3A_238 = tpu.vector_load %arg10[%swap3A_236, %swap3A_237] {strides = array<i32>} : memref<128x128xf32, #tpu.memory_space<vmem>>, vector<1x16xf32>,
          %swap3A_239 = vector.shape_cast %swap3A_238 : vector<1x16xf32> to vector<16xf32>
          %swap3A_240 = vector.shape_cast %max3A_235 : vector<16xf32> to vector<1x16xf32>
          tpu.vector_store %arg10[%swap3A_236, %swap3A_237], %swap3A_240 {strides = array<i32>} : memref<128x128xf32, #tpu.memory_space<vmem>>, vector<1x16xf32>,
          %get3A_241 = arith.index_cast %add3A_223 : i32 to index
          %get3A_242 = arith.constant 16 : index
          %get3A_243 = tpu.vector_load %arg9[%get3A_241, %get3A_242] {strides = array<i32>} : memref<128x128xf32, #tpu.memory_space<vmem>>, vector<1x16xf32>,
          %get3A_244 = vector.shape_cast %get3A_243 : vector<1x16xf32> to vector<16xf32>
          %get3A_245 = arith.index_cast %add3A_223 : i32 to index
          %get3A_246 = arith.constant 16 : index
          %get3A_247 = tpu.vector_load %arg10[%get3A_245, %get3A_246] {strides = array<i32>} : memref<128x128xf32, #tpu.memory_space<vmem>>, vector<1x16xf32>,
          %get3A_248 = vector.shape_cast %get3A_247 : vector<1x16xf32> to vector<16xf32>
          %add3A_249 = arith.addf %get3A_244, %get3A_248 : vector<16xf32>
          %max3A_250 = arith.constant 0.000000e+00 : f32
          %max3A_251 = vector.broadcast %max3A_250 : f32 to vector<16xf32>
          %max3A_252 = arith.maximumf %add3A_249, %max3A_251 : vector<16xf32>
          %swap3A_253 = arith.index_cast %add3A_223 : i32 to index
          %swap3A_254 = arith.constant 16 : index
          %swap3A_255 = tpu.vector_load %arg10[%swap3A_253, %swap3A_254] {strides = array<i32>} : memref<128x128xf32, #tpu.memory_space<vmem>>, vector<1x16xf32>,
          %swap3A_256 = vector.shape_cast %swap3A_255 : vector<1x16xf32> to vector<16xf32>
          %swap3A_257 = vector.shape_cast %max3A_252 : vector<16xf32> to vector<1x16xf32>
          tpu.vector_store %arg10[%swap3A_253, %swap3A_254], %swap3A_257 {strides = array<i32>} : memref<128x128xf32, #tpu.memory_space<vmem>>, vector<1x16xf32>,
          %get3A_258 = arith.index_cast %add3A_223 : i32 to index
          %get3A_259 = arith.constant 32 : index
          %get3A_260 = tpu.vector_load %arg9[%get3A_258, %get3A_259] {strides = array<i32>} : memref<128x128xf32, #tpu.memory_space<vmem>>, vector<1x16xf32>,
          %get3A_261 = vector.shape_cast %get3A_260 : vector<1x16xf32> to vector<16xf32>
          %get3A_262 = arith.index_cast %add3A_223 : i32 to index
          %get3A_263 = arith.constant 32 : index
          %get3A_264 = tpu.vector_load %arg10[%get3A_262, %get3A_263] {strides = array<i32>} : memref<128x128xf32, #tpu.memory_space<vmem>>, vector<1x16xf32>,
          %get3A_265 = vector.shape_cast %get3A_264 : vector<1x16xf32> to vector<16xf32>
          %add3A_266 = arith.addf %get3A_261, %get3A_265 : vector<16xf32>
          %max3A_267 = arith.constant 0.000000e+00 : f32
          %max3A_268 = vector.broadcast %max3A_267 : f32 to vector<16xf32>
          %max3A_269 = arith.maximumf %add3A_266, %max3A_268 : vector<16xf32>
          %swap3A_270 = arith.index_cast %add3A_223 : i32 to index
          %swap3A_271 = arith.constant 32 : index
          %swap3A_272 = tpu.vector_load %arg10[%swap3A_270, %swap3A_271] {strides = array<i32>} : memref<128x128xf32, #tpu.memory_space<vmem>>, vector<1x16xf32>,
          %swap3A_273 = vector.shape_cast %swap3A_272 : vector<1x16xf32> to vector<16xf32>
          %swap3A_274 = vector.shape_cast %max3A_269 : vector<16xf32> to vector<1x16xf32>
          tpu.vector_store %arg10[%swap3A_270, %swap3A_271], %swap3A_274 {strides = array<i32>} : memref<128x128xf32, #tpu.memory_space<vmem>>, vector<1x16xf32>,
          %get3A_275 = arith.index_cast %add3A_223 : i32 to index
          %get3A_276 = arith.constant 48 : index
          %get3A_277 = tpu.vector_load %arg9[%get3A_275, %get3A_276] {strides = array<i32>} : memref<128x128xf32, #tpu.memory_space<vmem>>, vector<1x16xf32>,
          %get3A_278 = vector.shape_cast %get3A_277 : vector<1x16xf32> to vector<16xf32>
          %get3A_279 = arith.index_cast %add3A_223 : i32 to index
          %get3A_280 = arith.constant 48 : index
          %get3A_281 = tpu.vector_load %arg10[%get3A_279, %get3A_280] {strides = array<i32>} : memref<128x128xf32, #tpu.memory_space<vmem>>, vector<1x16xf32>,
          %get3A_282 = vector.shape_cast %get3A_281 : vector<1x16xf32> to vector<16xf32>
          %add3A_283 = arith.addf %get3A_278, %get3A_282 : vector<16xf32>
          %max3A_284 = arith.constant 0.000000e+00 : f32
          %max3A_285 = vector.broadcast %max3A_284 : f32 to vector<16xf32>
          %max3A_286 = arith.maximumf %add3A_283, %max3A_285 : vector<16xf32>
          %swap3A_287 = arith.index_cast %add3A_223 : i32 to index
          %swap3A_288 = arith.constant 48 : index
          %swap3A_289 = tpu.vector_load %arg10[%swap3A_287, %swap3A_288] {strides = array<i32>} : memref<128x128xf32, #tpu.memory_space<vmem>>, vector<1x16xf32>,
          %swap3A_290 = vector.shape_cast %swap3A_289 : vector<1x16xf32> to vector<16xf32>
          %swap3A_291 = vector.shape_cast %max3A_286 : vector<16xf32> to vector<1x16xf32>
          tpu.vector_store %arg10[%swap3A_287, %swap3A_288], %swap3A_291 {strides = array<i32>} : memref<128x128xf32, #tpu.memory_space<vmem>>, vector<1x16xf32>,
          %get3A_292 = arith.index_cast %add3A_223 : i32 to index
          %get3A_293 = arith.constant 64 : index
          %get3A_294 = tpu.vector_load %arg9[%get3A_292, %get3A_293] {strides = array<i32>} : memref<128x128xf32, #tpu.memory_space<vmem>>, vector<1x16xf32>,
          %get3A_295 = vector.shape_cast %get3A_294 : vector<1x16xf32> to vector<16xf32>
          %get3A_296 = arith.index_cast %add3A_223 : i32 to index
          %get3A_297 = arith.constant 64 : index
          %get3A_298 = tpu.vector_load %arg10[%get3A_296, %get3A_297] {strides = array<i32>} : memref<128x128xf32, #tpu.memory_space<vmem>>, vector<1x16xf32>,
          %get3A_299 = vector.shape_cast %get3A_298 : vector<1x16xf32> to vector<16xf32>
          %add3A_300 = arith.addf %get3A_295, %get3A_299 : vector<16xf32>
          %max3A_301 = arith.constant 0.000000e+00 : f32
          %max3A_302 = vector.broadcast %max3A_301 : f32 to vector<16xf32>
          %max3A_303 = arith.maximumf %add3A_300, %max3A_302 : vector<16xf32>
          %swap3A_304 = arith.index_cast %add3A_223 : i32 to index
          %swap3A_305 = arith.constant 64 : index
          %swap3A_306 = tpu.vector_load %arg10[%swap3A_304, %swap3A_305] {strides = array<i32>} : memref<128x128xf32, #tpu.memory_space<vmem>>, vector<1x16xf32>,
          %swap3A_307 = vector.shape_cast %swap3A_306 : vector<1x16xf32> to vector<16xf32>
          %swap3A_308 = vector.shape_cast %max3A_303 : vector<16xf32> to vector<1x16xf32>
          tpu.vector_store %arg10[%swap3A_304, %swap3A_305], %swap3A_308 {strides = array<i32>} : memref<128x128xf32, #tpu.memory_space<vmem>>, vector<1x16xf32>,
          %get3A_309 = arith.index_cast %add3A_223 : i32 to index
          %get3A_310 = arith.constant 80 : index
          %get3A_311 = tpu.vector_load %arg9[%get3A_309, %get3A_310] {strides = array<i32>} : memref<128x128xf32, #tpu.memory_space<vmem>>, vector<1x16xf32>,
          %get3A_312 = vector.shape_cast %get3A_311 : vector<1x16xf32> to vector<16xf32>
          %get3A_313 = arith.index_cast %add3A_223 : i32 to index
          %get3A_314 = arith.constant 80 : index
          %get3A_315 = tpu.vector_load %arg10[%get3A_313, %get3A_314] {strides = array<i32>} : memref<128x128xf32, #tpu.memory_space<vmem>>, vector<1x16xf32>,
          %get3A_316 = vector.shape_cast %get3A_315 : vector<1x16xf32> to vector<16xf32>
          %add3A_317 = arith.addf %get3A_312, %get3A_316 : vector<16xf32>
          %max3A_318 = arith.constant 0.000000e+00 : f32
          %max3A_319 = vector.broadcast %max3A_318 : f32 to vector<16xf32>
          %max3A_320 = arith.maximumf %add3A_317, %max3A_319 : vector<16xf32>
          %swap3A_321 = arith.index_cast %add3A_223 : i32 to index
          %swap3A_322 = arith.constant 80 : index
          %swap3A_323 = tpu.vector_load %arg10[%swap3A_321, %swap3A_322] {strides = array<i32>} : memref<128x128xf32, #tpu.memory_space<vmem>>, vector<1x16xf32>,
          %swap3A_324 = vector.shape_cast %swap3A_323 : vector<1x16xf32> to vector<16xf32>
          %swap3A_325 = vector.shape_cast %max3A_320 : vector<16xf32> to vector<1x16xf32>
          tpu.vector_store %arg10[%swap3A_321, %swap3A_322], %swap3A_325 {strides = array<i32>} : memref<128x128xf32, #tpu.memory_space<vmem>>, vector<1x16xf32>,
          %get3A_326 = arith.index_cast %add3A_223 : i32 to index
          %get3A_327 = arith.constant 96 : index
          %get3A_328 = tpu.vector_load %arg9[%get3A_326, %get3A_327] {strides = array<i32>} : memref<128x128xf32, #tpu.memory_space<vmem>>, vector<1x16xf32>,
          %get3A_329 = vector.shape_cast %get3A_328 : vector<1x16xf32> to vector<16xf32>
          %get3A_330 = arith.index_cast %add3A_223 : i32 to index
          %get3A_331 = arith.constant 96 : index
          %get3A_332 = tpu.vector_load %arg10[%get3A_330, %get3A_331] {strides = array<i32>} : memref<128x128xf32, #tpu.memory_space<vmem>>, vector<1x16xf32>,
          %get3A_333 = vector.shape_cast %get3A_332 : vector<1x16xf32> to vector<16xf32>
          %add3A_334 = arith.addf %get3A_329, %get3A_333 : vector<16xf32>
          %max3A_335 = arith.constant 0.000000e+00 : f32
          %max3A_336 = vector.broadcast %max3A_335 : f32 to vector<16xf32>
          %max3A_337 = arith.maximumf %add3A_334, %max3A_336 : vector<16xf32>
          %swap3A_338 = arith.index_cast %add3A_223 : i32 to index
          %swap3A_339 = arith.constant 96 : index
          %swap3A_340 = tpu.vector_load %arg10[%swap3A_338, %swap3A_339] {strides = array<i32>} : memref<128x128xf32, #tpu.memory_space<vmem>>, vector<1x16xf32>,
          %swap3A_341 = vector.shape_cast %swap3A_340 : vector<1x16xf32> to vector<16xf32>
          %swap3A_342 = vector.shape_cast %max3A_337 : vector<16xf32> to vector<1x16xf32>
          tpu.vector_store %arg10[%swap3A_338, %swap3A_339], %swap3A_342 {strides = array<i32>} : memref<128x128xf32, #tpu.memory_space<vmem>>, vector<1x16xf32>,
          %get3A_343 = arith.index_cast %add3A_223 : i32 to index
          %get3A_344 = arith.constant 112 : index
          %get3A_345 = tpu.vector_load %arg9[%get3A_343, %get3A_344] {strides = array<i32>} : memref<128x128xf32, #tpu.memory_space<vmem>>, vector<1x16xf32>,
          %get3A_346 = vector.shape_cast %get3A_345 : vector<1x16xf32> to vector<16xf32>
          %get3A_347 = arith.index_cast %add3A_223 : i32 to index
          %get3A_348 = arith.constant 112 : index
          %get3A_349 = tpu.vector_load %arg10[%get3A_347, %get3A_348] {strides = array<i32>} : memref<128x128xf32, #tpu.memory_space<vmem>>, vector<1x16xf32>,
          %get3A_350 = vector.shape_cast %get3A_349 : vector<1x16xf32> to vector<16xf32>
          %add3A_351 = arith.addf %get3A_346, %get3A_350 : vector<16xf32>
          %max3A_352 = arith.constant 0.000000e+00 : f32
          %max3A_353 = vector.broadcast %max3A_352 : f32 to vector<16xf32>
          %max3A_354 = arith.maximumf %add3A_351, %max3A_353 : vector<16xf32>
          %swap3A_355 = arith.index_cast %add3A_223 : i32 to index
          %swap3A_356 = arith.constant 112 : index
          %swap3A_357 = tpu.vector_load %arg10[%swap3A_355, %swap3A_356] {strides = array<i32>} : memref<128x128xf32, #tpu.memory_space<vmem>>, vector<1x16xf32>,
          %swap3A_358 = vector.shape_cast %swap3A_357 : vector<1x16xf32> to vector<16xf32>
          %swap3A_359 = vector.shape_cast %max3A_354 : vector<16xf32> to vector<1x16xf32>
          tpu.vector_store %arg10[%swap3A_355, %swap3A_356], %swap3A_359 {strides = array<i32>} : memref<128x128xf32, #tpu.memory_space<vmem>>, vector<1x16xf32>,
          %mul3A_360 = arith.constant 4 : i32
          %mul3A_361 = arith.muli %scan3A_81, %mul3A_360 : i32
          %add3A_362 = arith.constant 2 : i32
          %add3A_363 = arith.addi %mul3A_361, %add3A_362 : i32
          %get3A_364 = arith.index_cast %add3A_363 : i32 to index
          %get3A_365 = arith.constant 0 : index
          %get3A_366 = tpu.vector_load %arg9[%get3A_364, %get3A_365] {strides = array<i32>} : memref<128x128xf32, #tpu.memory_space<vmem>>, vector<1x16xf32>,
          %get3A_367 = vector.shape_cast %get3A_366 : vector<1x16xf32> to vector<16xf32>
          %get3A_368 = arith.index_cast %add3A_363 : i32 to index
          %get3A_369 = arith.constant 0 : index
          %get3A_370 = tpu.vector_load %arg10[%get3A_368, %get3A_369] {strides = array<i32>} : memref<128x128xf32, #tpu.memory_space<vmem>>, vector<1x16xf32>,
          %get3A_371 = vector.shape_cast %get3A_370 : vector<1x16xf32> to vector<16xf32>
          %add3A_372 = arith.addf %get3A_367, %get3A_371 : vector<16xf32>
          %max3A_373 = arith.constant 0.000000e+00 : f32
          %max3A_374 = vector.broadcast %max3A_373 : f32 to vector<16xf32>
          %max3A_375 = arith.maximumf %add3A_372, %max3A_374 : vector<16xf32>
          %swap3A_376 = arith.index_cast %add3A_363 : i32 to index
          %swap3A_377 = arith.constant 0 : index
          %swap3A_378 = tpu.vector_load %arg10[%swap3A_376, %swap3A_377] {strides = array<i32>} : memref<128x128xf32, #tpu.memory_space<vmem>>, vector<1x16xf32>,
          %swap3A_379 = vector.shape_cast %swap3A_378 : vector<1x16xf32> to vector<16xf32>
          %swap3A_380 = vector.shape_cast %max3A_375 : vector<16xf32> to vector<1x16xf32>
          tpu.vector_store %arg10[%swap3A_376, %swap3A_377], %swap3A_380 {strides = array<i32>} : memref<128x128xf32, #tpu.memory_space<vmem>>, vector<1x16xf32>,
          %get3A_381 = arith.index_cast %add3A_363 : i32 to index
          %get3A_382 = arith.constant 16 : index
          %get3A_383 = tpu.vector_load %arg9[%get3A_381, %get3A_382] {strides = array<i32>} : memref<128x128xf32, #tpu.memory_space<vmem>>, vector<1x16xf32>,
          %get3A_384 = vector.shape_cast %get3A_383 : vector<1x16xf32> to vector<16xf32>
          %get3A_385 = arith.index_cast %add3A_363 : i32 to index
          %get3A_386 = arith.constant 16 : index
          %get3A_387 = tpu.vector_load %arg10[%get3A_385, %get3A_386] {strides = array<i32>} : memref<128x128xf32, #tpu.memory_space<vmem>>, vector<1x16xf32>,
          %get3A_388 = vector.shape_cast %get3A_387 : vector<1x16xf32> to vector<16xf32>
          %add3A_389 = arith.addf %get3A_384, %get3A_388 : vector<16xf32>
          %max3A_390 = arith.constant 0.000000e+00 : f32
          %max3A_391 = vector.broadcast %max3A_390 : f32 to vector<16xf32>
          %max3A_392 = arith.maximumf %add3A_389, %max3A_391 : vector<16xf32>
          %swap3A_393 = arith.index_cast %add3A_363 : i32 to index
          %swap3A_394 = arith.constant 16 : index
          %swap3A_395 = tpu.vector_load %arg10[%swap3A_393, %swap3A_394] {strides = array<i32>} : memref<128x128xf32, #tpu.memory_space<vmem>>, vector<1x16xf32>,
          %swap3A_396 = vector.shape_cast %swap3A_395 : vector<1x16xf32> to vector<16xf32>
          %swap3A_397 = vector.shape_cast %max3A_392 : vector<16xf32> to vector<1x16xf32>
          tpu.vector_store %arg10[%swap3A_393, %swap3A_394], %swap3A_397 {strides = array<i32>} : memref<128x128xf32, #tpu.memory_space<vmem>>, vector<1x16xf32>,
          %get3A_398 = arith.index_cast %add3A_363 : i32 to index
          %get3A_399 = arith.constant 32 : index
          %get3A_400 = tpu.vector_load %arg9[%get3A_398, %get3A_399] {strides = array<i32>} : memref<128x128xf32, #tpu.memory_space<vmem>>, vector<1x16xf32>,
          %get3A_401 = vector.shape_cast %get3A_400 : vector<1x16xf32> to vector<16xf32>
          %get3A_402 = arith.index_cast %add3A_363 : i32 to index
          %get3A_403 = arith.constant 32 : index
          %get3A_404 = tpu.vector_load %arg10[%get3A_402, %get3A_403] {strides = array<i32>} : memref<128x128xf32, #tpu.memory_space<vmem>>, vector<1x16xf32>,
          %get3A_405 = vector.shape_cast %get3A_404 : vector<1x16xf32> to vector<16xf32>
          %add3A_406 = arith.addf %get3A_401, %get3A_405 : vector<16xf32>
          %max3A_407 = arith.constant 0.000000e+00 : f32
          %max3A_408 = vector.broadcast %max3A_407 : f32 to vector<16xf32>
          %max3A_409 = arith.maximumf %add3A_406, %max3A_408 : vector<16xf32>
          %swap3A_410 = arith.index_cast %add3A_363 : i32 to index
          %swap3A_411 = arith.constant 32 : index
          %swap3A_412 = tpu.vector_load %arg10[%swap3A_410, %swap3A_411] {strides = array<i32>} : memref<128x128xf32, #tpu.memory_space<vmem>>, vector<1x16xf32>,
          %swap3A_413 = vector.shape_cast %swap3A_412 : vector<1x16xf32> to vector<16xf32>
          %swap3A_414 = vector.shape_cast %max3A_409 : vector<16xf32> to vector<1x16xf32>
          tpu.vector_store %arg10[%swap3A_410, %swap3A_411], %swap3A_414 {strides = array<i32>} : memref<128x128xf32, #tpu.memory_space<vmem>>, vector<1x16xf32>,
          %get3A_415 = arith.index_cast %add3A_363 : i32 to index
          %get3A_416 = arith.constant 48 : index
          %get3A_417 = tpu.vector_load %arg9[%get3A_415, %get3A_416] {strides = array<i32>} : memref<128x128xf32, #tpu.memory_space<vmem>>, vector<1x16xf32>,
          %get3A_418 = vector.shape_cast %get3A_417 : vector<1x16xf32> to vector<16xf32>
          %get3A_419 = arith.index_cast %add3A_363 : i32 to index
          %get3A_420 = arith.constant 48 : index
          %get3A_421 = tpu.vector_load %arg10[%get3A_419, %get3A_420] {strides = array<i32>} : memref<128x128xf32, #tpu.memory_space<vmem>>, vector<1x16xf32>,
          %get3A_422 = vector.shape_cast %get3A_421 : vector<1x16xf32> to vector<16xf32>
          %add3A_423 = arith.addf %get3A_418, %get3A_422 : vector<16xf32>
          %max3A_424 = arith.constant 0.000000e+00 : f32
          %max3A_425 = vector.broadcast %max3A_424 : f32 to vector<16xf32>
          %max3A_426 = arith.maximumf %add3A_423, %max3A_425 : vector<16xf32>
          %swap3A_427 = arith.index_cast %add3A_363 : i32 to index
          %swap3A_428 = arith.constant 48 : index
          %swap3A_429 = tpu.vector_load %arg10[%swap3A_427, %swap3A_428] {strides = array<i32>} : memref<128x128xf32, #tpu.memory_space<vmem>>, vector<1x16xf32>,
          %swap3A_430 = vector.shape_cast %swap3A_429 : vector<1x16xf32> to vector<16xf32>
          %swap3A_431 = vector.shape_cast %max3A_426 : vector<16xf32> to vector<1x16xf32>
          tpu.vector_store %arg10[%swap3A_427, %swap3A_428], %swap3A_431 {strides = array<i32>} : memref<128x128xf32, #tpu.memory_space<vmem>>, vector<1x16xf32>,
          %get3A_432 = arith.index_cast %add3A_363 : i32 to index
          %get3A_433 = arith.constant 64 : index
          %get3A_434 = tpu.vector_load %arg9[%get3A_432, %get3A_433] {strides = array<i32>} : memref<128x128xf32, #tpu.memory_space<vmem>>, vector<1x16xf32>,
          %get3A_435 = vector.shape_cast %get3A_434 : vector<1x16xf32> to vector<16xf32>
          %get3A_436 = arith.index_cast %add3A_363 : i32 to index
          %get3A_437 = arith.constant 64 : index
          %get3A_438 = tpu.vector_load %arg10[%get3A_436, %get3A_437] {strides = array<i32>} : memref<128x128xf32, #tpu.memory_space<vmem>>, vector<1x16xf32>,
          %get3A_439 = vector.shape_cast %get3A_438 : vector<1x16xf32> to vector<16xf32>
          %add3A_440 = arith.addf %get3A_435, %get3A_439 : vector<16xf32>
          %max3A_441 = arith.constant 0.000000e+00 : f32
          %max3A_442 = vector.broadcast %max3A_441 : f32 to vector<16xf32>
          %max3A_443 = arith.maximumf %add3A_440, %max3A_442 : vector<16xf32>
          %swap3A_444 = arith.index_cast %add3A_363 : i32 to index
          %swap3A_445 = arith.constant 64 : index
          %swap3A_446 = tpu.vector_load %arg10[%swap3A_444, %swap3A_445] {strides = array<i32>} : memref<128x128xf32, #tpu.memory_space<vmem>>, vector<1x16xf32>,
          %swap3A_447 = vector.shape_cast %swap3A_446 : vector<1x16xf32> to vector<16xf32>
          %swap3A_448 = vector.shape_cast %max3A_443 : vector<16xf32> to vector<1x16xf32>
          tpu.vector_store %arg10[%swap3A_444, %swap3A_445], %swap3A_448 {strides = array<i32>} : memref<128x128xf32, #tpu.memory_space<vmem>>, vector<1x16xf32>,
          %get3A_449 = arith.index_cast %add3A_363 : i32 to index
          %get3A_450 = arith.constant 80 : index
          %get3A_451 = tpu.vector_load %arg9[%get3A_449, %get3A_450] {strides = array<i32>} : memref<128x128xf32, #tpu.memory_space<vmem>>, vector<1x16xf32>,
          %get3A_452 = vector.shape_cast %get3A_451 : vector<1x16xf32> to vector<16xf32>
          %get3A_453 = arith.index_cast %add3A_363 : i32 to index
          %get3A_454 = arith.constant 80 : index
          %get3A_455 = tpu.vector_load %arg10[%get3A_453, %get3A_454] {strides = array<i32>} : memref<128x128xf32, #tpu.memory_space<vmem>>, vector<1x16xf32>,
          %get3A_456 = vector.shape_cast %get3A_455 : vector<1x16xf32> to vector<16xf32>
          %add3A_457 = arith.addf %get3A_452, %get3A_456 : vector<16xf32>
          %max3A_458 = arith.constant 0.000000e+00 : f32
          %max3A_459 = vector.broadcast %max3A_458 : f32 to vector<16xf32>
          %max3A_460 = arith.maximumf %add3A_457, %max3A_459 : vector<16xf32>
          %swap3A_461 = arith.index_cast %add3A_363 : i32 to index
          %swap3A_462 = arith.constant 80 : index
          %swap3A_463 = tpu.vector_load %arg10[%swap3A_461, %swap3A_462] {strides = array<i32>} : memref<128x128xf32, #tpu.memory_space<vmem>>, vector<1x16xf32>,
          %swap3A_464 = vector.shape_cast %swap3A_463 : vector<1x16xf32> to vector<16xf32>
          %swap3A_465 = vector.shape_cast %max3A_460 : vector<16xf32> to vector<1x16xf32>
          tpu.vector_store %arg10[%swap3A_461, %swap3A_462], %swap3A_465 {strides = array<i32>} : memref<128x128xf32, #tpu.memory_space<vmem>>, vector<1x16xf32>,
          %get3A_466 = arith.index_cast %add3A_363 : i32 to index
          %get3A_467 = arith.constant 96 : index
          %get3A_468 = tpu.vector_load %arg9[%get3A_466, %get3A_467] {strides = array<i32>} : memref<128x128xf32, #tpu.memory_space<vmem>>, vector<1x16xf32>,
          %get3A_469 = vector.shape_cast %get3A_468 : vector<1x16xf32> to vector<16xf32>
          %get3A_470 = arith.index_cast %add3A_363 : i32 to index
          %get3A_471 = arith.constant 96 : index
          %get3A_472 = tpu.vector_load %arg10[%get3A_470, %get3A_471] {strides = array<i32>} : memref<128x128xf32, #tpu.memory_space<vmem>>, vector<1x16xf32>,
          %get3A_473 = vector.shape_cast %get3A_472 : vector<1x16xf32> to vector<16xf32>
          %add3A_474 = arith.addf %get3A_469, %get3A_473 : vector<16xf32>
          %max3A_475 = arith.constant 0.000000e+00 : f32
          %max3A_476 = vector.broadcast %max3A_475 : f32 to vector<16xf32>
          %max3A_477 = arith.maximumf %add3A_474, %max3A_476 : vector<16xf32>
          %swap3A_478 = arith.index_cast %add3A_363 : i32 to index
          %swap3A_479 = arith.constant 96 : index
          %swap3A_480 = tpu.vector_load %arg10[%swap3A_478, %swap3A_479] {strides = array<i32>} : memref<128x128xf32, #tpu.memory_space<vmem>>, vector<1x16xf32>,
          %swap3A_481 = vector.shape_cast %swap3A_480 : vector<1x16xf32> to vector<16xf32>
          %swap3A_482 = vector.shape_cast %max3A_477 : vector<16xf32> to vector<1x16xf32>
          tpu.vector_store %arg10[%swap3A_478, %swap3A_479], %swap3A_482 {strides = array<i32>} : memref<128x128xf32, #tpu.memory_space<vmem>>, vector<1x16xf32>,
          %get3A_483 = arith.index_cast %add3A_363 : i32 to index
          %get3A_484 = arith.constant 112 : index
          %get3A_485 = tpu.vector_load %arg9[%get3A_483, %get3A_484] {strides = array<i32>} : memref<128x128xf32, #tpu.memory_space<vmem>>, vector<1x16xf32>,
          %get3A_486 = vector.shape_cast %get3A_485 : vector<1x16xf32> to vector<16xf32>
          %get3A_487 = arith.index_cast %add3A_363 : i32 to index
          %get3A_488 = arith.constant 112 : index
          %get3A_489 = tpu.vector_load %arg10[%get3A_487, %get3A_488] {strides = array<i32>} : memref<128x128xf32, #tpu.memory_space<vmem>>, vector<1x16xf32>,
          %get3A_490 = vector.shape_cast %get3A_489 : vector<1x16xf32> to vector<16xf32>
          %add3A_491 = arith.addf %get3A_486, %get3A_490 : vector<16xf32>
          %max3A_492 = arith.constant 0.000000e+00 : f32
          %max3A_493 = vector.broadcast %max3A_492 : f32 to vector<16xf32>
          %max3A_494 = arith.maximumf %add3A_491, %max3A_493 : vector<16xf32>
          %swap3A_495 = arith.index_cast %add3A_363 : i32 to index
          %swap3A_496 = arith.constant 112 : index
          %swap3A_497 = tpu.vector_load %arg10[%swap3A_495, %swap3A_496] {strides = array<i32>} : memref<128x128xf32, #tpu.memory_space<vmem>>, vector<1x16xf32>,
          %swap3A_498 = vector.shape_cast %swap3A_497 : vector<1x16xf32> to vector<16xf32>
          %swap3A_499 = vector.shape_cast %max3A_494 : vector<16xf32> to vector<1x16xf32>
          tpu.vector_store %arg10[%swap3A_495, %swap3A_496], %swap3A_499 {strides = array<i32>} : memref<128x128xf32, #tpu.memory_space<vmem>>, vector<1x16xf32>,
          %mul3A_500 = arith.constant 4 : i32
          %mul3A_501 = arith.muli %scan3A_81, %mul3A_500 : i32
          %add3A_502 = arith.constant 3 : i32
          %add3A_503 = arith.addi %mul3A_501, %add3A_502 : i32
          %get3A_504 = arith.index_cast %add3A_503 : i32 to index
          %get3A_505 = arith.constant 0 : index
          %get3A_506 = tpu.vector_load %arg9[%get3A_504, %get3A_505] {strides = array<i32>} : memref<128x128xf32, #tpu.memory_space<vmem>>, vector<1x16xf32>,
          %get3A_507 = vector.shape_cast %get3A_506 : vector<1x16xf32> to vector<16xf32>
          %get3A_508 = arith.index_cast %add3A_503 : i32 to index
          %get3A_509 = arith.constant 0 : index
          %get3A_510 = tpu.vector_load %arg10[%get3A_508, %get3A_509] {strides = array<i32>} : memref<128x128xf32, #tpu.memory_space<vmem>>, vector<1x16xf32>,
          %get3A_511 = vector.shape_cast %get3A_510 : vector<1x16xf32> to vector<16xf32>
          %add3A_512 = arith.addf %get3A_507, %get3A_511 : vector<16xf32>
          %max3A_513 = arith.constant 0.000000e+00 : f32
          %max3A_514 = vector.broadcast %max3A_513 : f32 to vector<16xf32>
          %max3A_515 = arith.maximumf %add3A_512, %max3A_514 : vector<16xf32>
          %swap3A_516 = arith.index_cast %add3A_503 : i32 to index
          %swap3A_517 = arith.constant 0 : index
          %swap3A_518 = tpu.vector_load %arg10[%swap3A_516, %swap3A_517] {strides = array<i32>} : memref<128x128xf32, #tpu.memory_space<vmem>>, vector<1x16xf32>,
          %swap3A_519 = vector.shape_cast %swap3A_518 : vector<1x16xf32> to vector<16xf32>
          %swap3A_520 = vector.shape_cast %max3A_515 : vector<16xf32> to vector<1x16xf32>
          tpu.vector_store %arg10[%swap3A_516, %swap3A_517], %swap3A_520 {strides = array<i32>} : memref<128x128xf32, #tpu.memory_space<vmem>>, vector<1x16xf32>,
          %get3A_521 = arith.index_cast %add3A_503 : i32 to index
          %get3A_522 = arith.constant 16 : index
          %get3A_523 = tpu.vector_load %arg9[%get3A_521, %get3A_522] {strides = array<i32>} : memref<128x128xf32, #tpu.memory_space<vmem>>, vector<1x16xf32>,
          %get3A_524 = vector.shape_cast %get3A_523 : vector<1x16xf32> to vector<16xf32>
          %get3A_525 = arith.index_cast %add3A_503 : i32 to index
          %get3A_526 = arith.constant 16 : index
          %get3A_527 = tpu.vector_load %arg10[%get3A_525, %get3A_526] {strides = array<i32>} : memref<128x128xf32, #tpu.memory_space<vmem>>, vector<1x16xf32>,
          %get3A_528 = vector.shape_cast %get3A_527 : vector<1x16xf32> to vector<16xf32>
          %add3A_529 = arith.addf %get3A_524, %get3A_528 : vector<16xf32>
          %max3A_530 = arith.constant 0.000000e+00 : f32
          %max3A_531 = vector.broadcast %max3A_530 : f32 to vector<16xf32>
          %max3A_532 = arith.maximumf %add3A_529, %max3A_531 : vector<16xf32>
          %swap3A_533 = arith.index_cast %add3A_503 : i32 to index
          %swap3A_534 = arith.constant 16 : index
          %swap3A_535 = tpu.vector_load %arg10[%swap3A_533, %swap3A_534] {strides = array<i32>} : memref<128x128xf32, #tpu.memory_space<vmem>>, vector<1x16xf32>,
          %swap3A_536 = vector.shape_cast %swap3A_535 : vector<1x16xf32> to vector<16xf32>
          %swap3A_537 = vector.shape_cast %max3A_532 : vector<16xf32> to vector<1x16xf32>
          tpu.vector_store %arg10[%swap3A_533, %swap3A_534], %swap3A_537 {strides = array<i32>} : memref<128x128xf32, #tpu.memory_space<vmem>>, vector<1x16xf32>,
          %get3A_538 = arith.index_cast %add3A_503 : i32 to index
          %get3A_539 = arith.constant 32 : index
          %get3A_540 = tpu.vector_load %arg9[%get3A_538, %get3A_539] {strides = array<i32>} : memref<128x128xf32, #tpu.memory_space<vmem>>, vector<1x16xf32>,
          %get3A_541 = vector.shape_cast %get3A_540 : vector<1x16xf32> to vector<16xf32>
          %get3A_542 = arith.index_cast %add3A_503 : i32 to index
          %get3A_543 = arith.constant 32 : index
          %get3A_544 = tpu.vector_load %arg10[%get3A_542, %get3A_543] {strides = array<i32>} : memref<128x128xf32, #tpu.memory_space<vmem>>, vector<1x16xf32>,
          %get3A_545 = vector.shape_cast %get3A_544 : vector<1x16xf32> to vector<16xf32>
          %add3A_546 = arith.addf %get3A_541, %get3A_545 : vector<16xf32>
          %max3A_547 = arith.constant 0.000000e+00 : f32
          %max3A_548 = vector.broadcast %max3A_547 : f32 to vector<16xf32>
          %max3A_549 = arith.maximumf %add3A_546, %max3A_548 : vector<16xf32>
          %swap3A_550 = arith.index_cast %add3A_503 : i32 to index
          %swap3A_551 = arith.constant 32 : index
          %swap3A_552 = tpu.vector_load %arg10[%swap3A_550, %swap3A_551] {strides = array<i32>} : memref<128x128xf32, #tpu.memory_space<vmem>>, vector<1x16xf32>,
          %swap3A_553 = vector.shape_cast %swap3A_552 : vector<1x16xf32> to vector<16xf32>
          %swap3A_554 = vector.shape_cast %max3A_549 : vector<16xf32> to vector<1x16xf32>
          tpu.vector_store %arg10[%swap3A_550, %swap3A_551], %swap3A_554 {strides = array<i32>} : memref<128x128xf32, #tpu.memory_space<vmem>>, vector<1x16xf32>,
          %get3A_555 = arith.index_cast %add3A_503 : i32 to index
          %get3A_556 = arith.constant 48 : index
          %get3A_557 = tpu.vector_load %arg9[%get3A_555, %get3A_556] {strides = array<i32>} : memref<128x128xf32, #tpu.memory_space<vmem>>, vector<1x16xf32>,
          %get3A_558 = vector.shape_cast %get3A_557 : vector<1x16xf32> to vector<16xf32>
          %get3A_559 = arith.index_cast %add3A_503 : i32 to index
          %get3A_560 = arith.constant 48 : index
          %get3A_561 = tpu.vector_load %arg10[%get3A_559, %get3A_560] {strides = array<i32>} : memref<128x128xf32, #tpu.memory_space<vmem>>, vector<1x16xf32>,
          %get3A_562 = vector.shape_cast %get3A_561 : vector<1x16xf32> to vector<16xf32>
          %add3A_563 = arith.addf %get3A_558, %get3A_562 : vector<16xf32>
          %max3A_564 = arith.constant 0.000000e+00 : f32
          %max3A_565 = vector.broadcast %max3A_564 : f32 to vector<16xf32>
          %max3A_566 = arith.maximumf %add3A_563, %max3A_565 : vector<16xf32>
          %swap3A_567 = arith.index_cast %add3A_503 : i32 to index
          %swap3A_568 = arith.constant 48 : index
          %swap3A_569 = tpu.vector_load %arg10[%swap3A_567, %swap3A_568] {strides = array<i32>} : memref<128x128xf32, #tpu.memory_space<vmem>>, vector<1x16xf32>,
          %swap3A_570 = vector.shape_cast %swap3A_569 : vector<1x16xf32> to vector<16xf32>
          %swap3A_571 = vector.shape_cast %max3A_566 : vector<16xf32> to vector<1x16xf32>
          tpu.vector_store %arg10[%swap3A_567, %swap3A_568], %swap3A_571 {strides = array<i32>} : memref<128x128xf32, #tpu.memory_space<vmem>>, vector<1x16xf32>,
          %get3A_572 = arith.index_cast %add3A_503 : i32 to index
          %get3A_573 = arith.constant 64 : index
          %get3A_574 = tpu.vector_load %arg9[%get3A_572, %get3A_573] {strides = array<i32>} : memref<128x128xf32, #tpu.memory_space<vmem>>, vector<1x16xf32>,
          %get3A_575 = vector.shape_cast %get3A_574 : vector<1x16xf32> to vector<16xf32>
          %get3A_576 = arith.index_cast %add3A_503 : i32 to index
          %get3A_577 = arith.constant 64 : index
          %get3A_578 = tpu.vector_load %arg10[%get3A_576, %get3A_577] {strides = array<i32>} : memref<128x128xf32, #tpu.memory_space<vmem>>, vector<1x16xf32>,
          %get3A_579 = vector.shape_cast %get3A_578 : vector<1x16xf32> to vector<16xf32>
          %add3A_580 = arith.addf %get3A_575, %get3A_579 : vector<16xf32>
          %max3A_581 = arith.constant 0.000000e+00 : f32
          %max3A_582 = vector.broadcast %max3A_581 : f32 to vector<16xf32>
          %max3A_583 = arith.maximumf %add3A_580, %max3A_582 : vector<16xf32>
          %swap3A_584 = arith.index_cast %add3A_503 : i32 to index
          %swap3A_585 = arith.constant 64 : index
          %swap3A_586 = tpu.vector_load %arg10[%swap3A_584, %swap3A_585] {strides = array<i32>} : memref<128x128xf32, #tpu.memory_space<vmem>>, vector<1x16xf32>,
          %swap3A_587 = vector.shape_cast %swap3A_586 : vector<1x16xf32> to vector<16xf32>
          %swap3A_588 = vector.shape_cast %max3A_583 : vector<16xf32> to vector<1x16xf32>
          tpu.vector_store %arg10[%swap3A_584, %swap3A_585], %swap3A_588 {strides = array<i32>} : memref<128x128xf32, #tpu.memory_space<vmem>>, vector<1x16xf32>,
          %get3A_589 = arith.index_cast %add3A_503 : i32 to index
          %get3A_590 = arith.constant 80 : index
          %get3A_591 = tpu.vector_load %arg9[%get3A_589, %get3A_590] {strides = array<i32>} : memref<128x128xf32, #tpu.memory_space<vmem>>, vector<1x16xf32>,
          %get3A_592 = vector.shape_cast %get3A_591 : vector<1x16xf32> to vector<16xf32>
          %get3A_593 = arith.index_cast %add3A_503 : i32 to index
          %get3A_594 = arith.constant 80 : index
          %get3A_595 = tpu.vector_load %arg10[%get3A_593, %get3A_594] {strides = array<i32>} : memref<128x128xf32, #tpu.memory_space<vmem>>, vector<1x16xf32>,
          %get3A_596 = vector.shape_cast %get3A_595 : vector<1x16xf32> to vector<16xf32>
          %add3A_597 = arith.addf %get3A_592, %get3A_596 : vector<16xf32>
          %max3A_598 = arith.constant 0.000000e+00 : f32
          %max3A_599 = vector.broadcast %max3A_598 : f32 to vector<16xf32>
          %max3A_600 = arith.maximumf %add3A_597, %max3A_599 : vector<16xf32>
          %swap3A_601 = arith.index_cast %add3A_503 : i32 to index
          %swap3A_602 = arith.constant 80 : index
          %swap3A_603 = tpu.vector_load %arg10[%swap3A_601, %swap3A_602] {strides = array<i32>} : memref<128x128xf32, #tpu.memory_space<vmem>>, vector<1x16xf32>,
          %swap3A_604 = vector.shape_cast %swap3A_603 : vector<1x16xf32> to vector<16xf32>
          %swap3A_605 = vector.shape_cast %max3A_600 : vector<16xf32> to vector<1x16xf32>
          tpu.vector_store %arg10[%swap3A_601, %swap3A_602], %swap3A_605 {strides = array<i32>} : memref<128x128xf32, #tpu.memory_space<vmem>>, vector<1x16xf32>,
          %get3A_606 = arith.index_cast %add3A_503 : i32 to index
          %get3A_607 = arith.constant 96 : index
          %get3A_608 = tpu.vector_load %arg9[%get3A_606, %get3A_607] {strides = array<i32>} : memref<128x128xf32, #tpu.memory_space<vmem>>, vector<1x16xf32>,
          %get3A_609 = vector.shape_cast %get3A_608 : vector<1x16xf32> to vector<16xf32>
          %get3A_610 = arith.index_cast %add3A_503 : i32 to index
          %get3A_611 = arith.constant 96 : index
          %get3A_612 = tpu.vector_load %arg10[%get3A_610, %get3A_611] {strides = array<i32>} : memref<128x128xf32, #tpu.memory_space<vmem>>, vector<1x16xf32>,
          %get3A_613 = vector.shape_cast %get3A_612 : vector<1x16xf32> to vector<16xf32>
          %add3A_614 = arith.addf %get3A_609, %get3A_613 : vector<16xf32>
          %max3A_615 = arith.constant 0.000000e+00 : f32
          %max3A_616 = vector.broadcast %max3A_615 : f32 to vector<16xf32>
          %max3A_617 = arith.maximumf %add3A_614, %max3A_616 : vector<16xf32>
          %swap3A_618 = arith.index_cast %add3A_503 : i32 to index
          %swap3A_619 = arith.constant 96 : index
          %swap3A_620 = tpu.vector_load %arg10[%swap3A_618, %swap3A_619] {strides = array<i32>} : memref<128x128xf32, #tpu.memory_space<vmem>>, vector<1x16xf32>,
          %swap3A_621 = vector.shape_cast %swap3A_620 : vector<1x16xf32> to vector<16xf32>
          %swap3A_622 = vector.shape_cast %max3A_617 : vector<16xf32> to vector<1x16xf32>
          tpu.vector_store %arg10[%swap3A_618, %swap3A_619], %swap3A_622 {strides = array<i32>} : memref<128x128xf32, #tpu.memory_space<vmem>>, vector<1x16xf32>,
          %get3A_623 = arith.index_cast %add3A_503 : i32 to index
          %get3A_624 = arith.constant 112 : index
          %get3A_625 = tpu.vector_load %arg9[%get3A_623, %get3A_624] {strides = array<i32>} : memref<128x128xf32, #tpu.memory_space<vmem>>, vector<1x16xf32>,
          %get3A_626 = vector.shape_cast %get3A_625 : vector<1x16xf32> to vector<16xf32>
          %get3A_627 = arith.index_cast %add3A_503 : i32 to index
          %get3A_628 = arith.constant 112 : index
          %get3A_629 = tpu.vector_load %arg10[%get3A_627, %get3A_628] {strides = array<i32>} : memref<128x128xf32, #tpu.memory_space<vmem>>, vector<1x16xf32>,
          %get3A_630 = vector.shape_cast %get3A_629 : vector<1x16xf32> to vector<16xf32>
          %add3A_631 = arith.addf %get3A_626, %get3A_630 : vector<16xf32>
          %max3A_632 = arith.constant 0.000000e+00 : f32
          %max3A_633 = vector.broadcast %max3A_632 : f32 to vector<16xf32>
          %max3A_634 = arith.maximumf %add3A_631, %max3A_633 : vector<16xf32>
          %swap3A_635 = arith.index_cast %add3A_503 : i32 to index
          %swap3A_636 = arith.constant 112 : index
          %swap3A_637 = tpu.vector_load %arg10[%swap3A_635, %swap3A_636] {strides = array<i32>} : memref<128x128xf32, #tpu.memory_space<vmem>>, vector<1x16xf32>,
          %swap3A_638 = vector.shape_cast %swap3A_637 : vector<1x16xf32> to vector<16xf32>
          %swap3A_639 = vector.shape_cast %max3A_634 : vector<16xf32> to vector<1x16xf32>
          tpu.vector_store %arg10[%swap3A_635, %swap3A_636], %swap3A_639 {strides = array<i32>} : memref<128x128xf32, #tpu.memory_space<vmem>>, vector<1x16xf32>,
          %scan3A_640 = arith.constant 0 : i32
          scf.yield %scan3A_640 : i32
        }
        %scan3A_79 = arith.constant 32 : i32
        "tpu.region"() ({
          %run_scoped3A = tpu.sem_alloc : memref<!tpu.dma_semaphore, #tpu.memory_space<semaphore_mem>>
          %dma_start3A_81 = arith.constant 0 : i32
          %dma_start3A_82 = tpu.memref_slice %arg8[%scan3A_53, %dma_start3A_81] : memref<40x128xi32, #tpu.memory_space<vmem>> -> memref<1x128xi32, #tpu.memory_space<vmem>>
          %dma_start3A_83 = tpu.memref_squeeze %dma_start3A_82 : memref<1x128xi32, #tpu.memory_space<vmem>> -> memref<128xi32, #tpu.memory_space<vmem>>
          %dma_start3A_84 = arith.constant 0 : i32
          %dma_start3A_85 = arith.constant 0 : i32
          %dma_start3A_86 = tpu.memref_slice %arg11[%dma_start3A_84, %dma_start3A_85] : memref<10112x128xf32, #tpu.memory_space<vmem_shared>> -> memref<10112x128xf32, #tpu.memory_space<vmem_shared>>
          tpu.enqueue_indirect_dma source(%arg10 : memref<128x128xf32, #tpu.memory_space<vmem>>) target(%dma_start3A_86 : memref<10112x128xf32, #tpu.memory_space<vmem_shared>>) offsets(%dma_start3A_83 : memref<128xi32, #tpu.memory_space<vmem>>) semaphore(%run_scoped3A : memref<!tpu.dma_semaphore, #tpu.memory_space<semaphore_mem>>) {add = true}
          %dma_wait3A_87 = arith.constant 0 : i32
          %dma_wait3A_88 = tpu.memref_slice %arg8[%scan3A_53, %dma_wait3A_87] : memref<40x128xi32, #tpu.memory_space<vmem>> -> memref<1x128xi32, #tpu.memory_space<vmem>>
          %dma_wait3A_89 = tpu.memref_squeeze %dma_wait3A_88 : memref<1x128xi32, #tpu.memory_space<vmem>> -> memref<128xi32, #tpu.memory_space<vmem>>
          %dma_wait3A_90 = arith.constant 0 : i32
          %dma_wait3A_91 = arith.constant 0 : i32
          %dma_wait3A_92 = tpu.memref_slice %arg11[%dma_wait3A_90, %dma_wait3A_91] : memref<10112x128xf32, #tpu.memory_space<vmem_shared>> -> memref<10112x128xf32, #tpu.memory_space<vmem_shared>>
          tpu.wait_indirect_dma semaphore(%run_scoped3A : memref<!tpu.dma_semaphore, #tpu.memory_space<semaphore_mem>>) src(%arg10 : memref<128x128xf32, #tpu.memory_space<vmem>>) dst(%dma_wait3A_92 : memref<10112x128xf32, #tpu.memory_space<vmem_shared>>)
          tpu.yield
        }) : () -> ()
        %scan3A_80 = arith.constant 0 : i32
        scf.yield %scan3A_80 : i32
      }
      %scan3A_51 = arith.constant 40 : i32
      %scan3A_52 = arith.constant 0 : i32
      scf.yield %scan3A_52 : i32
    }
    %scan3A_33 = arith.constant 2 : i32
    %barrier3A_34 = arith.constant 0 : index
    tpu.barrier barrier_id(%barrier3A_34)
    %mul3A_35 = arith.constant 632 : i32
    %mul3A_36 = arith.muli %arg1, %mul3A_35 : i32
    %mul3A_37 = arith.constant 632 : i32
    %mul3A_38 = arith.muli %arg1, %mul3A_37 : i32
    "tpu.region"() ({
      %run_scoped3A = tpu.sem_alloc : memref<!tpu.dma_semaphore, #tpu.memory_space<semaphore_mem>>
      %dma_start3A = arith.constant 0 : i32
      %dma_start3A_39 = tpu.memref_slice %arg6[%arg0, %mul3A_38, %dma_start3A] : memref<2x10112x128xf32, #tpu.memory_space<hbm>> -> memref<1x632x128xf32, #tpu.memory_space<hbm>>
      %dma_start3A_40 = tpu.memref_squeeze %dma_start3A_39 : memref<1x632x128xf32, #tpu.memory_space<hbm>> -> memref<632x128xf32, #tpu.memory_space<hbm>>
      %dma_start3A_41 = arith.constant 0 : i32
      %dma_start3A_42 = tpu.memref_slice %arg11[%mul3A_36, %dma_start3A_41] : memref<10112x128xf32, #tpu.memory_space<vmem_shared>> -> memref<632x128xf32, #tpu.memory_space<vmem_shared>>
      tpu.enqueue_dma source(%dma_start3A_42 : memref<632x128xf32, #tpu.memory_space<vmem_shared>>) target(%dma_start3A_40 : memref<632x128xf32, #tpu.memory_space<hbm>>) target_semaphore(%run_scoped3A : memref<!tpu.dma_semaphore, #tpu.memory_space<semaphore_mem>>)
      %dma_wait3A = arith.constant 0 : i32
      %dma_wait3A_43 = tpu.memref_slice %arg6[%arg0, %mul3A_38, %dma_wait3A] : memref<2x10112x128xf32, #tpu.memory_space<hbm>> -> memref<1x632x128xf32, #tpu.memory_space<hbm>>
      %dma_wait3A_44 = tpu.memref_squeeze %dma_wait3A_43 : memref<1x632x128xf32, #tpu.memory_space<hbm>> -> memref<632x128xf32, #tpu.memory_space<hbm>>
      %dma_wait3A_45 = arith.constant 0 : i32
      %dma_wait3A_46 = tpu.memref_slice %arg11[%mul3A_36, %dma_wait3A_45] : memref<10112x128xf32, #tpu.memory_space<vmem_shared>> -> memref<632x128xf32, #tpu.memory_space<vmem_shared>>
      tpu.wait_dma2 semaphore(%run_scoped3A : memref<!tpu.dma_semaphore, #tpu.memory_space<semaphore_mem>>) src(%dma_wait3A_46 : memref<632x128xf32, #tpu.memory_space<vmem_shared>>) dst(%dma_wait3A_44 : memref<632x128xf32, #tpu.memory_space<hbm>>)
      tpu.yield
    }) : () -> ()
    return
  }
}

#map = affine_map<(d0, d1) -> (0, 0)>
#map1 = affine_map<(d0, d1) -> (0, 0, 0)>
module attributes {stable_mosaic.version = 14 : i64} {
  func.func @_msgpass_body(%arg0: i32, %arg1: i32, %arg2: memref<10000x128xf32, #tpu.memory_space<hbm>>, %arg3: memref<327680x128xf32, #tpu.memory_space<hbm>>, %arg4: memref<32x80x128xi32, #tpu.memory_space<hbm>>, %arg5: memref<32x80x128xi32, #tpu.memory_space<hbm>>, %arg6: memref<2x10112x128xf32, #tpu.memory_space<hbm>>, %arg7: memref<40x128xi32, #tpu.memory_space<vmem>>, %arg8: memref<40x128xi32, #tpu.memory_space<vmem>>, %arg9: memref<128x128xf32, #tpu.memory_space<vmem>>, %arg10: memref<128x128xf32, #tpu.memory_space<vmem>>, %arg11: memref<10112x128xf32, #tpu.memory_space<vmem_shared>>, %arg12: memref<!tpu.dma_semaphore, #tpu.memory_space<semaphore_mem>>) attributes {dimension_semantics = [#tpu.dimension_semantics<core_parallel>, #tpu.dimension_semantics<subcore_parallel>], iteration_bounds = array<i64: 2, 16>, scalar_prefetch = 0 : i64, scratch_operands = 6 : i64, tpu.core_type = #tpu.core_type<sc_vector_subcore>, window_params = [{transform_indices = #map}, {transform_indices = #map}, {transform_indices = #map1}, {transform_indices = #map1}, {transform_indices = #map1}]} {
    %mul3A = arith.constant 16 : i32
    %mul3A_0 = arith.muli %arg0, %mul3A : i32
    %add3A = arith.addi %mul3A_0, %arg1 : i32
    %scan3A = arith.constant 0 : i32
    %scan3A_1 = arith.constant 0 : i32
    %scan3A_2 = arith.constant 128 : i32
    %scan3A_3 = arith.addi %scan3A_1, %scan3A_2 : i32
    %scan3A_4 = arith.constant 1 : i32
    %scan3A_5 = scf.for %scan3A_39 = %scan3A_1 to %scan3A_3 step %scan3A_4 iter_args(%scan3A_40 = %scan3A) -> (i32)  : i32 {
      %broadcast_in_dim3A = arith.constant 0.000000e+00 : f32
      %broadcast_in_dim3A_41 = vector.broadcast %broadcast_in_dim3A : f32 to vector<16xf32>
      %swap3A = arith.index_cast %scan3A_39 : i32 to index
      %swap3A_42 = arith.constant 0 : index
      %swap3A_43 = tpu.vector_load %arg9[%swap3A, %swap3A_42] {strides = array<i32>} : memref<128x128xf32, #tpu.memory_space<vmem>>, vector<1x16xf32>,
      %swap3A_44 = vector.shape_cast %swap3A_43 : vector<1x16xf32> to vector<16xf32>
      %swap3A_45 = vector.shape_cast %broadcast_in_dim3A_41 : vector<16xf32> to vector<1x16xf32>
      tpu.vector_store %arg9[%swap3A, %swap3A_42], %swap3A_45 {strides = array<i32>} : memref<128x128xf32, #tpu.memory_space<vmem>>, vector<1x16xf32>,
      %broadcast_in_dim3A_46 = arith.constant 0.000000e+00 : f32
      %broadcast_in_dim3A_47 = vector.broadcast %broadcast_in_dim3A_46 : f32 to vector<16xf32>
      %swap3A_48 = arith.index_cast %scan3A_39 : i32 to index
      %swap3A_49 = arith.constant 16 : index
      %swap3A_50 = tpu.vector_load %arg9[%swap3A_48, %swap3A_49] {strides = array<i32>} : memref<128x128xf32, #tpu.memory_space<vmem>>, vector<1x16xf32>,
      %swap3A_51 = vector.shape_cast %swap3A_50 : vector<1x16xf32> to vector<16xf32>
      %swap3A_52 = vector.shape_cast %broadcast_in_dim3A_47 : vector<16xf32> to vector<1x16xf32>
      tpu.vector_store %arg9[%swap3A_48, %swap3A_49], %swap3A_52 {strides = array<i32>} : memref<128x128xf32, #tpu.memory_space<vmem>>, vector<1x16xf32>,
      %broadcast_in_dim3A_53 = arith.constant 0.000000e+00 : f32
      %broadcast_in_dim3A_54 = vector.broadcast %broadcast_in_dim3A_53 : f32 to vector<16xf32>
      %swap3A_55 = arith.index_cast %scan3A_39 : i32 to index
      %swap3A_56 = arith.constant 32 : index
      %swap3A_57 = tpu.vector_load %arg9[%swap3A_55, %swap3A_56] {strides = array<i32>} : memref<128x128xf32, #tpu.memory_space<vmem>>, vector<1x16xf32>,
      %swap3A_58 = vector.shape_cast %swap3A_57 : vector<1x16xf32> to vector<16xf32>
      %swap3A_59 = vector.shape_cast %broadcast_in_dim3A_54 : vector<16xf32> to vector<1x16xf32>
      tpu.vector_store %arg9[%swap3A_55, %swap3A_56], %swap3A_59 {strides = array<i32>} : memref<128x128xf32, #tpu.memory_space<vmem>>, vector<1x16xf32>,
      %broadcast_in_dim3A_60 = arith.constant 0.000000e+00 : f32
      %broadcast_in_dim3A_61 = vector.broadcast %broadcast_in_dim3A_60 : f32 to vector<16xf32>
      %swap3A_62 = arith.index_cast %scan3A_39 : i32 to index
      %swap3A_63 = arith.constant 48 : index
      %swap3A_64 = tpu.vector_load %arg9[%swap3A_62, %swap3A_63] {strides = array<i32>} : memref<128x128xf32, #tpu.memory_space<vmem>>, vector<1x16xf32>,
      %swap3A_65 = vector.shape_cast %swap3A_64 : vector<1x16xf32> to vector<16xf32>
      %swap3A_66 = vector.shape_cast %broadcast_in_dim3A_61 : vector<16xf32> to vector<1x16xf32>
      tpu.vector_store %arg9[%swap3A_62, %swap3A_63], %swap3A_66 {strides = array<i32>} : memref<128x128xf32, #tpu.memory_space<vmem>>, vector<1x16xf32>,
      %broadcast_in_dim3A_67 = arith.constant 0.000000e+00 : f32
      %broadcast_in_dim3A_68 = vector.broadcast %broadcast_in_dim3A_67 : f32 to vector<16xf32>
      %swap3A_69 = arith.index_cast %scan3A_39 : i32 to index
      %swap3A_70 = arith.constant 64 : index
      %swap3A_71 = tpu.vector_load %arg9[%swap3A_69, %swap3A_70] {strides = array<i32>} : memref<128x128xf32, #tpu.memory_space<vmem>>, vector<1x16xf32>,
      %swap3A_72 = vector.shape_cast %swap3A_71 : vector<1x16xf32> to vector<16xf32>
      %swap3A_73 = vector.shape_cast %broadcast_in_dim3A_68 : vector<16xf32> to vector<1x16xf32>
      tpu.vector_store %arg9[%swap3A_69, %swap3A_70], %swap3A_73 {strides = array<i32>} : memref<128x128xf32, #tpu.memory_space<vmem>>, vector<1x16xf32>,
      %broadcast_in_dim3A_74 = arith.constant 0.000000e+00 : f32
      %broadcast_in_dim3A_75 = vector.broadcast %broadcast_in_dim3A_74 : f32 to vector<16xf32>
      %swap3A_76 = arith.index_cast %scan3A_39 : i32 to index
      %swap3A_77 = arith.constant 80 : index
      %swap3A_78 = tpu.vector_load %arg9[%swap3A_76, %swap3A_77] {strides = array<i32>} : memref<128x128xf32, #tpu.memory_space<vmem>>, vector<1x16xf32>,
      %swap3A_79 = vector.shape_cast %swap3A_78 : vector<1x16xf32> to vector<16xf32>
      %swap3A_80 = vector.shape_cast %broadcast_in_dim3A_75 : vector<16xf32> to vector<1x16xf32>
      tpu.vector_store %arg9[%swap3A_76, %swap3A_77], %swap3A_80 {strides = array<i32>} : memref<128x128xf32, #tpu.memory_space<vmem>>, vector<1x16xf32>,
      %broadcast_in_dim3A_81 = arith.constant 0.000000e+00 : f32
      %broadcast_in_dim3A_82 = vector.broadcast %broadcast_in_dim3A_81 : f32 to vector<16xf32>
      %swap3A_83 = arith.index_cast %scan3A_39 : i32 to index
      %swap3A_84 = arith.constant 96 : index
      %swap3A_85 = tpu.vector_load %arg9[%swap3A_83, %swap3A_84] {strides = array<i32>} : memref<128x128xf32, #tpu.memory_space<vmem>>, vector<1x16xf32>,
      %swap3A_86 = vector.shape_cast %swap3A_85 : vector<1x16xf32> to vector<16xf32>
      %swap3A_87 = vector.shape_cast %broadcast_in_dim3A_82 : vector<16xf32> to vector<1x16xf32>
      tpu.vector_store %arg9[%swap3A_83, %swap3A_84], %swap3A_87 {strides = array<i32>} : memref<128x128xf32, #tpu.memory_space<vmem>>, vector<1x16xf32>,
      %broadcast_in_dim3A_88 = arith.constant 0.000000e+00 : f32
      %broadcast_in_dim3A_89 = vector.broadcast %broadcast_in_dim3A_88 : f32 to vector<16xf32>
      %swap3A_90 = arith.index_cast %scan3A_39 : i32 to index
      %swap3A_91 = arith.constant 112 : index
      %swap3A_92 = tpu.vector_load %arg9[%swap3A_90, %swap3A_91] {strides = array<i32>} : memref<128x128xf32, #tpu.memory_space<vmem>>, vector<1x16xf32>,
      %swap3A_93 = vector.shape_cast %swap3A_92 : vector<1x16xf32> to vector<16xf32>
      %swap3A_94 = vector.shape_cast %broadcast_in_dim3A_89 : vector<16xf32> to vector<1x16xf32>
      tpu.vector_store %arg9[%swap3A_90, %swap3A_91], %swap3A_94 {strides = array<i32>} : memref<128x128xf32, #tpu.memory_space<vmem>>, vector<1x16xf32>,
      %scan3A_95 = arith.constant 0 : i32
      scf.yield %scan3A_95 : i32
    }
    %scan3A_6 = arith.constant 128 : i32
    %mul3A_7 = arith.constant 632 : i32
    %mul3A_8 = arith.muli %arg1, %mul3A_7 : i32
    %add3A_9 = arith.constant 0 : i32
    %add3A_10 = arith.addi %mul3A_8, %add3A_9 : i32
    "tpu.region"() ({
      %run_scoped3A = tpu.sem_alloc : memref<!tpu.dma_semaphore, #tpu.memory_space<semaphore_mem>>
      %dma_start3A = arith.constant 0 : i32
      %dma_start3A_39 = tpu.memref_slice %arg11[%add3A_10, %dma_start3A] : memref<10112x128xf32, #tpu.memory_space<vmem_shared>> -> memref<128x128xf32, #tpu.memory_space<vmem_shared>>
      %dma_start3A_40 = arith.constant 0 : i32
      %dma_start3A_41 = tpu.memref_slice %arg11[%add3A_10, %dma_start3A_40] : memref<10112x128xf32, #tpu.memory_space<vmem_shared>> -> memref<128x128xf32, #tpu.memory_space<vmem_shared>>
      tpu.enqueue_dma source(%arg9 : memref<128x128xf32, #tpu.memory_space<vmem>>) target(%dma_start3A_41 : memref<128x128xf32, #tpu.memory_space<vmem_shared>>) target_semaphore(%run_scoped3A : memref<!tpu.dma_semaphore, #tpu.memory_space<semaphore_mem>>)
      %dma_wait3A = arith.constant 0 : i32
      %dma_wait3A_42 = tpu.memref_slice %arg11[%add3A_10, %dma_wait3A] : memref<10112x128xf32, #tpu.memory_space<vmem_shared>> -> memref<128x128xf32, #tpu.memory_space<vmem_shared>>
      %dma_wait3A_43 = arith.constant 0 : i32
      %dma_wait3A_44 = tpu.memref_slice %arg11[%add3A_10, %dma_wait3A_43] : memref<10112x128xf32, #tpu.memory_space<vmem_shared>> -> memref<128x128xf32, #tpu.memory_space<vmem_shared>>
      tpu.wait_dma2 semaphore(%run_scoped3A : memref<!tpu.dma_semaphore, #tpu.memory_space<semaphore_mem>>) src(%arg9 : memref<128x128xf32, #tpu.memory_space<vmem>>) dst(%dma_wait3A_44 : memref<128x128xf32, #tpu.memory_space<vmem_shared>>)
      tpu.yield
    }) : () -> ()
    %mul3A_11 = arith.constant 632 : i32
    %mul3A_12 = arith.muli %arg1, %mul3A_11 : i32
    %add3A_13 = arith.constant 128 : i32
    %add3A_14 = arith.addi %mul3A_12, %add3A_13 : i32
    "tpu.region"() ({
      %run_scoped3A = tpu.sem_alloc : memref<!tpu.dma_semaphore, #tpu.memory_space<semaphore_mem>>
      %dma_start3A = arith.constant 0 : i32
      %dma_start3A_39 = tpu.memref_slice %arg11[%add3A_14, %dma_start3A] : memref<10112x128xf32, #tpu.memory_space<vmem_shared>> -> memref<128x128xf32, #tpu.memory_space<vmem_shared>>
      %dma_start3A_40 = arith.constant 0 : i32
      %dma_start3A_41 = tpu.memref_slice %arg11[%add3A_14, %dma_start3A_40] : memref<10112x128xf32, #tpu.memory_space<vmem_shared>> -> memref<128x128xf32, #tpu.memory_space<vmem_shared>>
      tpu.enqueue_dma source(%arg9 : memref<128x128xf32, #tpu.memory_space<vmem>>) target(%dma_start3A_41 : memref<128x128xf32, #tpu.memory_space<vmem_shared>>) target_semaphore(%run_scoped3A : memref<!tpu.dma_semaphore, #tpu.memory_space<semaphore_mem>>)
      %dma_wait3A = arith.constant 0 : i32
      %dma_wait3A_42 = tpu.memref_slice %arg11[%add3A_14, %dma_wait3A] : memref<10112x128xf32, #tpu.memory_space<vmem_shared>> -> memref<128x128xf32, #tpu.memory_space<vmem_shared>>
      %dma_wait3A_43 = arith.constant 0 : i32
      %dma_wait3A_44 = tpu.memref_slice %arg11[%add3A_14, %dma_wait3A_43] : memref<10112x128xf32, #tpu.memory_space<vmem_shared>> -> memref<128x128xf32, #tpu.memory_space<vmem_shared>>
      tpu.wait_dma2 semaphore(%run_scoped3A : memref<!tpu.dma_semaphore, #tpu.memory_space<semaphore_mem>>) src(%arg9 : memref<128x128xf32, #tpu.memory_space<vmem>>) dst(%dma_wait3A_44 : memref<128x128xf32, #tpu.memory_space<vmem_shared>>)
      tpu.yield
    }) : () -> ()
    %mul3A_15 = arith.constant 632 : i32
    %mul3A_16 = arith.muli %arg1, %mul3A_15 : i32
    %add3A_17 = arith.constant 256 : i32
    %add3A_18 = arith.addi %mul3A_16, %add3A_17 : i32
    "tpu.region"() ({
      %run_scoped3A = tpu.sem_alloc : memref<!tpu.dma_semaphore, #tpu.memory_space<semaphore_mem>>
      %dma_start3A = arith.constant 0 : i32
      %dma_start3A_39 = tpu.memref_slice %arg11[%add3A_18, %dma_start3A] : memref<10112x128xf32, #tpu.memory_space<vmem_shared>> -> memref<128x128xf32, #tpu.memory_space<vmem_shared>>
      %dma_start3A_40 = arith.constant 0 : i32
      %dma_start3A_41 = tpu.memref_slice %arg11[%add3A_18, %dma_start3A_40] : memref<10112x128xf32, #tpu.memory_space<vmem_shared>> -> memref<128x128xf32, #tpu.memory_space<vmem_shared>>
      tpu.enqueue_dma source(%arg9 : memref<128x128xf32, #tpu.memory_space<vmem>>) target(%dma_start3A_41 : memref<128x128xf32, #tpu.memory_space<vmem_shared>>) target_semaphore(%run_scoped3A : memref<!tpu.dma_semaphore, #tpu.memory_space<semaphore_mem>>)
      %dma_wait3A = arith.constant 0 : i32
      %dma_wait3A_42 = tpu.memref_slice %arg11[%add3A_18, %dma_wait3A] : memref<10112x128xf32, #tpu.memory_space<vmem_shared>> -> memref<128x128xf32, #tpu.memory_space<vmem_shared>>
      %dma_wait3A_43 = arith.constant 0 : i32
      %dma_wait3A_44 = tpu.memref_slice %arg11[%add3A_18, %dma_wait3A_43] : memref<10112x128xf32, #tpu.memory_space<vmem_shared>> -> memref<128x128xf32, #tpu.memory_space<vmem_shared>>
      tpu.wait_dma2 semaphore(%run_scoped3A : memref<!tpu.dma_semaphore, #tpu.memory_space<semaphore_mem>>) src(%arg9 : memref<128x128xf32, #tpu.memory_space<vmem>>) dst(%dma_wait3A_44 : memref<128x128xf32, #tpu.memory_space<vmem_shared>>)
      tpu.yield
    }) : () -> ()
    %mul3A_19 = arith.constant 632 : i32
    %mul3A_20 = arith.muli %arg1, %mul3A_19 : i32
    %add3A_21 = arith.constant 384 : i32
    %add3A_22 = arith.addi %mul3A_20, %add3A_21 : i32
    "tpu.region"() ({
      %run_scoped3A = tpu.sem_alloc : memref<!tpu.dma_semaphore, #tpu.memory_space<semaphore_mem>>
      %dma_start3A = arith.constant 0 : i32
      %dma_start3A_39 = tpu.memref_slice %arg11[%add3A_22, %dma_start3A] : memref<10112x128xf32, #tpu.memory_space<vmem_shared>> -> memref<128x128xf32, #tpu.memory_space<vmem_shared>>
      %dma_start3A_40 = arith.constant 0 : i32
      %dma_start3A_41 = tpu.memref_slice %arg11[%add3A_22, %dma_start3A_40] : memref<10112x128xf32, #tpu.memory_space<vmem_shared>> -> memref<128x128xf32, #tpu.memory_space<vmem_shared>>
      tpu.enqueue_dma source(%arg9 : memref<128x128xf32, #tpu.memory_space<vmem>>) target(%dma_start3A_41 : memref<128x128xf32, #tpu.memory_space<vmem_shared>>) target_semaphore(%run_scoped3A : memref<!tpu.dma_semaphore, #tpu.memory_space<semaphore_mem>>)
      %dma_wait3A = arith.constant 0 : i32
      %dma_wait3A_42 = tpu.memref_slice %arg11[%add3A_22, %dma_wait3A] : memref<10112x128xf32, #tpu.memory_space<vmem_shared>> -> memref<128x128xf32, #tpu.memory_space<vmem_shared>>
      %dma_wait3A_43 = arith.constant 0 : i32
      %dma_wait3A_44 = tpu.memref_slice %arg11[%add3A_22, %dma_wait3A_43] : memref<10112x128xf32, #tpu.memory_space<vmem_shared>> -> memref<128x128xf32, #tpu.memory_space<vmem_shared>>
      tpu.wait_dma2 semaphore(%run_scoped3A : memref<!tpu.dma_semaphore, #tpu.memory_space<semaphore_mem>>) src(%arg9 : memref<128x128xf32, #tpu.memory_space<vmem>>) dst(%dma_wait3A_44 : memref<128x128xf32, #tpu.memory_space<vmem_shared>>)
      tpu.yield
    }) : () -> ()
    %mul3A_23 = arith.constant 632 : i32
    %mul3A_24 = arith.muli %arg1, %mul3A_23 : i32
    %add3A_25 = arith.constant 512 : i32
    %add3A_26 = arith.addi %mul3A_24, %add3A_25 : i32
    "tpu.region"() ({
      %run_scoped3A = tpu.sem_alloc : memref<!tpu.dma_semaphore, #tpu.memory_space<semaphore_mem>>
      %dma_start3A = arith.constant 0 : i32
      %dma_start3A_39 = arith.constant 0 : i32
      %dma_start3A_40 = tpu.memref_slice %arg9[%dma_start3A, %dma_start3A_39] : memref<128x128xf32, #tpu.memory_space<vmem>> -> memref<120x128xf32, #tpu.memory_space<vmem>>
      %dma_start3A_41 = arith.constant 0 : i32
      %dma_start3A_42 = tpu.memref_slice %arg11[%add3A_26, %dma_start3A_41] : memref<10112x128xf32, #tpu.memory_space<vmem_shared>> -> memref<120x128xf32, #tpu.memory_space<vmem_shared>>
      %dma_start3A_43 = arith.constant 0 : i32
      %dma_start3A_44 = tpu.memref_slice %arg11[%add3A_26, %dma_start3A_43] : memref<10112x128xf32, #tpu.memory_space<vmem_shared>> -> memref<120x128xf32, #tpu.memory_space<vmem_shared>>
      %dma_start3A_45 = arith.constant 0 : i32
      %dma_start3A_46 = arith.constant 0 : i32
      %dma_start3A_47 = tpu.memref_slice %arg9[%dma_start3A_45, %dma_start3A_46] : memref<128x128xf32, #tpu.memory_space<vmem>> -> memref<120x128xf32, #tpu.memory_space<vmem>>
      tpu.enqueue_dma source(%dma_start3A_47 : memref<120x128xf32, #tpu.memory_space<vmem>>) target(%dma_start3A_44 : memref<120x128xf32, #tpu.memory_space<vmem_shared>>) target_semaphore(%run_scoped3A : memref<!tpu.dma_semaphore, #tpu.memory_space<semaphore_mem>>)
      %dma_wait3A = arith.constant 0 : i32
      %dma_wait3A_48 = arith.constant 0 : i32
      %dma_wait3A_49 = tpu.memref_slice %arg9[%dma_wait3A, %dma_wait3A_48] : memref<128x128xf32, #tpu.memory_space<vmem>> -> memref<120x128xf32, #tpu.memory_space<vmem>>
      %dma_wait3A_50 = arith.constant 0 : i32
      %dma_wait3A_51 = tpu.memref_slice %arg11[%add3A_26, %dma_wait3A_50] : memref<10112x128xf32, #tpu.memory_space<vmem_shared>> -> memref<120x128xf32, #tpu.memory_space<vmem_shared>>
      %dma_wait3A_52 = arith.constant 0 : i32
      %dma_wait3A_53 = tpu.memref_slice %arg11[%add3A_26, %dma_wait3A_52] : memref<10112x128xf32, #tpu.memory_space<vmem_shared>> -> memref<120x128xf32, #tpu.memory_space<vmem_shared>>
      %dma_wait3A_54 = arith.constant 0 : i32
      %dma_wait3A_55 = arith.constant 0 : i32
      %dma_wait3A_56 = tpu.memref_slice %arg9[%dma_wait3A_54, %dma_wait3A_55] : memref<128x128xf32, #tpu.memory_space<vmem>> -> memref<120x128xf32, #tpu.memory_space<vmem>>
      tpu.wait_dma2 semaphore(%run_scoped3A : memref<!tpu.dma_semaphore, #tpu.memory_space<semaphore_mem>>) src(%dma_wait3A_56 : memref<120x128xf32, #tpu.memory_space<vmem>>) dst(%dma_wait3A_53 : memref<120x128xf32, #tpu.memory_space<vmem_shared>>)
      tpu.yield
    }) : () -> ()
    %barrier3A = arith.constant 0 : index
    tpu.barrier barrier_id(%barrier3A)
    %scan3A_27 = arith.constant 0 : i32
    %scan3A_28 = arith.constant 0 : i32
    %scan3A_29 = arith.constant 2 : i32
    %scan3A_30 = arith.addi %scan3A_28, %scan3A_29 : i32
    %scan3A_31 = arith.constant 1 : i32
    %scan3A_32 = scf.for %scan3A_39 = %scan3A_28 to %scan3A_30 step %scan3A_31 iter_args(%scan3A_40 = %scan3A_27) -> (i32)  : i32 {
      %mul3A_41 = arith.constant 40 : i32
      %mul3A_42 = arith.muli %scan3A_39, %mul3A_41 : i32
      "tpu.region"() ({
        %run_scoped3A = tpu.sem_alloc : memref<!tpu.dma_semaphore, #tpu.memory_space<semaphore_mem>>
        %dma_start3A = arith.constant 0 : i32
        %dma_start3A_53 = tpu.memref_slice %arg4[%add3A, %mul3A_42, %dma_start3A] : memref<32x80x128xi32, #tpu.memory_space<hbm>> -> memref<1x40x128xi32, #tpu.memory_space<hbm>>
        %dma_start3A_54 = tpu.memref_squeeze %dma_start3A_53 : memref<1x40x128xi32, #tpu.memory_space<hbm>> -> memref<40x128xi32, #tpu.memory_space<hbm>>
        %dma_start3A_55 = arith.constant 0 : i32
        %dma_start3A_56 = tpu.memref_slice %arg4[%add3A, %mul3A_42, %dma_start3A_55] : memref<32x80x128xi32, #tpu.memory_space<hbm>> -> memref<1x40x128xi32, #tpu.memory_space<hbm>>
        %dma_start3A_57 = tpu.memref_squeeze %dma_start3A_56 : memref<1x40x128xi32, #tpu.memory_space<hbm>> -> memref<40x128xi32, #tpu.memory_space<hbm>>
        tpu.enqueue_dma source(%dma_start3A_57 : memref<40x128xi32, #tpu.memory_space<hbm>>) target(%arg7 : memref<40x128xi32, #tpu.memory_space<vmem>>) target_semaphore(%run_scoped3A : memref<!tpu.dma_semaphore, #tpu.memory_space<semaphore_mem>>)
        %dma_wait3A = arith.constant 0 : i32
        %dma_wait3A_58 = tpu.memref_slice %arg4[%add3A, %mul3A_42, %dma_wait3A] : memref<32x80x128xi32, #tpu.memory_space<hbm>> -> memref<1x40x128xi32, #tpu.memory_space<hbm>>
        %dma_wait3A_59 = tpu.memref_squeeze %dma_wait3A_58 : memref<1x40x128xi32, #tpu.memory_space<hbm>> -> memref<40x128xi32, #tpu.memory_space<hbm>>
        %dma_wait3A_60 = arith.constant 0 : i32
        %dma_wait3A_61 = tpu.memref_slice %arg4[%add3A, %mul3A_42, %dma_wait3A_60] : memref<32x80x128xi32, #tpu.memory_space<hbm>> -> memref<1x40x128xi32, #tpu.memory_space<hbm>>
        %dma_wait3A_62 = tpu.memref_squeeze %dma_wait3A_61 : memref<1x40x128xi32, #tpu.memory_space<hbm>> -> memref<40x128xi32, #tpu.memory_space<hbm>>
        tpu.wait_dma2 semaphore(%run_scoped3A : memref<!tpu.dma_semaphore, #tpu.memory_space<semaphore_mem>>) src(%dma_wait3A_62 : memref<40x128xi32, #tpu.memory_space<hbm>>) dst(%arg7 : memref<40x128xi32, #tpu.memory_space<vmem>>)
        tpu.yield
      }) : () -> ()
      %mul3A_43 = arith.constant 40 : i32
      %mul3A_44 = arith.muli %scan3A_39, %mul3A_43 : i32
      "tpu.region"() ({
        %run_scoped3A = tpu.sem_alloc : memref<!tpu.dma_semaphore, #tpu.memory_space<semaphore_mem>>
        %dma_start3A = arith.constant 0 : i32
        %dma_start3A_53 = tpu.memref_slice %arg5[%add3A, %mul3A_44, %dma_start3A] : memref<32x80x128xi32, #tpu.memory_space<hbm>> -> memref<1x40x128xi32, #tpu.memory_space<hbm>>
        %dma_start3A_54 = tpu.memref_squeeze %dma_start3A_53 : memref<1x40x128xi32, #tpu.memory_space<hbm>> -> memref<40x128xi32, #tpu.memory_space<hbm>>
        %dma_start3A_55 = arith.constant 0 : i32
        %dma_start3A_56 = tpu.memref_slice %arg5[%add3A, %mul3A_44, %dma_start3A_55] : memref<32x80x128xi32, #tpu.memory_space<hbm>> -> memref<1x40x128xi32, #tpu.memory_space<hbm>>
        %dma_start3A_57 = tpu.memref_squeeze %dma_start3A_56 : memref<1x40x128xi32, #tpu.memory_space<hbm>> -> memref<40x128xi32, #tpu.memory_space<hbm>>
        tpu.enqueue_dma source(%dma_start3A_57 : memref<40x128xi32, #tpu.memory_space<hbm>>) target(%arg8 : memref<40x128xi32, #tpu.memory_space<vmem>>) target_semaphore(%run_scoped3A : memref<!tpu.dma_semaphore, #tpu.memory_space<semaphore_mem>>)
        %dma_wait3A = arith.constant 0 : i32
        %dma_wait3A_58 = tpu.memref_slice %arg5[%add3A, %mul3A_44, %dma_wait3A] : memref<32x80x128xi32, #tpu.memory_space<hbm>> -> memref<1x40x128xi32, #tpu.memory_space<hbm>>
        %dma_wait3A_59 = tpu.memref_squeeze %dma_wait3A_58 : memref<1x40x128xi32, #tpu.memory_space<hbm>> -> memref<40x128xi32, #tpu.memory_space<hbm>>
        %dma_wait3A_60 = arith.constant 0 : i32
        %dma_wait3A_61 = tpu.memref_slice %arg5[%add3A, %mul3A_44, %dma_wait3A_60] : memref<32x80x128xi32, #tpu.memory_space<hbm>> -> memref<1x40x128xi32, #tpu.memory_space<hbm>>
        %dma_wait3A_62 = tpu.memref_squeeze %dma_wait3A_61 : memref<1x40x128xi32, #tpu.memory_space<hbm>> -> memref<40x128xi32, #tpu.memory_space<hbm>>
        tpu.wait_dma2 semaphore(%run_scoped3A : memref<!tpu.dma_semaphore, #tpu.memory_space<semaphore_mem>>) src(%dma_wait3A_62 : memref<40x128xi32, #tpu.memory_space<hbm>>) dst(%arg8 : memref<40x128xi32, #tpu.memory_space<vmem>>)
        tpu.yield
      }) : () -> ()
      %scan3A_45 = arith.constant 0 : i32
      %scan3A_46 = arith.constant 0 : i32
      %scan3A_47 = arith.constant 40 : i32
      %scan3A_48 = arith.addi %scan3A_46, %scan3A_47 : i32
      %scan3A_49 = arith.constant 1 : i32
      %scan3A_50 = scf.for %scan3A_53 = %scan3A_46 to %scan3A_48 step %scan3A_49 iter_args(%scan3A_54 = %scan3A_45) -> (i32)  : i32 {
        %dma_start3A = arith.constant 0 : i32
        %dma_start3A_55 = tpu.memref_slice %arg7[%scan3A_53, %dma_start3A] : memref<40x128xi32, #tpu.memory_space<vmem>> -> memref<1x128xi32, #tpu.memory_space<vmem>>
        %dma_start3A_56 = tpu.memref_squeeze %dma_start3A_55 : memref<1x128xi32, #tpu.memory_space<vmem>> -> memref<128xi32, #tpu.memory_space<vmem>>
        %dma_start3A_57 = arith.constant 0 : i32
        %dma_start3A_58 = arith.constant 0 : i32
        %dma_start3A_59 = tpu.memref_slice %arg2[%dma_start3A_57, %dma_start3A_58] : memref<10000x128xf32, #tpu.memory_space<hbm>> -> memref<10000x128xf32, #tpu.memory_space<hbm>>
        tpu.enqueue_indirect_dma source(%dma_start3A_59 : memref<10000x128xf32, #tpu.memory_space<hbm>>) target(%arg9 : memref<128x128xf32, #tpu.memory_space<vmem>>) offsets(%dma_start3A_56 : memref<128xi32, #tpu.memory_space<vmem>>) semaphore(%arg12 : memref<!tpu.dma_semaphore, #tpu.memory_space<semaphore_mem>>)
        %mul3A_60 = arith.constant 10240 : i32
        %mul3A_61 = arith.muli %add3A, %mul3A_60 : i32
        %mul3A_62 = arith.constant 40 : i32
        %mul3A_63 = arith.muli %scan3A_39, %mul3A_62 : i32
        %add3A_64 = arith.addi %mul3A_63, %scan3A_53 : i32
        %mul3A_65 = arith.constant 128 : i32
        %mul3A_66 = arith.muli %add3A_64, %mul3A_65 : i32
        %add3A_67 = arith.addi %mul3A_61, %mul3A_66 : i32
        "tpu.region"() ({
          %run_scoped3A = tpu.sem_alloc : memref<!tpu.dma_semaphore, #tpu.memory_space<semaphore_mem>>
          %dma_start3A_81 = arith.constant 0 : i32
          %dma_start3A_82 = tpu.memref_slice %arg3[%add3A_67, %dma_start3A_81] : memref<327680x128xf32, #tpu.memory_space<hbm>> -> memref<128x128xf32, #tpu.memory_space<hbm>>
          %dma_start3A_83 = arith.constant 0 : i32
          %dma_start3A_84 = tpu.memref_slice %arg3[%add3A_67, %dma_start3A_83] : memref<327680x128xf32, #tpu.memory_space<hbm>> -> memref<128x128xf32, #tpu.memory_space<hbm>>
          tpu.enqueue_dma source(%dma_start3A_84 : memref<128x128xf32, #tpu.memory_space<hbm>>) target(%arg10 : memref<128x128xf32, #tpu.memory_space<vmem>>) target_semaphore(%run_scoped3A : memref<!tpu.dma_semaphore, #tpu.memory_space<semaphore_mem>>)
          %dma_wait3A_85 = arith.constant 0 : i32
          %dma_wait3A_86 = tpu.memref_slice %arg3[%add3A_67, %dma_wait3A_85] : memref<327680x128xf32, #tpu.memory_space<hbm>> -> memref<128x128xf32, #tpu.memory_space<hbm>>
          %dma_wait3A_87 = arith.constant 0 : i32
          %dma_wait3A_88 = tpu.memref_slice %arg3[%add3A_67, %dma_wait3A_87] : memref<327680x128xf32, #tpu.memory_space<hbm>> -> memref<128x128xf32, #tpu.memory_space<hbm>>
          tpu.wait_dma2 semaphore(%run_scoped3A : memref<!tpu.dma_semaphore, #tpu.memory_space<semaphore_mem>>) src(%dma_wait3A_88 : memref<128x128xf32, #tpu.memory_space<hbm>>) dst(%arg10 : memref<128x128xf32, #tpu.memory_space<vmem>>)
          tpu.yield
        }) : () -> ()
        %dma_wait3A = arith.constant 0 : i32
        %dma_wait3A_68 = arith.constant 0 : i32
        %dma_wait3A_69 = tpu.memref_slice %arg2[%dma_wait3A, %dma_wait3A_68] : memref<10000x128xf32, #tpu.memory_space<hbm>> -> memref<128x128xf32, #tpu.memory_space<hbm>>
        %dma_wait3A_70 = arith.constant 0 : i32
        %dma_wait3A_71 = arith.constant 0 : i32
        %dma_wait3A_72 = tpu.memref_slice %arg2[%dma_wait3A_70, %dma_wait3A_71] : memref<10000x128xf32, #tpu.memory_space<hbm>> -> memref<128x128xf32, #tpu.memory_space<hbm>>
        tpu.wait_dma2 semaphore(%arg12 : memref<!tpu.dma_semaphore, #tpu.memory_space<semaphore_mem>>) src(%dma_wait3A_72 : memref<128x128xf32, #tpu.memory_space<hbm>>) dst(%arg9 : memref<128x128xf32, #tpu.memory_space<vmem>>)
        %scan3A_73 = arith.constant 0 : i32
        %scan3A_74 = arith.constant 0 : i32
        %scan3A_75 = arith.constant 32 : i32
        %scan3A_76 = arith.addi %scan3A_74, %scan3A_75 : i32
        %scan3A_77 = arith.constant 1 : i32
        %scan3A_78 = scf.for %scan3A_81 = %scan3A_74 to %scan3A_76 step %scan3A_77 iter_args(%scan3A_82 = %scan3A_73) -> (i32)  : i32 {
          %mul3A_83 = arith.constant 4 : i32
          %mul3A_84 = arith.muli %scan3A_81, %mul3A_83 : i32
          %add3A_85 = arith.constant 0 : i32
          %add3A_86 = arith.addi %mul3A_84, %add3A_85 : i32
          %get3A = arith.index_cast %add3A_86 : i32 to index
          %get3A_87 = arith.constant 0 : index
          %get3A_88 = tpu.vector_load %arg9[%get3A, %get3A_87] {strides = array<i32>} : memref<128x128xf32, #tpu.memory_space<vmem>>, vector<1x16xf32>,
          %get3A_89 = vector.shape_cast %get3A_88 : vector<1x16xf32> to vector<16xf32>
          %get3A_90 = arith.index_cast %add3A_86 : i32 to index
          %get3A_91 = arith.constant 0 : index
          %get3A_92 = tpu.vector_load %arg10[%get3A_90, %get3A_91] {strides = array<i32>} : memref<128x128xf32, #tpu.memory_space<vmem>>, vector<1x16xf32>,
          %get3A_93 = vector.shape_cast %get3A_92 : vector<1x16xf32> to vector<16xf32>
          %add3A_94 = arith.addf %get3A_89, %get3A_93 : vector<16xf32>
          %max3A = arith.constant 0.000000e+00 : f32
          %max3A_95 = vector.broadcast %max3A : f32 to vector<16xf32>
          %max3A_96 = arith.maximumf %add3A_94, %max3A_95 : vector<16xf32>
          %swap3A = arith.index_cast %add3A_86 : i32 to index
          %swap3A_97 = arith.constant 0 : index
          %swap3A_98 = tpu.vector_load %arg10[%swap3A, %swap3A_97] {strides = array<i32>} : memref<128x128xf32, #tpu.memory_space<vmem>>, vector<1x16xf32>,
          %swap3A_99 = vector.shape_cast %swap3A_98 : vector<1x16xf32> to vector<16xf32>
          %swap3A_100 = vector.shape_cast %max3A_96 : vector<16xf32> to vector<1x16xf32>
          tpu.vector_store %arg10[%swap3A, %swap3A_97], %swap3A_100 {strides = array<i32>} : memref<128x128xf32, #tpu.memory_space<vmem>>, vector<1x16xf32>,
          %get3A_101 = arith.index_cast %add3A_86 : i32 to index
          %get3A_102 = arith.constant 16 : index
          %get3A_103 = tpu.vector_load %arg9[%get3A_101, %get3A_102] {strides = array<i32>} : memref<128x128xf32, #tpu.memory_space<vmem>>, vector<1x16xf32>,
          %get3A_104 = vector.shape_cast %get3A_103 : vector<1x16xf32> to vector<16xf32>
          %get3A_105 = arith.index_cast %add3A_86 : i32 to index
          %get3A_106 = arith.constant 16 : index
          %get3A_107 = tpu.vector_load %arg10[%get3A_105, %get3A_106] {strides = array<i32>} : memref<128x128xf32, #tpu.memory_space<vmem>>, vector<1x16xf32>,
          %get3A_108 = vector.shape_cast %get3A_107 : vector<1x16xf32> to vector<16xf32>
          %add3A_109 = arith.addf %get3A_104, %get3A_108 : vector<16xf32>
          %max3A_110 = arith.constant 0.000000e+00 : f32
          %max3A_111 = vector.broadcast %max3A_110 : f32 to vector<16xf32>
          %max3A_112 = arith.maximumf %add3A_109, %max3A_111 : vector<16xf32>
          %swap3A_113 = arith.index_cast %add3A_86 : i32 to index
          %swap3A_114 = arith.constant 16 : index
          %swap3A_115 = tpu.vector_load %arg10[%swap3A_113, %swap3A_114] {strides = array<i32>} : memref<128x128xf32, #tpu.memory_space<vmem>>, vector<1x16xf32>,
          %swap3A_116 = vector.shape_cast %swap3A_115 : vector<1x16xf32> to vector<16xf32>
          %swap3A_117 = vector.shape_cast %max3A_112 : vector<16xf32> to vector<1x16xf32>
          tpu.vector_store %arg10[%swap3A_113, %swap3A_114], %swap3A_117 {strides = array<i32>} : memref<128x128xf32, #tpu.memory_space<vmem>>, vector<1x16xf32>,
          %get3A_118 = arith.index_cast %add3A_86 : i32 to index
          %get3A_119 = arith.constant 32 : index
          %get3A_120 = tpu.vector_load %arg9[%get3A_118, %get3A_119] {strides = array<i32>} : memref<128x128xf32, #tpu.memory_space<vmem>>, vector<1x16xf32>,
          %get3A_121 = vector.shape_cast %get3A_120 : vector<1x16xf32> to vector<16xf32>
          %get3A_122 = arith.index_cast %add3A_86 : i32 to index
          %get3A_123 = arith.constant 32 : index
          %get3A_124 = tpu.vector_load %arg10[%get3A_122, %get3A_123] {strides = array<i32>} : memref<128x128xf32, #tpu.memory_space<vmem>>, vector<1x16xf32>,
          %get3A_125 = vector.shape_cast %get3A_124 : vector<1x16xf32> to vector<16xf32>
          %add3A_126 = arith.addf %get3A_121, %get3A_125 : vector<16xf32>
          %max3A_127 = arith.constant 0.000000e+00 : f32
          %max3A_128 = vector.broadcast %max3A_127 : f32 to vector<16xf32>
          %max3A_129 = arith.maximumf %add3A_126, %max3A_128 : vector<16xf32>
          %swap3A_130 = arith.index_cast %add3A_86 : i32 to index
          %swap3A_131 = arith.constant 32 : index
          %swap3A_132 = tpu.vector_load %arg10[%swap3A_130, %swap3A_131] {strides = array<i32>} : memref<128x128xf32, #tpu.memory_space<vmem>>, vector<1x16xf32>,
          %swap3A_133 = vector.shape_cast %swap3A_132 : vector<1x16xf32> to vector<16xf32>
          %swap3A_134 = vector.shape_cast %max3A_129 : vector<16xf32> to vector<1x16xf32>
          tpu.vector_store %arg10[%swap3A_130, %swap3A_131], %swap3A_134 {strides = array<i32>} : memref<128x128xf32, #tpu.memory_space<vmem>>, vector<1x16xf32>,
          %get3A_135 = arith.index_cast %add3A_86 : i32 to index
          %get3A_136 = arith.constant 48 : index
          %get3A_137 = tpu.vector_load %arg9[%get3A_135, %get3A_136] {strides = array<i32>} : memref<128x128xf32, #tpu.memory_space<vmem>>, vector<1x16xf32>,
          %get3A_138 = vector.shape_cast %get3A_137 : vector<1x16xf32> to vector<16xf32>
          %get3A_139 = arith.index_cast %add3A_86 : i32 to index
          %get3A_140 = arith.constant 48 : index
          %get3A_141 = tpu.vector_load %arg10[%get3A_139, %get3A_140] {strides = array<i32>} : memref<128x128xf32, #tpu.memory_space<vmem>>, vector<1x16xf32>,
          %get3A_142 = vector.shape_cast %get3A_141 : vector<1x16xf32> to vector<16xf32>
          %add3A_143 = arith.addf %get3A_138, %get3A_142 : vector<16xf32>
          %max3A_144 = arith.constant 0.000000e+00 : f32
          %max3A_145 = vector.broadcast %max3A_144 : f32 to vector<16xf32>
          %max3A_146 = arith.maximumf %add3A_143, %max3A_145 : vector<16xf32>
          %swap3A_147 = arith.index_cast %add3A_86 : i32 to index
          %swap3A_148 = arith.constant 48 : index
          %swap3A_149 = tpu.vector_load %arg10[%swap3A_147, %swap3A_148] {strides = array<i32>} : memref<128x128xf32, #tpu.memory_space<vmem>>, vector<1x16xf32>,
          %swap3A_150 = vector.shape_cast %swap3A_149 : vector<1x16xf32> to vector<16xf32>
          %swap3A_151 = vector.shape_cast %max3A_146 : vector<16xf32> to vector<1x16xf32>
          tpu.vector_store %arg10[%swap3A_147, %swap3A_148], %swap3A_151 {strides = array<i32>} : memref<128x128xf32, #tpu.memory_space<vmem>>, vector<1x16xf32>,
          %get3A_152 = arith.index_cast %add3A_86 : i32 to index
          %get3A_153 = arith.constant 64 : index
          %get3A_154 = tpu.vector_load %arg9[%get3A_152, %get3A_153] {strides = array<i32>} : memref<128x128xf32, #tpu.memory_space<vmem>>, vector<1x16xf32>,
          %get3A_155 = vector.shape_cast %get3A_154 : vector<1x16xf32> to vector<16xf32>
          %get3A_156 = arith.index_cast %add3A_86 : i32 to index
          %get3A_157 = arith.constant 64 : index
          %get3A_158 = tpu.vector_load %arg10[%get3A_156, %get3A_157] {strides = array<i32>} : memref<128x128xf32, #tpu.memory_space<vmem>>, vector<1x16xf32>,
          %get3A_159 = vector.shape_cast %get3A_158 : vector<1x16xf32> to vector<16xf32>
          %add3A_160 = arith.addf %get3A_155, %get3A_159 : vector<16xf32>
          %max3A_161 = arith.constant 0.000000e+00 : f32
          %max3A_162 = vector.broadcast %max3A_161 : f32 to vector<16xf32>
          %max3A_163 = arith.maximumf %add3A_160, %max3A_162 : vector<16xf32>
          %swap3A_164 = arith.index_cast %add3A_86 : i32 to index
          %swap3A_165 = arith.constant 64 : index
          %swap3A_166 = tpu.vector_load %arg10[%swap3A_164, %swap3A_165] {strides = array<i32>} : memref<128x128xf32, #tpu.memory_space<vmem>>, vector<1x16xf32>,
          %swap3A_167 = vector.shape_cast %swap3A_166 : vector<1x16xf32> to vector<16xf32>
          %swap3A_168 = vector.shape_cast %max3A_163 : vector<16xf32> to vector<1x16xf32>
          tpu.vector_store %arg10[%swap3A_164, %swap3A_165], %swap3A_168 {strides = array<i32>} : memref<128x128xf32, #tpu.memory_space<vmem>>, vector<1x16xf32>,
          %get3A_169 = arith.index_cast %add3A_86 : i32 to index
          %get3A_170 = arith.constant 80 : index
          %get3A_171 = tpu.vector_load %arg9[%get3A_169, %get3A_170] {strides = array<i32>} : memref<128x128xf32, #tpu.memory_space<vmem>>, vector<1x16xf32>,
          %get3A_172 = vector.shape_cast %get3A_171 : vector<1x16xf32> to vector<16xf32>
          %get3A_173 = arith.index_cast %add3A_86 : i32 to index
          %get3A_174 = arith.constant 80 : index
          %get3A_175 = tpu.vector_load %arg10[%get3A_173, %get3A_174] {strides = array<i32>} : memref<128x128xf32, #tpu.memory_space<vmem>>, vector<1x16xf32>,
          %get3A_176 = vector.shape_cast %get3A_175 : vector<1x16xf32> to vector<16xf32>
          %add3A_177 = arith.addf %get3A_172, %get3A_176 : vector<16xf32>
          %max3A_178 = arith.constant 0.000000e+00 : f32
          %max3A_179 = vector.broadcast %max3A_178 : f32 to vector<16xf32>
          %max3A_180 = arith.maximumf %add3A_177, %max3A_179 : vector<16xf32>
          %swap3A_181 = arith.index_cast %add3A_86 : i32 to index
          %swap3A_182 = arith.constant 80 : index
          %swap3A_183 = tpu.vector_load %arg10[%swap3A_181, %swap3A_182] {strides = array<i32>} : memref<128x128xf32, #tpu.memory_space<vmem>>, vector<1x16xf32>,
          %swap3A_184 = vector.shape_cast %swap3A_183 : vector<1x16xf32> to vector<16xf32>
          %swap3A_185 = vector.shape_cast %max3A_180 : vector<16xf32> to vector<1x16xf32>
          tpu.vector_store %arg10[%swap3A_181, %swap3A_182], %swap3A_185 {strides = array<i32>} : memref<128x128xf32, #tpu.memory_space<vmem>>, vector<1x16xf32>,
          %get3A_186 = arith.index_cast %add3A_86 : i32 to index
          %get3A_187 = arith.constant 96 : index
          %get3A_188 = tpu.vector_load %arg9[%get3A_186, %get3A_187] {strides = array<i32>} : memref<128x128xf32, #tpu.memory_space<vmem>>, vector<1x16xf32>,
          %get3A_189 = vector.shape_cast %get3A_188 : vector<1x16xf32> to vector<16xf32>
          %get3A_190 = arith.index_cast %add3A_86 : i32 to index
          %get3A_191 = arith.constant 96 : index
          %get3A_192 = tpu.vector_load %arg10[%get3A_190, %get3A_191] {strides = array<i32>} : memref<128x128xf32, #tpu.memory_space<vmem>>, vector<1x16xf32>,
          %get3A_193 = vector.shape_cast %get3A_192 : vector<1x16xf32> to vector<16xf32>
          %add3A_194 = arith.addf %get3A_189, %get3A_193 : vector<16xf32>
          %max3A_195 = arith.constant 0.000000e+00 : f32
          %max3A_196 = vector.broadcast %max3A_195 : f32 to vector<16xf32>
          %max3A_197 = arith.maximumf %add3A_194, %max3A_196 : vector<16xf32>
          %swap3A_198 = arith.index_cast %add3A_86 : i32 to index
          %swap3A_199 = arith.constant 96 : index
          %swap3A_200 = tpu.vector_load %arg10[%swap3A_198, %swap3A_199] {strides = array<i32>} : memref<128x128xf32, #tpu.memory_space<vmem>>, vector<1x16xf32>,
          %swap3A_201 = vector.shape_cast %swap3A_200 : vector<1x16xf32> to vector<16xf32>
          %swap3A_202 = vector.shape_cast %max3A_197 : vector<16xf32> to vector<1x16xf32>
          tpu.vector_store %arg10[%swap3A_198, %swap3A_199], %swap3A_202 {strides = array<i32>} : memref<128x128xf32, #tpu.memory_space<vmem>>, vector<1x16xf32>,
          %get3A_203 = arith.index_cast %add3A_86 : i32 to index
          %get3A_204 = arith.constant 112 : index
          %get3A_205 = tpu.vector_load %arg9[%get3A_203, %get3A_204] {strides = array<i32>} : memref<128x128xf32, #tpu.memory_space<vmem>>, vector<1x16xf32>,
          %get3A_206 = vector.shape_cast %get3A_205 : vector<1x16xf32> to vector<16xf32>
          %get3A_207 = arith.index_cast %add3A_86 : i32 to index
          %get3A_208 = arith.constant 112 : index
          %get3A_209 = tpu.vector_load %arg10[%get3A_207, %get3A_208] {strides = array<i32>} : memref<128x128xf32, #tpu.memory_space<vmem>>, vector<1x16xf32>,
          %get3A_210 = vector.shape_cast %get3A_209 : vector<1x16xf32> to vector<16xf32>
          %add3A_211 = arith.addf %get3A_206, %get3A_210 : vector<16xf32>
          %max3A_212 = arith.constant 0.000000e+00 : f32
          %max3A_213 = vector.broadcast %max3A_212 : f32 to vector<16xf32>
          %max3A_214 = arith.maximumf %add3A_211, %max3A_213 : vector<16xf32>
          %swap3A_215 = arith.index_cast %add3A_86 : i32 to index
          %swap3A_216 = arith.constant 112 : index
          %swap3A_217 = tpu.vector_load %arg10[%swap3A_215, %swap3A_216] {strides = array<i32>} : memref<128x128xf32, #tpu.memory_space<vmem>>, vector<1x16xf32>,
          %swap3A_218 = vector.shape_cast %swap3A_217 : vector<1x16xf32> to vector<16xf32>
          %swap3A_219 = vector.shape_cast %max3A_214 : vector<16xf32> to vector<1x16xf32>
          tpu.vector_store %arg10[%swap3A_215, %swap3A_216], %swap3A_219 {strides = array<i32>} : memref<128x128xf32, #tpu.memory_space<vmem>>, vector<1x16xf32>,
          %mul3A_220 = arith.constant 4 : i32
          %mul3A_221 = arith.muli %scan3A_81, %mul3A_220 : i32
          %add3A_222 = arith.constant 1 : i32
          %add3A_223 = arith.addi %mul3A_221, %add3A_222 : i32
          %get3A_224 = arith.index_cast %add3A_223 : i32 to index
          %get3A_225 = arith.constant 0 : index
          %get3A_226 = tpu.vector_load %arg9[%get3A_224, %get3A_225] {strides = array<i32>} : memref<128x128xf32, #tpu.memory_space<vmem>>, vector<1x16xf32>,
          %get3A_227 = vector.shape_cast %get3A_226 : vector<1x16xf32> to vector<16xf32>
          %get3A_228 = arith.index_cast %add3A_223 : i32 to index
          %get3A_229 = arith.constant 0 : index
          %get3A_230 = tpu.vector_load %arg10[%get3A_228, %get3A_229] {strides = array<i32>} : memref<128x128xf32, #tpu.memory_space<vmem>>, vector<1x16xf32>,
          %get3A_231 = vector.shape_cast %get3A_230 : vector<1x16xf32> to vector<16xf32>
          %add3A_232 = arith.addf %get3A_227, %get3A_231 : vector<16xf32>
          %max3A_233 = arith.constant 0.000000e+00 : f32
          %max3A_234 = vector.broadcast %max3A_233 : f32 to vector<16xf32>
          %max3A_235 = arith.maximumf %add3A_232, %max3A_234 : vector<16xf32>
          %swap3A_236 = arith.index_cast %add3A_223 : i32 to index
          %swap3A_237 = arith.constant 0 : index
          %swap3A_238 = tpu.vector_load %arg10[%swap3A_236, %swap3A_237] {strides = array<i32>} : memref<128x128xf32, #tpu.memory_space<vmem>>, vector<1x16xf32>,
          %swap3A_239 = vector.shape_cast %swap3A_238 : vector<1x16xf32> to vector<16xf32>
          %swap3A_240 = vector.shape_cast %max3A_235 : vector<16xf32> to vector<1x16xf32>
          tpu.vector_store %arg10[%swap3A_236, %swap3A_237], %swap3A_240 {strides = array<i32>} : memref<128x128xf32, #tpu.memory_space<vmem>>, vector<1x16xf32>,
          %get3A_241 = arith.index_cast %add3A_223 : i32 to index
          %get3A_242 = arith.constant 16 : index
          %get3A_243 = tpu.vector_load %arg9[%get3A_241, %get3A_242] {strides = array<i32>} : memref<128x128xf32, #tpu.memory_space<vmem>>, vector<1x16xf32>,
          %get3A_244 = vector.shape_cast %get3A_243 : vector<1x16xf32> to vector<16xf32>
          %get3A_245 = arith.index_cast %add3A_223 : i32 to index
          %get3A_246 = arith.constant 16 : index
          %get3A_247 = tpu.vector_load %arg10[%get3A_245, %get3A_246] {strides = array<i32>} : memref<128x128xf32, #tpu.memory_space<vmem>>, vector<1x16xf32>,
          %get3A_248 = vector.shape_cast %get3A_247 : vector<1x16xf32> to vector<16xf32>
          %add3A_249 = arith.addf %get3A_244, %get3A_248 : vector<16xf32>
          %max3A_250 = arith.constant 0.000000e+00 : f32
          %max3A_251 = vector.broadcast %max3A_250 : f32 to vector<16xf32>
          %max3A_252 = arith.maximumf %add3A_249, %max3A_251 : vector<16xf32>
          %swap3A_253 = arith.index_cast %add3A_223 : i32 to index
          %swap3A_254 = arith.constant 16 : index
          %swap3A_255 = tpu.vector_load %arg10[%swap3A_253, %swap3A_254] {strides = array<i32>} : memref<128x128xf32, #tpu.memory_space<vmem>>, vector<1x16xf32>,
          %swap3A_256 = vector.shape_cast %swap3A_255 : vector<1x16xf32> to vector<16xf32>
          %swap3A_257 = vector.shape_cast %max3A_252 : vector<16xf32> to vector<1x16xf32>
          tpu.vector_store %arg10[%swap3A_253, %swap3A_254], %swap3A_257 {strides = array<i32>} : memref<128x128xf32, #tpu.memory_space<vmem>>, vector<1x16xf32>,
          %get3A_258 = arith.index_cast %add3A_223 : i32 to index
          %get3A_259 = arith.constant 32 : index
          %get3A_260 = tpu.vector_load %arg9[%get3A_258, %get3A_259] {strides = array<i32>} : memref<128x128xf32, #tpu.memory_space<vmem>>, vector<1x16xf32>,
          %get3A_261 = vector.shape_cast %get3A_260 : vector<1x16xf32> to vector<16xf32>
          %get3A_262 = arith.index_cast %add3A_223 : i32 to index
          %get3A_263 = arith.constant 32 : index
          %get3A_264 = tpu.vector_load %arg10[%get3A_262, %get3A_263] {strides = array<i32>} : memref<128x128xf32, #tpu.memory_space<vmem>>, vector<1x16xf32>,
          %get3A_265 = vector.shape_cast %get3A_264 : vector<1x16xf32> to vector<16xf32>
          %add3A_266 = arith.addf %get3A_261, %get3A_265 : vector<16xf32>
          %max3A_267 = arith.constant 0.000000e+00 : f32
          %max3A_268 = vector.broadcast %max3A_267 : f32 to vector<16xf32>
          %max3A_269 = arith.maximumf %add3A_266, %max3A_268 : vector<16xf32>
          %swap3A_270 = arith.index_cast %add3A_223 : i32 to index
          %swap3A_271 = arith.constant 32 : index
          %swap3A_272 = tpu.vector_load %arg10[%swap3A_270, %swap3A_271] {strides = array<i32>} : memref<128x128xf32, #tpu.memory_space<vmem>>, vector<1x16xf32>,
          %swap3A_273 = vector.shape_cast %swap3A_272 : vector<1x16xf32> to vector<16xf32>
          %swap3A_274 = vector.shape_cast %max3A_269 : vector<16xf32> to vector<1x16xf32>
          tpu.vector_store %arg10[%swap3A_270, %swap3A_271], %swap3A_274 {strides = array<i32>} : memref<128x128xf32, #tpu.memory_space<vmem>>, vector<1x16xf32>,
          %get3A_275 = arith.index_cast %add3A_223 : i32 to index
          %get3A_276 = arith.constant 48 : index
          %get3A_277 = tpu.vector_load %arg9[%get3A_275, %get3A_276] {strides = array<i32>} : memref<128x128xf32, #tpu.memory_space<vmem>>, vector<1x16xf32>,
          %get3A_278 = vector.shape_cast %get3A_277 : vector<1x16xf32> to vector<16xf32>
          %get3A_279 = arith.index_cast %add3A_223 : i32 to index
          %get3A_280 = arith.constant 48 : index
          %get3A_281 = tpu.vector_load %arg10[%get3A_279, %get3A_280] {strides = array<i32>} : memref<128x128xf32, #tpu.memory_space<vmem>>, vector<1x16xf32>,
          %get3A_282 = vector.shape_cast %get3A_281 : vector<1x16xf32> to vector<16xf32>
          %add3A_283 = arith.addf %get3A_278, %get3A_282 : vector<16xf32>
          %max3A_284 = arith.constant 0.000000e+00 : f32
          %max3A_285 = vector.broadcast %max3A_284 : f32 to vector<16xf32>
          %max3A_286 = arith.maximumf %add3A_283, %max3A_285 : vector<16xf32>
          %swap3A_287 = arith.index_cast %add3A_223 : i32 to index
          %swap3A_288 = arith.constant 48 : index
          %swap3A_289 = tpu.vector_load %arg10[%swap3A_287, %swap3A_288] {strides = array<i32>} : memref<128x128xf32, #tpu.memory_space<vmem>>, vector<1x16xf32>,
          %swap3A_290 = vector.shape_cast %swap3A_289 : vector<1x16xf32> to vector<16xf32>
          %swap3A_291 = vector.shape_cast %max3A_286 : vector<16xf32> to vector<1x16xf32>
          tpu.vector_store %arg10[%swap3A_287, %swap3A_288], %swap3A_291 {strides = array<i32>} : memref<128x128xf32, #tpu.memory_space<vmem>>, vector<1x16xf32>,
          %get3A_292 = arith.index_cast %add3A_223 : i32 to index
          %get3A_293 = arith.constant 64 : index
          %get3A_294 = tpu.vector_load %arg9[%get3A_292, %get3A_293] {strides = array<i32>} : memref<128x128xf32, #tpu.memory_space<vmem>>, vector<1x16xf32>,
          %get3A_295 = vector.shape_cast %get3A_294 : vector<1x16xf32> to vector<16xf32>
          %get3A_296 = arith.index_cast %add3A_223 : i32 to index
          %get3A_297 = arith.constant 64 : index
          %get3A_298 = tpu.vector_load %arg10[%get3A_296, %get3A_297] {strides = array<i32>} : memref<128x128xf32, #tpu.memory_space<vmem>>, vector<1x16xf32>,
          %get3A_299 = vector.shape_cast %get3A_298 : vector<1x16xf32> to vector<16xf32>
          %add3A_300 = arith.addf %get3A_295, %get3A_299 : vector<16xf32>
          %max3A_301 = arith.constant 0.000000e+00 : f32
          %max3A_302 = vector.broadcast %max3A_301 : f32 to vector<16xf32>
          %max3A_303 = arith.maximumf %add3A_300, %max3A_302 : vector<16xf32>
          %swap3A_304 = arith.index_cast %add3A_223 : i32 to index
          %swap3A_305 = arith.constant 64 : index
          %swap3A_306 = tpu.vector_load %arg10[%swap3A_304, %swap3A_305] {strides = array<i32>} : memref<128x128xf32, #tpu.memory_space<vmem>>, vector<1x16xf32>,
          %swap3A_307 = vector.shape_cast %swap3A_306 : vector<1x16xf32> to vector<16xf32>
          %swap3A_308 = vector.shape_cast %max3A_303 : vector<16xf32> to vector<1x16xf32>
          tpu.vector_store %arg10[%swap3A_304, %swap3A_305], %swap3A_308 {strides = array<i32>} : memref<128x128xf32, #tpu.memory_space<vmem>>, vector<1x16xf32>,
          %get3A_309 = arith.index_cast %add3A_223 : i32 to index
          %get3A_310 = arith.constant 80 : index
          %get3A_311 = tpu.vector_load %arg9[%get3A_309, %get3A_310] {strides = array<i32>} : memref<128x128xf32, #tpu.memory_space<vmem>>, vector<1x16xf32>,
          %get3A_312 = vector.shape_cast %get3A_311 : vector<1x16xf32> to vector<16xf32>
          %get3A_313 = arith.index_cast %add3A_223 : i32 to index
          %get3A_314 = arith.constant 80 : index
          %get3A_315 = tpu.vector_load %arg10[%get3A_313, %get3A_314] {strides = array<i32>} : memref<128x128xf32, #tpu.memory_space<vmem>>, vector<1x16xf32>,
          %get3A_316 = vector.shape_cast %get3A_315 : vector<1x16xf32> to vector<16xf32>
          %add3A_317 = arith.addf %get3A_312, %get3A_316 : vector<16xf32>
          %max3A_318 = arith.constant 0.000000e+00 : f32
          %max3A_319 = vector.broadcast %max3A_318 : f32 to vector<16xf32>
          %max3A_320 = arith.maximumf %add3A_317, %max3A_319 : vector<16xf32>
          %swap3A_321 = arith.index_cast %add3A_223 : i32 to index
          %swap3A_322 = arith.constant 80 : index
          %swap3A_323 = tpu.vector_load %arg10[%swap3A_321, %swap3A_322] {strides = array<i32>} : memref<128x128xf32, #tpu.memory_space<vmem>>, vector<1x16xf32>,
          %swap3A_324 = vector.shape_cast %swap3A_323 : vector<1x16xf32> to vector<16xf32>
          %swap3A_325 = vector.shape_cast %max3A_320 : vector<16xf32> to vector<1x16xf32>
          tpu.vector_store %arg10[%swap3A_321, %swap3A_322], %swap3A_325 {strides = array<i32>} : memref<128x128xf32, #tpu.memory_space<vmem>>, vector<1x16xf32>,
          %get3A_326 = arith.index_cast %add3A_223 : i32 to index
          %get3A_327 = arith.constant 96 : index
          %get3A_328 = tpu.vector_load %arg9[%get3A_326, %get3A_327] {strides = array<i32>} : memref<128x128xf32, #tpu.memory_space<vmem>>, vector<1x16xf32>,
          %get3A_329 = vector.shape_cast %get3A_328 : vector<1x16xf32> to vector<16xf32>
          %get3A_330 = arith.index_cast %add3A_223 : i32 to index
          %get3A_331 = arith.constant 96 : index
          %get3A_332 = tpu.vector_load %arg10[%get3A_330, %get3A_331] {strides = array<i32>} : memref<128x128xf32, #tpu.memory_space<vmem>>, vector<1x16xf32>,
          %get3A_333 = vector.shape_cast %get3A_332 : vector<1x16xf32> to vector<16xf32>
          %add3A_334 = arith.addf %get3A_329, %get3A_333 : vector<16xf32>
          %max3A_335 = arith.constant 0.000000e+00 : f32
          %max3A_336 = vector.broadcast %max3A_335 : f32 to vector<16xf32>
          %max3A_337 = arith.maximumf %add3A_334, %max3A_336 : vector<16xf32>
          %swap3A_338 = arith.index_cast %add3A_223 : i32 to index
          %swap3A_339 = arith.constant 96 : index
          %swap3A_340 = tpu.vector_load %arg10[%swap3A_338, %swap3A_339] {strides = array<i32>} : memref<128x128xf32, #tpu.memory_space<vmem>>, vector<1x16xf32>,
          %swap3A_341 = vector.shape_cast %swap3A_340 : vector<1x16xf32> to vector<16xf32>
          %swap3A_342 = vector.shape_cast %max3A_337 : vector<16xf32> to vector<1x16xf32>
          tpu.vector_store %arg10[%swap3A_338, %swap3A_339], %swap3A_342 {strides = array<i32>} : memref<128x128xf32, #tpu.memory_space<vmem>>, vector<1x16xf32>,
          %get3A_343 = arith.index_cast %add3A_223 : i32 to index
          %get3A_344 = arith.constant 112 : index
          %get3A_345 = tpu.vector_load %arg9[%get3A_343, %get3A_344] {strides = array<i32>} : memref<128x128xf32, #tpu.memory_space<vmem>>, vector<1x16xf32>,
          %get3A_346 = vector.shape_cast %get3A_345 : vector<1x16xf32> to vector<16xf32>
          %get3A_347 = arith.index_cast %add3A_223 : i32 to index
          %get3A_348 = arith.constant 112 : index
          %get3A_349 = tpu.vector_load %arg10[%get3A_347, %get3A_348] {strides = array<i32>} : memref<128x128xf32, #tpu.memory_space<vmem>>, vector<1x16xf32>,
          %get3A_350 = vector.shape_cast %get3A_349 : vector<1x16xf32> to vector<16xf32>
          %add3A_351 = arith.addf %get3A_346, %get3A_350 : vector<16xf32>
          %max3A_352 = arith.constant 0.000000e+00 : f32
          %max3A_353 = vector.broadcast %max3A_352 : f32 to vector<16xf32>
          %max3A_354 = arith.maximumf %add3A_351, %max3A_353 : vector<16xf32>
          %swap3A_355 = arith.index_cast %add3A_223 : i32 to index
          %swap3A_356 = arith.constant 112 : index
          %swap3A_357 = tpu.vector_load %arg10[%swap3A_355, %swap3A_356] {strides = array<i32>} : memref<128x128xf32, #tpu.memory_space<vmem>>, vector<1x16xf32>,
          %swap3A_358 = vector.shape_cast %swap3A_357 : vector<1x16xf32> to vector<16xf32>
          %swap3A_359 = vector.shape_cast %max3A_354 : vector<16xf32> to vector<1x16xf32>
          tpu.vector_store %arg10[%swap3A_355, %swap3A_356], %swap3A_359 {strides = array<i32>} : memref<128x128xf32, #tpu.memory_space<vmem>>, vector<1x16xf32>,
          %mul3A_360 = arith.constant 4 : i32
          %mul3A_361 = arith.muli %scan3A_81, %mul3A_360 : i32
          %add3A_362 = arith.constant 2 : i32
          %add3A_363 = arith.addi %mul3A_361, %add3A_362 : i32
          %get3A_364 = arith.index_cast %add3A_363 : i32 to index
          %get3A_365 = arith.constant 0 : index
          %get3A_366 = tpu.vector_load %arg9[%get3A_364, %get3A_365] {strides = array<i32>} : memref<128x128xf32, #tpu.memory_space<vmem>>, vector<1x16xf32>,
          %get3A_367 = vector.shape_cast %get3A_366 : vector<1x16xf32> to vector<16xf32>
          %get3A_368 = arith.index_cast %add3A_363 : i32 to index
          %get3A_369 = arith.constant 0 : index
          %get3A_370 = tpu.vector_load %arg10[%get3A_368, %get3A_369] {strides = array<i32>} : memref<128x128xf32, #tpu.memory_space<vmem>>, vector<1x16xf32>,
          %get3A_371 = vector.shape_cast %get3A_370 : vector<1x16xf32> to vector<16xf32>
          %add3A_372 = arith.addf %get3A_367, %get3A_371 : vector<16xf32>
          %max3A_373 = arith.constant 0.000000e+00 : f32
          %max3A_374 = vector.broadcast %max3A_373 : f32 to vector<16xf32>
          %max3A_375 = arith.maximumf %add3A_372, %max3A_374 : vector<16xf32>
          %swap3A_376 = arith.index_cast %add3A_363 : i32 to index
          %swap3A_377 = arith.constant 0 : index
          %swap3A_378 = tpu.vector_load %arg10[%swap3A_376, %swap3A_377] {strides = array<i32>} : memref<128x128xf32, #tpu.memory_space<vmem>>, vector<1x16xf32>,
          %swap3A_379 = vector.shape_cast %swap3A_378 : vector<1x16xf32> to vector<16xf32>
          %swap3A_380 = vector.shape_cast %max3A_375 : vector<16xf32> to vector<1x16xf32>
          tpu.vector_store %arg10[%swap3A_376, %swap3A_377], %swap3A_380 {strides = array<i32>} : memref<128x128xf32, #tpu.memory_space<vmem>>, vector<1x16xf32>,
          %get3A_381 = arith.index_cast %add3A_363 : i32 to index
          %get3A_382 = arith.constant 16 : index
          %get3A_383 = tpu.vector_load %arg9[%get3A_381, %get3A_382] {strides = array<i32>} : memref<128x128xf32, #tpu.memory_space<vmem>>, vector<1x16xf32>,
          %get3A_384 = vector.shape_cast %get3A_383 : vector<1x16xf32> to vector<16xf32>
          %get3A_385 = arith.index_cast %add3A_363 : i32 to index
          %get3A_386 = arith.constant 16 : index
          %get3A_387 = tpu.vector_load %arg10[%get3A_385, %get3A_386] {strides = array<i32>} : memref<128x128xf32, #tpu.memory_space<vmem>>, vector<1x16xf32>,
          %get3A_388 = vector.shape_cast %get3A_387 : vector<1x16xf32> to vector<16xf32>
          %add3A_389 = arith.addf %get3A_384, %get3A_388 : vector<16xf32>
          %max3A_390 = arith.constant 0.000000e+00 : f32
          %max3A_391 = vector.broadcast %max3A_390 : f32 to vector<16xf32>
          %max3A_392 = arith.maximumf %add3A_389, %max3A_391 : vector<16xf32>
          %swap3A_393 = arith.index_cast %add3A_363 : i32 to index
          %swap3A_394 = arith.constant 16 : index
          %swap3A_395 = tpu.vector_load %arg10[%swap3A_393, %swap3A_394] {strides = array<i32>} : memref<128x128xf32, #tpu.memory_space<vmem>>, vector<1x16xf32>,
          %swap3A_396 = vector.shape_cast %swap3A_395 : vector<1x16xf32> to vector<16xf32>
          %swap3A_397 = vector.shape_cast %max3A_392 : vector<16xf32> to vector<1x16xf32>
          tpu.vector_store %arg10[%swap3A_393, %swap3A_394], %swap3A_397 {strides = array<i32>} : memref<128x128xf32, #tpu.memory_space<vmem>>, vector<1x16xf32>,
          %get3A_398 = arith.index_cast %add3A_363 : i32 to index
          %get3A_399 = arith.constant 32 : index
          %get3A_400 = tpu.vector_load %arg9[%get3A_398, %get3A_399] {strides = array<i32>} : memref<128x128xf32, #tpu.memory_space<vmem>>, vector<1x16xf32>,
          %get3A_401 = vector.shape_cast %get3A_400 : vector<1x16xf32> to vector<16xf32>
          %get3A_402 = arith.index_cast %add3A_363 : i32 to index
          %get3A_403 = arith.constant 32 : index
          %get3A_404 = tpu.vector_load %arg10[%get3A_402, %get3A_403] {strides = array<i32>} : memref<128x128xf32, #tpu.memory_space<vmem>>, vector<1x16xf32>,
          %get3A_405 = vector.shape_cast %get3A_404 : vector<1x16xf32> to vector<16xf32>
          %add3A_406 = arith.addf %get3A_401, %get3A_405 : vector<16xf32>
          %max3A_407 = arith.constant 0.000000e+00 : f32
          %max3A_408 = vector.broadcast %max3A_407 : f32 to vector<16xf32>
          %max3A_409 = arith.maximumf %add3A_406, %max3A_408 : vector<16xf32>
          %swap3A_410 = arith.index_cast %add3A_363 : i32 to index
          %swap3A_411 = arith.constant 32 : index
          %swap3A_412 = tpu.vector_load %arg10[%swap3A_410, %swap3A_411] {strides = array<i32>} : memref<128x128xf32, #tpu.memory_space<vmem>>, vector<1x16xf32>,
          %swap3A_413 = vector.shape_cast %swap3A_412 : vector<1x16xf32> to vector<16xf32>
          %swap3A_414 = vector.shape_cast %max3A_409 : vector<16xf32> to vector<1x16xf32>
          tpu.vector_store %arg10[%swap3A_410, %swap3A_411], %swap3A_414 {strides = array<i32>} : memref<128x128xf32, #tpu.memory_space<vmem>>, vector<1x16xf32>,
          %get3A_415 = arith.index_cast %add3A_363 : i32 to index
          %get3A_416 = arith.constant 48 : index
          %get3A_417 = tpu.vector_load %arg9[%get3A_415, %get3A_416] {strides = array<i32>} : memref<128x128xf32, #tpu.memory_space<vmem>>, vector<1x16xf32>,
          %get3A_418 = vector.shape_cast %get3A_417 : vector<1x16xf32> to vector<16xf32>
          %get3A_419 = arith.index_cast %add3A_363 : i32 to index
          %get3A_420 = arith.constant 48 : index
          %get3A_421 = tpu.vector_load %arg10[%get3A_419, %get3A_420] {strides = array<i32>} : memref<128x128xf32, #tpu.memory_space<vmem>>, vector<1x16xf32>,
          %get3A_422 = vector.shape_cast %get3A_421 : vector<1x16xf32> to vector<16xf32>
          %add3A_423 = arith.addf %get3A_418, %get3A_422 : vector<16xf32>
          %max3A_424 = arith.constant 0.000000e+00 : f32
          %max3A_425 = vector.broadcast %max3A_424 : f32 to vector<16xf32>
          %max3A_426 = arith.maximumf %add3A_423, %max3A_425 : vector<16xf32>
          %swap3A_427 = arith.index_cast %add3A_363 : i32 to index
          %swap3A_428 = arith.constant 48 : index
          %swap3A_429 = tpu.vector_load %arg10[%swap3A_427, %swap3A_428] {strides = array<i32>} : memref<128x128xf32, #tpu.memory_space<vmem>>, vector<1x16xf32>,
          %swap3A_430 = vector.shape_cast %swap3A_429 : vector<1x16xf32> to vector<16xf32>
          %swap3A_431 = vector.shape_cast %max3A_426 : vector<16xf32> to vector<1x16xf32>
          tpu.vector_store %arg10[%swap3A_427, %swap3A_428], %swap3A_431 {strides = array<i32>} : memref<128x128xf32, #tpu.memory_space<vmem>>, vector<1x16xf32>,
          %get3A_432 = arith.index_cast %add3A_363 : i32 to index
          %get3A_433 = arith.constant 64 : index
          %get3A_434 = tpu.vector_load %arg9[%get3A_432, %get3A_433] {strides = array<i32>} : memref<128x128xf32, #tpu.memory_space<vmem>>, vector<1x16xf32>,
          %get3A_435 = vector.shape_cast %get3A_434 : vector<1x16xf32> to vector<16xf32>
          %get3A_436 = arith.index_cast %add3A_363 : i32 to index
          %get3A_437 = arith.constant 64 : index
          %get3A_438 = tpu.vector_load %arg10[%get3A_436, %get3A_437] {strides = array<i32>} : memref<128x128xf32, #tpu.memory_space<vmem>>, vector<1x16xf32>,
          %get3A_439 = vector.shape_cast %get3A_438 : vector<1x16xf32> to vector<16xf32>
          %add3A_440 = arith.addf %get3A_435, %get3A_439 : vector<16xf32>
          %max3A_441 = arith.constant 0.000000e+00 : f32
          %max3A_442 = vector.broadcast %max3A_441 : f32 to vector<16xf32>
          %max3A_443 = arith.maximumf %add3A_440, %max3A_442 : vector<16xf32>
          %swap3A_444 = arith.index_cast %add3A_363 : i32 to index
          %swap3A_445 = arith.constant 64 : index
          %swap3A_446 = tpu.vector_load %arg10[%swap3A_444, %swap3A_445] {strides = array<i32>} : memref<128x128xf32, #tpu.memory_space<vmem>>, vector<1x16xf32>,
          %swap3A_447 = vector.shape_cast %swap3A_446 : vector<1x16xf32> to vector<16xf32>
          %swap3A_448 = vector.shape_cast %max3A_443 : vector<16xf32> to vector<1x16xf32>
          tpu.vector_store %arg10[%swap3A_444, %swap3A_445], %swap3A_448 {strides = array<i32>} : memref<128x128xf32, #tpu.memory_space<vmem>>, vector<1x16xf32>,
          %get3A_449 = arith.index_cast %add3A_363 : i32 to index
          %get3A_450 = arith.constant 80 : index
          %get3A_451 = tpu.vector_load %arg9[%get3A_449, %get3A_450] {strides = array<i32>} : memref<128x128xf32, #tpu.memory_space<vmem>>, vector<1x16xf32>,
          %get3A_452 = vector.shape_cast %get3A_451 : vector<1x16xf32> to vector<16xf32>
          %get3A_453 = arith.index_cast %add3A_363 : i32 to index
          %get3A_454 = arith.constant 80 : index
          %get3A_455 = tpu.vector_load %arg10[%get3A_453, %get3A_454] {strides = array<i32>} : memref<128x128xf32, #tpu.memory_space<vmem>>, vector<1x16xf32>,
          %get3A_456 = vector.shape_cast %get3A_455 : vector<1x16xf32> to vector<16xf32>
          %add3A_457 = arith.addf %get3A_452, %get3A_456 : vector<16xf32>
          %max3A_458 = arith.constant 0.000000e+00 : f32
          %max3A_459 = vector.broadcast %max3A_458 : f32 to vector<16xf32>
          %max3A_460 = arith.maximumf %add3A_457, %max3A_459 : vector<16xf32>
          %swap3A_461 = arith.index_cast %add3A_363 : i32 to index
          %swap3A_462 = arith.constant 80 : index
          %swap3A_463 = tpu.vector_load %arg10[%swap3A_461, %swap3A_462] {strides = array<i32>} : memref<128x128xf32, #tpu.memory_space<vmem>>, vector<1x16xf32>,
          %swap3A_464 = vector.shape_cast %swap3A_463 : vector<1x16xf32> to vector<16xf32>
          %swap3A_465 = vector.shape_cast %max3A_460 : vector<16xf32> to vector<1x16xf32>
          tpu.vector_store %arg10[%swap3A_461, %swap3A_462], %swap3A_465 {strides = array<i32>} : memref<128x128xf32, #tpu.memory_space<vmem>>, vector<1x16xf32>,
          %get3A_466 = arith.index_cast %add3A_363 : i32 to index
          %get3A_467 = arith.constant 96 : index
          %get3A_468 = tpu.vector_load %arg9[%get3A_466, %get3A_467] {strides = array<i32>} : memref<128x128xf32, #tpu.memory_space<vmem>>, vector<1x16xf32>,
          %get3A_469 = vector.shape_cast %get3A_468 : vector<1x16xf32> to vector<16xf32>
          %get3A_470 = arith.index_cast %add3A_363 : i32 to index
          %get3A_471 = arith.constant 96 : index
          %get3A_472 = tpu.vector_load %arg10[%get3A_470, %get3A_471] {strides = array<i32>} : memref<128x128xf32, #tpu.memory_space<vmem>>, vector<1x16xf32>,
          %get3A_473 = vector.shape_cast %get3A_472 : vector<1x16xf32> to vector<16xf32>
          %add3A_474 = arith.addf %get3A_469, %get3A_473 : vector<16xf32>
          %max3A_475 = arith.constant 0.000000e+00 : f32
          %max3A_476 = vector.broadcast %max3A_475 : f32 to vector<16xf32>
          %max3A_477 = arith.maximumf %add3A_474, %max3A_476 : vector<16xf32>
          %swap3A_478 = arith.index_cast %add3A_363 : i32 to index
          %swap3A_479 = arith.constant 96 : index
          %swap3A_480 = tpu.vector_load %arg10[%swap3A_478, %swap3A_479] {strides = array<i32>} : memref<128x128xf32, #tpu.memory_space<vmem>>, vector<1x16xf32>,
          %swap3A_481 = vector.shape_cast %swap3A_480 : vector<1x16xf32> to vector<16xf32>
          %swap3A_482 = vector.shape_cast %max3A_477 : vector<16xf32> to vector<1x16xf32>
          tpu.vector_store %arg10[%swap3A_478, %swap3A_479], %swap3A_482 {strides = array<i32>} : memref<128x128xf32, #tpu.memory_space<vmem>>, vector<1x16xf32>,
          %get3A_483 = arith.index_cast %add3A_363 : i32 to index
          %get3A_484 = arith.constant 112 : index
          %get3A_485 = tpu.vector_load %arg9[%get3A_483, %get3A_484] {strides = array<i32>} : memref<128x128xf32, #tpu.memory_space<vmem>>, vector<1x16xf32>,
          %get3A_486 = vector.shape_cast %get3A_485 : vector<1x16xf32> to vector<16xf32>
          %get3A_487 = arith.index_cast %add3A_363 : i32 to index
          %get3A_488 = arith.constant 112 : index
          %get3A_489 = tpu.vector_load %arg10[%get3A_487, %get3A_488] {strides = array<i32>} : memref<128x128xf32, #tpu.memory_space<vmem>>, vector<1x16xf32>,
          %get3A_490 = vector.shape_cast %get3A_489 : vector<1x16xf32> to vector<16xf32>
          %add3A_491 = arith.addf %get3A_486, %get3A_490 : vector<16xf32>
          %max3A_492 = arith.constant 0.000000e+00 : f32
          %max3A_493 = vector.broadcast %max3A_492 : f32 to vector<16xf32>
          %max3A_494 = arith.maximumf %add3A_491, %max3A_493 : vector<16xf32>
          %swap3A_495 = arith.index_cast %add3A_363 : i32 to index
          %swap3A_496 = arith.constant 112 : index
          %swap3A_497 = tpu.vector_load %arg10[%swap3A_495, %swap3A_496] {strides = array<i32>} : memref<128x128xf32, #tpu.memory_space<vmem>>, vector<1x16xf32>,
          %swap3A_498 = vector.shape_cast %swap3A_497 : vector<1x16xf32> to vector<16xf32>
          %swap3A_499 = vector.shape_cast %max3A_494 : vector<16xf32> to vector<1x16xf32>
          tpu.vector_store %arg10[%swap3A_495, %swap3A_496], %swap3A_499 {strides = array<i32>} : memref<128x128xf32, #tpu.memory_space<vmem>>, vector<1x16xf32>,
          %mul3A_500 = arith.constant 4 : i32
          %mul3A_501 = arith.muli %scan3A_81, %mul3A_500 : i32
          %add3A_502 = arith.constant 3 : i32
          %add3A_503 = arith.addi %mul3A_501, %add3A_502 : i32
          %get3A_504 = arith.index_cast %add3A_503 : i32 to index
          %get3A_505 = arith.constant 0 : index
          %get3A_506 = tpu.vector_load %arg9[%get3A_504, %get3A_505] {strides = array<i32>} : memref<128x128xf32, #tpu.memory_space<vmem>>, vector<1x16xf32>,
          %get3A_507 = vector.shape_cast %get3A_506 : vector<1x16xf32> to vector<16xf32>
          %get3A_508 = arith.index_cast %add3A_503 : i32 to index
          %get3A_509 = arith.constant 0 : index
          %get3A_510 = tpu.vector_load %arg10[%get3A_508, %get3A_509] {strides = array<i32>} : memref<128x128xf32, #tpu.memory_space<vmem>>, vector<1x16xf32>,
          %get3A_511 = vector.shape_cast %get3A_510 : vector<1x16xf32> to vector<16xf32>
          %add3A_512 = arith.addf %get3A_507, %get3A_511 : vector<16xf32>
          %max3A_513 = arith.constant 0.000000e+00 : f32
          %max3A_514 = vector.broadcast %max3A_513 : f32 to vector<16xf32>
          %max3A_515 = arith.maximumf %add3A_512, %max3A_514 : vector<16xf32>
          %swap3A_516 = arith.index_cast %add3A_503 : i32 to index
          %swap3A_517 = arith.constant 0 : index
          %swap3A_518 = tpu.vector_load %arg10[%swap3A_516, %swap3A_517] {strides = array<i32>} : memref<128x128xf32, #tpu.memory_space<vmem>>, vector<1x16xf32>,
          %swap3A_519 = vector.shape_cast %swap3A_518 : vector<1x16xf32> to vector<16xf32>
          %swap3A_520 = vector.shape_cast %max3A_515 : vector<16xf32> to vector<1x16xf32>
          tpu.vector_store %arg10[%swap3A_516, %swap3A_517], %swap3A_520 {strides = array<i32>} : memref<128x128xf32, #tpu.memory_space<vmem>>, vector<1x16xf32>,
          %get3A_521 = arith.index_cast %add3A_503 : i32 to index
          %get3A_522 = arith.constant 16 : index
          %get3A_523 = tpu.vector_load %arg9[%get3A_521, %get3A_522] {strides = array<i32>} : memref<128x128xf32, #tpu.memory_space<vmem>>, vector<1x16xf32>,
          %get3A_524 = vector.shape_cast %get3A_523 : vector<1x16xf32> to vector<16xf32>
          %get3A_525 = arith.index_cast %add3A_503 : i32 to index
          %get3A_526 = arith.constant 16 : index
          %get3A_527 = tpu.vector_load %arg10[%get3A_525, %get3A_526] {strides = array<i32>} : memref<128x128xf32, #tpu.memory_space<vmem>>, vector<1x16xf32>,
          %get3A_528 = vector.shape_cast %get3A_527 : vector<1x16xf32> to vector<16xf32>
          %add3A_529 = arith.addf %get3A_524, %get3A_528 : vector<16xf32>
          %max3A_530 = arith.constant 0.000000e+00 : f32
          %max3A_531 = vector.broadcast %max3A_530 : f32 to vector<16xf32>
          %max3A_532 = arith.maximumf %add3A_529, %max3A_531 : vector<16xf32>
          %swap3A_533 = arith.index_cast %add3A_503 : i32 to index
          %swap3A_534 = arith.constant 16 : index
          %swap3A_535 = tpu.vector_load %arg10[%swap3A_533, %swap3A_534] {strides = array<i32>} : memref<128x128xf32, #tpu.memory_space<vmem>>, vector<1x16xf32>,
          %swap3A_536 = vector.shape_cast %swap3A_535 : vector<1x16xf32> to vector<16xf32>
          %swap3A_537 = vector.shape_cast %max3A_532 : vector<16xf32> to vector<1x16xf32>
          tpu.vector_store %arg10[%swap3A_533, %swap3A_534], %swap3A_537 {strides = array<i32>} : memref<128x128xf32, #tpu.memory_space<vmem>>, vector<1x16xf32>,
          %get3A_538 = arith.index_cast %add3A_503 : i32 to index
          %get3A_539 = arith.constant 32 : index
          %get3A_540 = tpu.vector_load %arg9[%get3A_538, %get3A_539] {strides = array<i32>} : memref<128x128xf32, #tpu.memory_space<vmem>>, vector<1x16xf32>,
          %get3A_541 = vector.shape_cast %get3A_540 : vector<1x16xf32> to vector<16xf32>
          %get3A_542 = arith.index_cast %add3A_503 : i32 to index
          %get3A_543 = arith.constant 32 : index
          %get3A_544 = tpu.vector_load %arg10[%get3A_542, %get3A_543] {strides = array<i32>} : memref<128x128xf32, #tpu.memory_space<vmem>>, vector<1x16xf32>,
          %get3A_545 = vector.shape_cast %get3A_544 : vector<1x16xf32> to vector<16xf32>
          %add3A_546 = arith.addf %get3A_541, %get3A_545 : vector<16xf32>
          %max3A_547 = arith.constant 0.000000e+00 : f32
          %max3A_548 = vector.broadcast %max3A_547 : f32 to vector<16xf32>
          %max3A_549 = arith.maximumf %add3A_546, %max3A_548 : vector<16xf32>
          %swap3A_550 = arith.index_cast %add3A_503 : i32 to index
          %swap3A_551 = arith.constant 32 : index
          %swap3A_552 = tpu.vector_load %arg10[%swap3A_550, %swap3A_551] {strides = array<i32>} : memref<128x128xf32, #tpu.memory_space<vmem>>, vector<1x16xf32>,
          %swap3A_553 = vector.shape_cast %swap3A_552 : vector<1x16xf32> to vector<16xf32>
          %swap3A_554 = vector.shape_cast %max3A_549 : vector<16xf32> to vector<1x16xf32>
          tpu.vector_store %arg10[%swap3A_550, %swap3A_551], %swap3A_554 {strides = array<i32>} : memref<128x128xf32, #tpu.memory_space<vmem>>, vector<1x16xf32>,
          %get3A_555 = arith.index_cast %add3A_503 : i32 to index
          %get3A_556 = arith.constant 48 : index
          %get3A_557 = tpu.vector_load %arg9[%get3A_555, %get3A_556] {strides = array<i32>} : memref<128x128xf32, #tpu.memory_space<vmem>>, vector<1x16xf32>,
          %get3A_558 = vector.shape_cast %get3A_557 : vector<1x16xf32> to vector<16xf32>
          %get3A_559 = arith.index_cast %add3A_503 : i32 to index
          %get3A_560 = arith.constant 48 : index
          %get3A_561 = tpu.vector_load %arg10[%get3A_559, %get3A_560] {strides = array<i32>} : memref<128x128xf32, #tpu.memory_space<vmem>>, vector<1x16xf32>,
          %get3A_562 = vector.shape_cast %get3A_561 : vector<1x16xf32> to vector<16xf32>
          %add3A_563 = arith.addf %get3A_558, %get3A_562 : vector<16xf32>
          %max3A_564 = arith.constant 0.000000e+00 : f32
          %max3A_565 = vector.broadcast %max3A_564 : f32 to vector<16xf32>
          %max3A_566 = arith.maximumf %add3A_563, %max3A_565 : vector<16xf32>
          %swap3A_567 = arith.index_cast %add3A_503 : i32 to index
          %swap3A_568 = arith.constant 48 : index
          %swap3A_569 = tpu.vector_load %arg10[%swap3A_567, %swap3A_568] {strides = array<i32>} : memref<128x128xf32, #tpu.memory_space<vmem>>, vector<1x16xf32>,
          %swap3A_570 = vector.shape_cast %swap3A_569 : vector<1x16xf32> to vector<16xf32>
          %swap3A_571 = vector.shape_cast %max3A_566 : vector<16xf32> to vector<1x16xf32>
          tpu.vector_store %arg10[%swap3A_567, %swap3A_568], %swap3A_571 {strides = array<i32>} : memref<128x128xf32, #tpu.memory_space<vmem>>, vector<1x16xf32>,
          %get3A_572 = arith.index_cast %add3A_503 : i32 to index
          %get3A_573 = arith.constant 64 : index
          %get3A_574 = tpu.vector_load %arg9[%get3A_572, %get3A_573] {strides = array<i32>} : memref<128x128xf32, #tpu.memory_space<vmem>>, vector<1x16xf32>,
          %get3A_575 = vector.shape_cast %get3A_574 : vector<1x16xf32> to vector<16xf32>
          %get3A_576 = arith.index_cast %add3A_503 : i32 to index
          %get3A_577 = arith.constant 64 : index
          %get3A_578 = tpu.vector_load %arg10[%get3A_576, %get3A_577] {strides = array<i32>} : memref<128x128xf32, #tpu.memory_space<vmem>>, vector<1x16xf32>,
          %get3A_579 = vector.shape_cast %get3A_578 : vector<1x16xf32> to vector<16xf32>
          %add3A_580 = arith.addf %get3A_575, %get3A_579 : vector<16xf32>
          %max3A_581 = arith.constant 0.000000e+00 : f32
          %max3A_582 = vector.broadcast %max3A_581 : f32 to vector<16xf32>
          %max3A_583 = arith.maximumf %add3A_580, %max3A_582 : vector<16xf32>
          %swap3A_584 = arith.index_cast %add3A_503 : i32 to index
          %swap3A_585 = arith.constant 64 : index
          %swap3A_586 = tpu.vector_load %arg10[%swap3A_584, %swap3A_585] {strides = array<i32>} : memref<128x128xf32, #tpu.memory_space<vmem>>, vector<1x16xf32>,
          %swap3A_587 = vector.shape_cast %swap3A_586 : vector<1x16xf32> to vector<16xf32>
          %swap3A_588 = vector.shape_cast %max3A_583 : vector<16xf32> to vector<1x16xf32>
          tpu.vector_store %arg10[%swap3A_584, %swap3A_585], %swap3A_588 {strides = array<i32>} : memref<128x128xf32, #tpu.memory_space<vmem>>, vector<1x16xf32>,
          %get3A_589 = arith.index_cast %add3A_503 : i32 to index
          %get3A_590 = arith.constant 80 : index
          %get3A_591 = tpu.vector_load %arg9[%get3A_589, %get3A_590] {strides = array<i32>} : memref<128x128xf32, #tpu.memory_space<vmem>>, vector<1x16xf32>,
          %get3A_592 = vector.shape_cast %get3A_591 : vector<1x16xf32> to vector<16xf32>
          %get3A_593 = arith.index_cast %add3A_503 : i32 to index
          %get3A_594 = arith.constant 80 : index
          %get3A_595 = tpu.vector_load %arg10[%get3A_593, %get3A_594] {strides = array<i32>} : memref<128x128xf32, #tpu.memory_space<vmem>>, vector<1x16xf32>,
          %get3A_596 = vector.shape_cast %get3A_595 : vector<1x16xf32> to vector<16xf32>
          %add3A_597 = arith.addf %get3A_592, %get3A_596 : vector<16xf32>
          %max3A_598 = arith.constant 0.000000e+00 : f32
          %max3A_599 = vector.broadcast %max3A_598 : f32 to vector<16xf32>
          %max3A_600 = arith.maximumf %add3A_597, %max3A_599 : vector<16xf32>
          %swap3A_601 = arith.index_cast %add3A_503 : i32 to index
          %swap3A_602 = arith.constant 80 : index
          %swap3A_603 = tpu.vector_load %arg10[%swap3A_601, %swap3A_602] {strides = array<i32>} : memref<128x128xf32, #tpu.memory_space<vmem>>, vector<1x16xf32>,
          %swap3A_604 = vector.shape_cast %swap3A_603 : vector<1x16xf32> to vector<16xf32>
          %swap3A_605 = vector.shape_cast %max3A_600 : vector<16xf32> to vector<1x16xf32>
          tpu.vector_store %arg10[%swap3A_601, %swap3A_602], %swap3A_605 {strides = array<i32>} : memref<128x128xf32, #tpu.memory_space<vmem>>, vector<1x16xf32>,
          %get3A_606 = arith.index_cast %add3A_503 : i32 to index
          %get3A_607 = arith.constant 96 : index
          %get3A_608 = tpu.vector_load %arg9[%get3A_606, %get3A_607] {strides = array<i32>} : memref<128x128xf32, #tpu.memory_space<vmem>>, vector<1x16xf32>,
          %get3A_609 = vector.shape_cast %get3A_608 : vector<1x16xf32> to vector<16xf32>
          %get3A_610 = arith.index_cast %add3A_503 : i32 to index
          %get3A_611 = arith.constant 96 : index
          %get3A_612 = tpu.vector_load %arg10[%get3A_610, %get3A_611] {strides = array<i32>} : memref<128x128xf32, #tpu.memory_space<vmem>>, vector<1x16xf32>,
          %get3A_613 = vector.shape_cast %get3A_612 : vector<1x16xf32> to vector<16xf32>
          %add3A_614 = arith.addf %get3A_609, %get3A_613 : vector<16xf32>
          %max3A_615 = arith.constant 0.000000e+00 : f32
          %max3A_616 = vector.broadcast %max3A_615 : f32 to vector<16xf32>
          %max3A_617 = arith.maximumf %add3A_614, %max3A_616 : vector<16xf32>
          %swap3A_618 = arith.index_cast %add3A_503 : i32 to index
          %swap3A_619 = arith.constant 96 : index
          %swap3A_620 = tpu.vector_load %arg10[%swap3A_618, %swap3A_619] {strides = array<i32>} : memref<128x128xf32, #tpu.memory_space<vmem>>, vector<1x16xf32>,
          %swap3A_621 = vector.shape_cast %swap3A_620 : vector<1x16xf32> to vector<16xf32>
          %swap3A_622 = vector.shape_cast %max3A_617 : vector<16xf32> to vector<1x16xf32>
          tpu.vector_store %arg10[%swap3A_618, %swap3A_619], %swap3A_622 {strides = array<i32>} : memref<128x128xf32, #tpu.memory_space<vmem>>, vector<1x16xf32>,
          %get3A_623 = arith.index_cast %add3A_503 : i32 to index
          %get3A_624 = arith.constant 112 : index
          %get3A_625 = tpu.vector_load %arg9[%get3A_623, %get3A_624] {strides = array<i32>} : memref<128x128xf32, #tpu.memory_space<vmem>>, vector<1x16xf32>,
          %get3A_626 = vector.shape_cast %get3A_625 : vector<1x16xf32> to vector<16xf32>
          %get3A_627 = arith.index_cast %add3A_503 : i32 to index
          %get3A_628 = arith.constant 112 : index
          %get3A_629 = tpu.vector_load %arg10[%get3A_627, %get3A_628] {strides = array<i32>} : memref<128x128xf32, #tpu.memory_space<vmem>>, vector<1x16xf32>,
          %get3A_630 = vector.shape_cast %get3A_629 : vector<1x16xf32> to vector<16xf32>
          %add3A_631 = arith.addf %get3A_626, %get3A_630 : vector<16xf32>
          %max3A_632 = arith.constant 0.000000e+00 : f32
          %max3A_633 = vector.broadcast %max3A_632 : f32 to vector<16xf32>
          %max3A_634 = arith.maximumf %add3A_631, %max3A_633 : vector<16xf32>
          %swap3A_635 = arith.index_cast %add3A_503 : i32 to index
          %swap3A_636 = arith.constant 112 : index
          %swap3A_637 = tpu.vector_load %arg10[%swap3A_635, %swap3A_636] {strides = array<i32>} : memref<128x128xf32, #tpu.memory_space<vmem>>, vector<1x16xf32>,
          %swap3A_638 = vector.shape_cast %swap3A_637 : vector<1x16xf32> to vector<16xf32>
          %swap3A_639 = vector.shape_cast %max3A_634 : vector<16xf32> to vector<1x16xf32>
          tpu.vector_store %arg10[%swap3A_635, %swap3A_636], %swap3A_639 {strides = array<i32>} : memref<128x128xf32, #tpu.memory_space<vmem>>, vector<1x16xf32>,
          %scan3A_640 = arith.constant 0 : i32
          scf.yield %scan3A_640 : i32
        }
        %scan3A_79 = arith.constant 32 : i32
        "tpu.region"() ({
          %run_scoped3A = tpu.sem_alloc : memref<!tpu.dma_semaphore, #tpu.memory_space<semaphore_mem>>
          %dma_start3A_81 = arith.constant 0 : i32
          %dma_start3A_82 = tpu.memref_slice %arg8[%scan3A_53, %dma_start3A_81] : memref<40x128xi32, #tpu.memory_space<vmem>> -> memref<1x128xi32, #tpu.memory_space<vmem>>
          %dma_start3A_83 = tpu.memref_squeeze %dma_start3A_82 : memref<1x128xi32, #tpu.memory_space<vmem>> -> memref<128xi32, #tpu.memory_space<vmem>>
          %dma_start3A_84 = arith.constant 0 : i32
          %dma_start3A_85 = arith.constant 0 : i32
          %dma_start3A_86 = tpu.memref_slice %arg11[%dma_start3A_84, %dma_start3A_85] : memref<10112x128xf32, #tpu.memory_space<vmem_shared>> -> memref<10112x128xf32, #tpu.memory_space<vmem_shared>>
          tpu.enqueue_indirect_dma source(%arg10 : memref<128x128xf32, #tpu.memory_space<vmem>>) target(%dma_start3A_86 : memref<10112x128xf32, #tpu.memory_space<vmem_shared>>) offsets(%dma_start3A_83 : memref<128xi32, #tpu.memory_space<vmem>>) semaphore(%run_scoped3A : memref<!tpu.dma_semaphore, #tpu.memory_space<semaphore_mem>>) {add = true}
          %dma_wait3A_87 = arith.constant 0 : i32
          %dma_wait3A_88 = tpu.memref_slice %arg8[%scan3A_53, %dma_wait3A_87] : memref<40x128xi32, #tpu.memory_space<vmem>> -> memref<1x128xi32, #tpu.memory_space<vmem>>
          %dma_wait3A_89 = tpu.memref_squeeze %dma_wait3A_88 : memref<1x128xi32, #tpu.memory_space<vmem>> -> memref<128xi32, #tpu.memory_space<vmem>>
          %dma_wait3A_90 = arith.constant 0 : i32
          %dma_wait3A_91 = arith.constant 0 : i32
          %dma_wait3A_92 = tpu.memref_slice %arg11[%dma_wait3A_90, %dma_wait3A_91] : memref<10112x128xf32, #tpu.memory_space<vmem_shared>> -> memref<10112x128xf32, #tpu.memory_space<vmem_shared>>
          tpu.wait_indirect_dma semaphore(%run_scoped3A : memref<!tpu.dma_semaphore, #tpu.memory_space<semaphore_mem>>) src(%arg10 : memref<128x128xf32, #tpu.memory_space<vmem>>) dst(%dma_wait3A_92 : memref<10112x128xf32, #tpu.memory_space<vmem_shared>>)
          tpu.yield
        }) : () -> ()
        %scan3A_80 = arith.constant 0 : i32
        scf.yield %scan3A_80 : i32
      }
      %scan3A_51 = arith.constant 40 : i32
      %scan3A_52 = arith.constant 0 : i32
      scf.yield %scan3A_52 : i32
    }
    %scan3A_33 = arith.constant 2 : i32
    %barrier3A_34 = arith.constant 0 : index
    tpu.barrier barrier_id(%barrier3A_34)
    %mul3A_35 = arith.constant 632 : i32
    %mul3A_36 = arith.muli %arg1, %mul3A_35 : i32
    %mul3A_37 = arith.constant 632 : i32
    %mul3A_38 = arith.muli %arg1, %mul3A_37 : i32
    "tpu.region"() ({
      %run_scoped3A = tpu.sem_alloc : memref<!tpu.dma_semaphore, #tpu.memory_space<semaphore_mem>>
      %dma_start3A = arith.constant 0 : i32
      %dma_start3A_39 = tpu.memref_slice %arg6[%arg0, %mul3A_38, %dma_start3A] : memref<2x10112x128xf32, #tpu.memory_space<hbm>> -> memref<1x632x128xf32, #tpu.memory_space<hbm>>
      %dma_start3A_40 = tpu.memref_squeeze %dma_start3A_39 : memref<1x632x128xf32, #tpu.memory_space<hbm>> -> memref<632x128xf32, #tpu.memory_space<hbm>>
      %dma_start3A_41 = arith.constant 0 : i32
      %dma_start3A_42 = tpu.memref_slice %arg11[%mul3A_36, %dma_start3A_41] : memref<10112x128xf32, #tpu.memory_space<vmem_shared>> -> memref<632x128xf32, #tpu.memory_space<vmem_shared>>
      tpu.enqueue_dma source(%dma_start3A_42 : memref<632x128xf32, #tpu.memory_space<vmem_shared>>) target(%dma_start3A_40 : memref<632x128xf32, #tpu.memory_space<hbm>>) target_semaphore(%run_scoped3A : memref<!tpu.dma_semaphore, #tpu.memory_space<semaphore_mem>>)
      %dma_wait3A = arith.constant 0 : i32
      %dma_wait3A_43 = tpu.memref_slice %arg6[%arg0, %mul3A_38, %dma_wait3A] : memref<2x10112x128xf32, #tpu.memory_space<hbm>> -> memref<1x632x128xf32, #tpu.memory_space<hbm>>
      %dma_wait3A_44 = tpu.memref_squeeze %dma_wait3A_43 : memref<1x632x128xf32, #tpu.memory_space<hbm>> -> memref<632x128xf32, #tpu.memory_space<hbm>>
      %dma_wait3A_45 = arith.constant 0 : i32
      %dma_wait3A_46 = tpu.memref_slice %arg11[%mul3A_36, %dma_wait3A_45] : memref<10112x128xf32, #tpu.memory_space<vmem_shared>> -> memref<632x128xf32, #tpu.memory_space<vmem_shared>>
      tpu.wait_dma2 semaphore(%run_scoped3A : memref<!tpu.dma_semaphore, #tpu.memory_space<semaphore_mem>>) src(%dma_wait3A_46 : memref<632x128xf32, #tpu.memory_space<vmem_shared>>) dst(%dma_wait3A_44 : memref<632x128xf32, #tpu.memory_space<hbm>>)
      tpu.yield
    }) : () -> ()
    return
  }
}

module attributes {stable_mosaic.version = 14 : i64} {
  func.func @_edge_embed_body(%arg0: i32, %arg1: memref<2048x16xf32, #tpu.memory_space<vmem>>, %arg2: memref<16x128xf32, #tpu.memory_space<vmem>>, %arg3: memref<1x128xf32, #tpu.memory_space<vmem>>, %arg4: memref<16x128xf32, #tpu.memory_space<vmem>>, %arg5: memref<1x128xf32, #tpu.memory_space<vmem>>, %arg6: memref<2048x128xf32, #tpu.memory_space<vmem>>, %arg7: memref<2048x128xf32, #tpu.memory_space<vmem>>) attributes {dimension_semantics = [#tpu.dimension_semantics<arbitrary>], iteration_bounds = array<i64: 160>, scalar_prefetch = 0 : i64, scratch_operands = 0 : i64, tpu.core_type = #tpu.core_type<tc>, window_params = [{transform_indices = @transform_0, window_bounds = array<i64: 2048, 16>}, {pipeline_mode = #tpu.pipeline_mode<synchronous>, transform_indices = @transform_1, window_bounds = array<i64: 16, 128>}, {pipeline_mode = #tpu.pipeline_mode<synchronous>, transform_indices = @transform_2, window_bounds = array<i64: 1, 128>}, {pipeline_mode = #tpu.pipeline_mode<synchronous>, transform_indices = @transform_3, window_bounds = array<i64: 16, 128>}, {pipeline_mode = #tpu.pipeline_mode<synchronous>, transform_indices = @transform_4, window_bounds = array<i64: 1, 128>}, {transform_indices = @transform_5, window_bounds = array<i64: 2048, 128>}, {transform_indices = @transform_6, window_bounds = array<i64: 2048, 128>}]} {
    %get3A = arith.constant 0 : index
    %get3A_0 = arith.constant 0 : index
    %get3A_1 = vector.load %arg1[%get3A, %get3A_0] : memref<2048x16xf32, #tpu.memory_space<vmem>>, vector<2048x16xf32>
    %get3A_2 = arith.constant 0 : index
    %get3A_3 = arith.constant 0 : index
    %get3A_4 = vector.load %arg2[%get3A_2, %get3A_3] : memref<16x128xf32, #tpu.memory_space<vmem>>, vector<16x128xf32>
    %dot_general3A = arith.constant dense<0.000000e+00> : vector<2048x128xf32>
    %dot_general3A_5 = tpu.matmul %get3A_1, %get3A_4, %dot_general3A {dimension_numbers = #tpu.dot_dimension_numbers<[1], [0], [0], [1], [0, 0, 1, 1], [], []>, transpose_lhs_hint = false} : vector<2048x16xf32>, vector<16x128xf32>, vector<2048x128xf32> -> vector<2048x128xf32>
    %get3A_6 = arith.constant 0 : index
    %get3A_7 = arith.constant 0 : index
    %get3A_8 = vector.load %arg3[%get3A_6, %get3A_7] : memref<1x128xf32, #tpu.memory_space<vmem>>, vector<1x128xf32>
    %add3A = vector.broadcast %get3A_8 : vector<1x128xf32> to vector<2048x128xf32>
    %add3A_9 = arith.addf %dot_general3A_5, %add3A : vector<2048x128xf32>
    %swap3A = arith.constant 0 : index
    %swap3A_10 = arith.constant 0 : index
    %swap3A_11 = vector.load %arg6[%swap3A, %swap3A_10] : memref<2048x128xf32, #tpu.memory_space<vmem>>, vector<2048x128xf32>
    tpu.vector_store %arg6[%swap3A, %swap3A_10], %add3A_9 {strides = array<i32>} : memref<2048x128xf32, #tpu.memory_space<vmem>>, vector<2048x128xf32>,
    %get3A_12 = arith.constant 0 : index
    %get3A_13 = arith.constant 0 : index
    %get3A_14 = vector.load %arg4[%get3A_12, %get3A_13] : memref<16x128xf32, #tpu.memory_space<vmem>>, vector<16x128xf32>
    %dot_general3A_15 = arith.constant dense<0.000000e+00> : vector<2048x128xf32>
    %dot_general3A_16 = tpu.matmul %get3A_1, %get3A_14, %dot_general3A_15 {dimension_numbers = #tpu.dot_dimension_numbers<[1], [0], [0], [1], [0, 0, 1, 1], [], []>, transpose_lhs_hint = false} : vector<2048x16xf32>, vector<16x128xf32>, vector<2048x128xf32> -> vector<2048x128xf32>
    %get3A_17 = arith.constant 0 : index
    %get3A_18 = arith.constant 0 : index
    %get3A_19 = vector.load %arg5[%get3A_17, %get3A_18] : memref<1x128xf32, #tpu.memory_space<vmem>>, vector<1x128xf32>
    %add3A_20 = vector.broadcast %get3A_19 : vector<1x128xf32> to vector<2048x128xf32>
    %add3A_21 = arith.addf %dot_general3A_16, %add3A_20 : vector<2048x128xf32>
    %swap3A_22 = arith.constant 0 : index
    %swap3A_23 = arith.constant 0 : index
    %swap3A_24 = vector.load %arg7[%swap3A_22, %swap3A_23] : memref<2048x128xf32, #tpu.memory_space<vmem>>, vector<2048x128xf32>
    tpu.vector_store %arg7[%swap3A_22, %swap3A_23], %add3A_21 {strides = array<i32>} : memref<2048x128xf32, #tpu.memory_space<vmem>>, vector<2048x128xf32>,
    return
  }
  func.func @transform_0(%arg0: i32) -> (i32, i32) {
    %c0_i32 = arith.constant 0 : i32
    %c0_i32_0 = arith.constant 0 : i32
    return %arg0, %c0_i32 : i32, i32
  }
  func.func @transform_1(%arg0: i32) -> (i32, i32) {
    %c0_i32 = arith.constant 0 : i32
    %c0_i32_0 = arith.constant 0 : i32
    %c0_i32_1 = arith.constant 0 : i32
    return %c0_i32, %c0_i32_0 : i32, i32
  }
  func.func @transform_2(%arg0: i32) -> (i32, i32) {
    %c0_i32 = arith.constant 0 : i32
    %c0_i32_0 = arith.constant 0 : i32
    %c0_i32_1 = arith.constant 0 : i32
    return %c0_i32, %c0_i32_0 : i32, i32
  }
  func.func @transform_3(%arg0: i32) -> (i32, i32) {
    %c0_i32 = arith.constant 0 : i32
    %c0_i32_0 = arith.constant 0 : i32
    %c0_i32_1 = arith.constant 0 : i32
    return %c0_i32, %c0_i32_0 : i32, i32
  }
  func.func @transform_4(%arg0: i32) -> (i32, i32) {
    %c0_i32 = arith.constant 0 : i32
    %c0_i32_0 = arith.constant 0 : i32
    %c0_i32_1 = arith.constant 0 : i32
    return %c0_i32, %c0_i32_0 : i32, i32
  }
  func.func @transform_5(%arg0: i32) -> (i32, i32) {
    %c0_i32 = arith.constant 0 : i32
    %c0_i32_0 = arith.constant 0 : i32
    return %arg0, %c0_i32 : i32, i32
  }
  func.func @transform_6(%arg0: i32) -> (i32, i32) {
    %c0_i32 = arith.constant 0 : i32
    %c0_i32_0 = arith.constant 0 : i32
    return %arg0, %c0_i32 : i32, i32
  }
}

module attributes {stable_mosaic.version = 14 : i64} {
  func.func @_node_mlp_body(%arg0: i32, %arg1: memref<2000x128xf32, #tpu.memory_space<vmem>>, %arg2: memref<2x2000x128xf32, #tpu.memory_space<vmem>>, %arg3: memref<128x128xf32, #tpu.memory_space<vmem>>, %arg4: memref<1x128xf32, #tpu.memory_space<vmem>>, %arg5: memref<1x128xf32, #tpu.memory_space<vmem>>, %arg6: memref<1x128xf32, #tpu.memory_space<vmem>>, %arg7: memref<128x128xf32, #tpu.memory_space<vmem>>, %arg8: memref<1x128xf32, #tpu.memory_space<vmem>>, %arg9: memref<1x128xf32, #tpu.memory_space<vmem>>, %arg10: memref<1x128xf32, #tpu.memory_space<vmem>>, %arg11: memref<2000x128xf32, #tpu.memory_space<vmem>>) attributes {dimension_semantics = [#tpu.dimension_semantics<arbitrary>], iteration_bounds = array<i64: 5>, scalar_prefetch = 0 : i64, scratch_operands = 0 : i64, tpu.core_type = #tpu.core_type<tc>, window_params = [{transform_indices = @transform_0, window_bounds = array<i64: 2000, 128>}, {transform_indices = @transform_1, window_bounds = array<i64: 2, 2000, 128>}, {pipeline_mode = #tpu.pipeline_mode<synchronous>, transform_indices = @transform_2, window_bounds = array<i64: 128, 128>}, {pipeline_mode = #tpu.pipeline_mode<synchronous>, transform_indices = @transform_3, window_bounds = array<i64: 1, 128>}, {pipeline_mode = #tpu.pipeline_mode<synchronous>, transform_indices = @transform_4, window_bounds = array<i64: 1, 128>}, {pipeline_mode = #tpu.pipeline_mode<synchronous>, transform_indices = @transform_5, window_bounds = array<i64: 1, 128>}, {pipeline_mode = #tpu.pipeline_mode<synchronous>, transform_indices = @transform_6, window_bounds = array<i64: 128, 128>}, {pipeline_mode = #tpu.pipeline_mode<synchronous>, transform_indices = @transform_7, window_bounds = array<i64: 1, 128>}, {pipeline_mode = #tpu.pipeline_mode<synchronous>, transform_indices = @transform_8, window_bounds = array<i64: 1, 128>}, {pipeline_mode = #tpu.pipeline_mode<synchronous>, transform_indices = @transform_9, window_bounds = array<i64: 1, 128>}, {transform_indices = @transform_10, window_bounds = array<i64: 2000, 128>}]} {
    %get3A = arith.constant 0 : index
    %get3A_0 = arith.constant 0 : index
    %get3A_1 = vector.load %arg1[%get3A, %get3A_0] : memref<2000x128xf32, #tpu.memory_space<vmem>>, vector<2000x128xf32>
    %get3A_2 = arith.constant 0 : index
    %get3A_3 = arith.constant 0 : index
    %get3A_4 = arith.constant 0 : index
    %get3A_5 = vector.load %arg2[%get3A_2, %get3A_3, %get3A_4] : memref<2x2000x128xf32, #tpu.memory_space<vmem>>, vector<1x2000x128xf32>
    %get3A_6 = vector.shape_cast %get3A_5 : vector<1x2000x128xf32> to vector<2000x128xf32>
    %add3A = arith.addf %get3A_1, %get3A_6 : vector<2000x128xf32>
    %get3A_7 = arith.constant 1 : index
    %get3A_8 = arith.constant 0 : index
    %get3A_9 = arith.constant 0 : index
    %get3A_10 = vector.load %arg2[%get3A_7, %get3A_8, %get3A_9] : memref<2x2000x128xf32, #tpu.memory_space<vmem>>, vector<1x2000x128xf32>
    %get3A_11 = vector.shape_cast %get3A_10 : vector<1x2000x128xf32> to vector<2000x128xf32>
    %add3A_12 = arith.addf %add3A, %get3A_11 : vector<2000x128xf32>
    %get3A_13 = arith.constant 0 : index
    %get3A_14 = arith.constant 0 : index
    %get3A_15 = vector.load %arg3[%get3A_13, %get3A_14] : memref<128x128xf32, #tpu.memory_space<vmem>>, vector<128x128xf32>
    %dot_general3A = arith.constant dense<0.000000e+00> : vector<2000x128xf32>
    %dot_general3A_16 = tpu.matmul %add3A_12, %get3A_15, %dot_general3A {dimension_numbers = #tpu.dot_dimension_numbers<[1], [0], [0], [1], [0, 0, 1, 1], [], []>, transpose_lhs_hint = false} : vector<2000x128xf32>, vector<128x128xf32>, vector<2000x128xf32> -> vector<2000x128xf32>
    %get3A_17 = arith.constant 0 : index
    %get3A_18 = arith.constant 0 : index
    %get3A_19 = vector.load %arg4[%get3A_17, %get3A_18] : memref<1x128xf32, #tpu.memory_space<vmem>>, vector<1x128xf32>
    %add3A_20 = vector.broadcast %get3A_19 : vector<1x128xf32> to vector<2000x128xf32>
    %add3A_21 = arith.addf %dot_general3A_16, %add3A_20 : vector<2000x128xf32>
    %get3A_22 = arith.constant 0 : index
    %get3A_23 = arith.constant 0 : index
    %get3A_24 = vector.load %arg5[%get3A_22, %get3A_23] : memref<1x128xf32, #tpu.memory_space<vmem>>, vector<1x128xf32>
    %get3A_25 = arith.constant 0 : index
    %get3A_26 = arith.constant 0 : index
    %get3A_27 = vector.load %arg6[%get3A_25, %get3A_26] : memref<1x128xf32, #tpu.memory_space<vmem>>, vector<1x128xf32>
    %reduce_sum3A = arith.constant dense<0.000000e+00> : vector<2000xf32>
    %reduce_sum3A_28 = vector.multi_reduction <add>, %add3A_21, %reduce_sum3A [1] : vector<2000x128xf32> to vector<2000xf32>
    %broadcast_in_dim3A = vector.shape_cast %reduce_sum3A_28 : vector<2000xf32> to vector<2000x1xf32>
    %div3A = arith.constant 1.280000e+02 : f32
    %div3A_29 = vector.broadcast %div3A : f32 to vector<2000x1xf32>
    %div3A_30 = arith.divf %broadcast_in_dim3A, %div3A_29 : vector<2000x1xf32>
    %sub3A = vector.broadcast %div3A_30 : vector<2000x1xf32> to vector<2000x128xf32>
    %sub3A_31 = arith.subf %add3A_21, %sub3A : vector<2000x128xf32>
    %integer_pow3A = arith.mulf %sub3A_31, %sub3A_31 : vector<2000x128xf32>
    %reduce_sum3A_32 = arith.constant dense<0.000000e+00> : vector<2000xf32>
    %reduce_sum3A_33 = vector.multi_reduction <add>, %integer_pow3A, %reduce_sum3A_32 [1] : vector<2000x128xf32> to vector<2000xf32>
    %broadcast_in_dim3A_34 = vector.shape_cast %reduce_sum3A_33 : vector<2000xf32> to vector<2000x1xf32>
    %div3A_35 = arith.constant 1.280000e+02 : f32
    %div3A_36 = vector.broadcast %div3A_35 : f32 to vector<2000x1xf32>
    %div3A_37 = arith.divf %broadcast_in_dim3A_34, %div3A_36 : vector<2000x1xf32>
    %sub3A_38 = vector.broadcast %div3A_30 : vector<2000x1xf32> to vector<2000x128xf32>
    %sub3A_39 = arith.subf %add3A_21, %sub3A_38 : vector<2000x128xf32>
    %add3A_40 = arith.constant 9.99999974E-6 : f32
    %add3A_41 = vector.broadcast %add3A_40 : f32 to vector<2000x1xf32>
    %add3A_42 = arith.addf %div3A_37, %add3A_41 : vector<2000x1xf32>
    %sqrt3A = math.sqrt %add3A_42 : vector<2000x1xf32>
    %div3A_43 = vector.broadcast %sqrt3A : vector<2000x1xf32> to vector<2000x128xf32>
    %div3A_44 = arith.divf %sub3A_39, %div3A_43 : vector<2000x128xf32>
    %mul3A = vector.broadcast %get3A_24 : vector<1x128xf32> to vector<2000x128xf32>
    %mul3A_45 = arith.mulf %div3A_44, %mul3A : vector<2000x128xf32>
    %add3A_46 = vector.broadcast %get3A_27 : vector<1x128xf32> to vector<2000x128xf32>
    %add3A_47 = arith.addf %mul3A_45, %add3A_46 : vector<2000x128xf32>
    %max3A = arith.constant 0.000000e+00 : f32
    %max3A_48 = vector.broadcast %max3A : f32 to vector<2000x128xf32>
    %max3A_49 = arith.maximumf %add3A_47, %max3A_48 : vector<2000x128xf32>
    %get3A_50 = arith.constant 0 : index
    %get3A_51 = arith.constant 0 : index
    %get3A_52 = vector.load %arg7[%get3A_50, %get3A_51] : memref<128x128xf32, #tpu.memory_space<vmem>>, vector<128x128xf32>
    %dot_general3A_53 = arith.constant dense<0.000000e+00> : vector<2000x128xf32>
    %dot_general3A_54 = tpu.matmul %max3A_49, %get3A_52, %dot_general3A_53 {dimension_numbers = #tpu.dot_dimension_numbers<[1], [0], [0], [1], [0, 0, 1, 1], [], []>, transpose_lhs_hint = false} : vector<2000x128xf32>, vector<128x128xf32>, vector<2000x128xf32> -> vector<2000x128xf32>
    %get3A_55 = arith.constant 0 : index
    %get3A_56 = arith.constant 0 : index
    %get3A_57 = vector.load %arg8[%get3A_55, %get3A_56] : memref<1x128xf32, #tpu.memory_space<vmem>>, vector<1x128xf32>
    %add3A_58 = vector.broadcast %get3A_57 : vector<1x128xf32> to vector<2000x128xf32>
    %add3A_59 = arith.addf %dot_general3A_54, %add3A_58 : vector<2000x128xf32>
    %get3A_60 = arith.constant 0 : index
    %get3A_61 = arith.constant 0 : index
    %get3A_62 = vector.load %arg9[%get3A_60, %get3A_61] : memref<1x128xf32, #tpu.memory_space<vmem>>, vector<1x128xf32>
    %get3A_63 = arith.constant 0 : index
    %get3A_64 = arith.constant 0 : index
    %get3A_65 = vector.load %arg10[%get3A_63, %get3A_64] : memref<1x128xf32, #tpu.memory_space<vmem>>, vector<1x128xf32>
    %reduce_sum3A_66 = arith.constant dense<0.000000e+00> : vector<2000xf32>
    %reduce_sum3A_67 = vector.multi_reduction <add>, %add3A_59, %reduce_sum3A_66 [1] : vector<2000x128xf32> to vector<2000xf32>
    %broadcast_in_dim3A_68 = vector.shape_cast %reduce_sum3A_67 : vector<2000xf32> to vector<2000x1xf32>
    %div3A_69 = arith.constant 1.280000e+02 : f32
    %div3A_70 = vector.broadcast %div3A_69 : f32 to vector<2000x1xf32>
    %div3A_71 = arith.divf %broadcast_in_dim3A_68, %div3A_70 : vector<2000x1xf32>
    %sub3A_72 = vector.broadcast %div3A_71 : vector<2000x1xf32> to vector<2000x128xf32>
    %sub3A_73 = arith.subf %add3A_59, %sub3A_72 : vector<2000x128xf32>
    %integer_pow3A_74 = arith.mulf %sub3A_73, %sub3A_73 : vector<2000x128xf32>
    %reduce_sum3A_75 = arith.constant dense<0.000000e+00> : vector<2000xf32>
    %reduce_sum3A_76 = vector.multi_reduction <add>, %integer_pow3A_74, %reduce_sum3A_75 [1] : vector<2000x128xf32> to vector<2000xf32>
    %broadcast_in_dim3A_77 = vector.shape_cast %reduce_sum3A_76 : vector<2000xf32> to vector<2000x1xf32>
    %div3A_78 = arith.constant 1.280000e+02 : f32
    %div3A_79 = vector.broadcast %div3A_78 : f32 to vector<2000x1xf32>
    %div3A_80 = arith.divf %broadcast_in_dim3A_77, %div3A_79 : vector<2000x1xf32>
    %sub3A_81 = vector.broadcast %div3A_71 : vector<2000x1xf32> to vector<2000x128xf32>
    %sub3A_82 = arith.subf %add3A_59, %sub3A_81 : vector<2000x128xf32>
    %add3A_83 = arith.constant 9.99999974E-6 : f32
    %add3A_84 = vector.broadcast %add3A_83 : f32 to vector<2000x1xf32>
    %add3A_85 = arith.addf %div3A_80, %add3A_84 : vector<2000x1xf32>
    %sqrt3A_86 = math.sqrt %add3A_85 : vector<2000x1xf32>
    %div3A_87 = vector.broadcast %sqrt3A_86 : vector<2000x1xf32> to vector<2000x128xf32>
    %div3A_88 = arith.divf %sub3A_82, %div3A_87 : vector<2000x128xf32>
    %mul3A_89 = vector.broadcast %get3A_62 : vector<1x128xf32> to vector<2000x128xf32>
    %mul3A_90 = arith.mulf %div3A_88, %mul3A_89 : vector<2000x128xf32>
    %add3A_91 = vector.broadcast %get3A_65 : vector<1x128xf32> to vector<2000x128xf32>
    %add3A_92 = arith.addf %mul3A_90, %add3A_91 : vector<2000x128xf32>
    %max3A_93 = arith.constant 0.000000e+00 : f32
    %max3A_94 = vector.broadcast %max3A_93 : f32 to vector<2000x128xf32>
    %max3A_95 = arith.maximumf %add3A_92, %max3A_94 : vector<2000x128xf32>
    %swap3A = arith.constant 0 : index
    %swap3A_96 = arith.constant 0 : index
    %swap3A_97 = vector.load %arg11[%swap3A, %swap3A_96] : memref<2000x128xf32, #tpu.memory_space<vmem>>, vector<2000x128xf32>
    tpu.vector_store %arg11[%swap3A, %swap3A_96], %max3A_95 {strides = array<i32>} : memref<2000x128xf32, #tpu.memory_space<vmem>>, vector<2000x128xf32>,
    return
  }
  func.func @transform_0(%arg0: i32) -> (i32, i32) {
    %c0_i32 = arith.constant 0 : i32
    %c0_i32_0 = arith.constant 0 : i32
    return %arg0, %c0_i32 : i32, i32
  }
  func.func @transform_1(%arg0: i32) -> (i32, i32, i32) {
    %c0_i32 = arith.constant 0 : i32
    %c0_i32_0 = arith.constant 0 : i32
    %c0_i32_1 = arith.constant 0 : i32
    return %c0_i32, %arg0, %c0_i32_0 : i32, i32, i32
  }
  func.func @transform_2(%arg0: i32) -> (i32, i32) {
    %c0_i32 = arith.constant 0 : i32
    %c0_i32_0 = arith.constant 0 : i32
    %c0_i32_1 = arith.constant 0 : i32
    return %c0_i32, %c0_i32_0 : i32, i32
  }
  func.func @transform_3(%arg0: i32) -> (i32, i32) {
    %c0_i32 = arith.constant 0 : i32
    %c0_i32_0 = arith.constant 0 : i32
    %c0_i32_1 = arith.constant 0 : i32
    return %c0_i32, %c0_i32_0 : i32, i32
  }
  func.func @transform_4(%arg0: i32) -> (i32, i32) {
    %c0_i32 = arith.constant 0 : i32
    %c0_i32_0 = arith.constant 0 : i32
    %c0_i32_1 = arith.constant 0 : i32
    return %c0_i32, %c0_i32_0 : i32, i32
  }
  func.func @transform_5(%arg0: i32) -> (i32, i32) {
    %c0_i32 = arith.constant 0 : i32
    %c0_i32_0 = arith.constant 0 : i32
    %c0_i32_1 = arith.constant 0 : i32
    return %c0_i32, %c0_i32_0 : i32, i32
  }
  func.func @transform_6(%arg0: i32) -> (i32, i32) {
    %c0_i32 = arith.constant 0 : i32
    %c0_i32_0 = arith.constant 0 : i32
    %c0_i32_1 = arith.constant 0 : i32
    return %c0_i32, %c0_i32_0 : i32, i32
  }
  func.func @transform_7(%arg0: i32) -> (i32, i32) {
    %c0_i32 = arith.constant 0 : i32
    %c0_i32_0 = arith.constant 0 : i32
    %c0_i32_1 = arith.constant 0 : i32
    return %c0_i32, %c0_i32_0 : i32, i32
  }
  func.func @transform_8(%arg0: i32) -> (i32, i32) {
    %c0_i32 = arith.constant 0 : i32
    %c0_i32_0 = arith.constant 0 : i32
    %c0_i32_1 = arith.constant 0 : i32
    return %c0_i32, %c0_i32_0 : i32, i32
  }
  func.func @transform_9(%arg0: i32) -> (i32, i32) {
    %c0_i32 = arith.constant 0 : i32
    %c0_i32_0 = arith.constant 0 : i32
    %c0_i32_1 = arith.constant 0 : i32
    return %c0_i32, %c0_i32_0 : i32, i32
  }
  func.func @transform_10(%arg0: i32) -> (i32, i32) {
    %c0_i32 = arith.constant 0 : i32
    %c0_i32_0 = arith.constant 0 : i32
    return %arg0, %c0_i32 : i32, i32
  }
}

module attributes {stable_mosaic.version = 14 : i64} {
  func.func @_final_body(%arg0: i32, %arg1: memref<2000x128xf32, #tpu.memory_space<vmem>>, %arg2: memref<2x2000x128xf32, #tpu.memory_space<vmem>>, %arg3: memref<1x1x2000xi32, #tpu.memory_space<vmem>>, %arg4: memref<128x128xf32, #tpu.memory_space<vmem>>, %arg5: memref<1x128xf32, #tpu.memory_space<vmem>>, %arg6: memref<1x128xf32, #tpu.memory_space<vmem>>, %arg7: memref<1x128xf32, #tpu.memory_space<vmem>>, %arg8: memref<128x128xf32, #tpu.memory_space<vmem>>, %arg9: memref<1x128xf32, #tpu.memory_space<vmem>>, %arg10: memref<1x128xf32, #tpu.memory_space<vmem>>, %arg11: memref<1x128xf32, #tpu.memory_space<vmem>>, %arg12: memref<128x128xf32, #tpu.memory_space<vmem>>, %arg13: memref<1x128xf32, #tpu.memory_space<vmem>>, %arg14: memref<256x128xf32, #tpu.memory_space<vmem>>, %arg15: memref<256x128xf32, #tpu.memory_space<vmem>>, %arg16: memref<1x256xf32, #tpu.memory_space<vmem>>) attributes {dimension_semantics = [#tpu.dimension_semantics<arbitrary>], iteration_bounds = array<i64: 5>, scalar_prefetch = 0 : i64, scratch_operands = 2 : i64, tpu.core_type = #tpu.core_type<tc>, window_params = [{transform_indices = @transform_0, window_bounds = array<i64: 2000, 128>}, {transform_indices = @transform_1, window_bounds = array<i64: 2, 2000, 128>}, {transform_indices = @transform_2, window_bounds = array<i64: 1, 1, 2000>}, {pipeline_mode = #tpu.pipeline_mode<synchronous>, transform_indices = @transform_3, window_bounds = array<i64: 128, 128>}, {pipeline_mode = #tpu.pipeline_mode<synchronous>, transform_indices = @transform_4, window_bounds = array<i64: 1, 128>}, {pipeline_mode = #tpu.pipeline_mode<synchronous>, transform_indices = @transform_5, window_bounds = array<i64: 1, 128>}, {pipeline_mode = #tpu.pipeline_mode<synchronous>, transform_indices = @transform_6, window_bounds = array<i64: 1, 128>}, {pipeline_mode = #tpu.pipeline_mode<synchronous>, transform_indices = @transform_7, window_bounds = array<i64: 128, 128>}, {pipeline_mode = #tpu.pipeline_mode<synchronous>, transform_indices = @transform_8, window_bounds = array<i64: 1, 128>}, {pipeline_mode = #tpu.pipeline_mode<synchronous>, transform_indices = @transform_9, window_bounds = array<i64: 1, 128>}, {pipeline_mode = #tpu.pipeline_mode<synchronous>, transform_indices = @transform_10, window_bounds = array<i64: 1, 128>}, {pipeline_mode = #tpu.pipeline_mode<synchronous>, transform_indices = @transform_11, window_bounds = array<i64: 128, 128>}, {pipeline_mode = #tpu.pipeline_mode<synchronous>, transform_indices = @transform_12, window_bounds = array<i64: 1, 128>}, {pipeline_mode = #tpu.pipeline_mode<synchronous>, transform_indices = @transform_13, window_bounds = array<i64: 256, 128>}]} {
    %get3A = arith.constant 0 : index
    %get3A_0 = arith.constant 0 : index
    %get3A_1 = vector.load %arg1[%get3A, %get3A_0] : memref<2000x128xf32, #tpu.memory_space<vmem>>, vector<2000x128xf32>
    %get3A_2 = arith.constant 0 : index
    %get3A_3 = arith.constant 0 : index
    %get3A_4 = arith.constant 0 : index
    %get3A_5 = vector.load %arg2[%get3A_2, %get3A_3, %get3A_4] : memref<2x2000x128xf32, #tpu.memory_space<vmem>>, vector<1x2000x128xf32>
    %get3A_6 = vector.shape_cast %get3A_5 : vector<1x2000x128xf32> to vector<2000x128xf32>
    %add3A = arith.addf %get3A_1, %get3A_6 : vector<2000x128xf32>
    %get3A_7 = arith.constant 1 : index
    %get3A_8 = arith.constant 0 : index
    %get3A_9 = arith.constant 0 : index
    %get3A_10 = vector.load %arg2[%get3A_7, %get3A_8, %get3A_9] : memref<2x2000x128xf32, #tpu.memory_space<vmem>>, vector<1x2000x128xf32>
    %get3A_11 = vector.shape_cast %get3A_10 : vector<1x2000x128xf32> to vector<2000x128xf32>
    %add3A_12 = arith.addf %add3A, %get3A_11 : vector<2000x128xf32>
    %get3A_13 = arith.constant 0 : index
    %get3A_14 = arith.constant 0 : index
    %get3A_15 = vector.load %arg4[%get3A_13, %get3A_14] : memref<128x128xf32, #tpu.memory_space<vmem>>, vector<128x128xf32>
    %dot_general3A = arith.constant dense<0.000000e+00> : vector<2000x128xf32>
    %dot_general3A_16 = tpu.matmul %add3A_12, %get3A_15, %dot_general3A {dimension_numbers = #tpu.dot_dimension_numbers<[1], [0], [0], [1], [0, 0, 1, 1], [], []>, transpose_lhs_hint = false} : vector<2000x128xf32>, vector<128x128xf32>, vector<2000x128xf32> -> vector<2000x128xf32>
    %get3A_17 = arith.constant 0 : index
    %get3A_18 = arith.constant 0 : index
    %get3A_19 = vector.load %arg5[%get3A_17, %get3A_18] : memref<1x128xf32, #tpu.memory_space<vmem>>, vector<1x128xf32>
    %add3A_20 = vector.broadcast %get3A_19 : vector<1x128xf32> to vector<2000x128xf32>
    %add3A_21 = arith.addf %dot_general3A_16, %add3A_20 : vector<2000x128xf32>
    %get3A_22 = arith.constant 0 : index
    %get3A_23 = arith.constant 0 : index
    %get3A_24 = vector.load %arg6[%get3A_22, %get3A_23] : memref<1x128xf32, #tpu.memory_space<vmem>>, vector<1x128xf32>
    %get3A_25 = arith.constant 0 : index
    %get3A_26 = arith.constant 0 : index
    %get3A_27 = vector.load %arg7[%get3A_25, %get3A_26] : memref<1x128xf32, #tpu.memory_space<vmem>>, vector<1x128xf32>
    %reduce_sum3A = arith.constant dense<0.000000e+00> : vector<2000xf32>
    %reduce_sum3A_28 = vector.multi_reduction <add>, %add3A_21, %reduce_sum3A [1] : vector<2000x128xf32> to vector<2000xf32>
    %broadcast_in_dim3A = vector.shape_cast %reduce_sum3A_28 : vector<2000xf32> to vector<2000x1xf32>
    %div3A = arith.constant 1.280000e+02 : f32
    %div3A_29 = vector.broadcast %div3A : f32 to vector<2000x1xf32>
    %div3A_30 = arith.divf %broadcast_in_dim3A, %div3A_29 : vector<2000x1xf32>
    %sub3A = vector.broadcast %div3A_30 : vector<2000x1xf32> to vector<2000x128xf32>
    %sub3A_31 = arith.subf %add3A_21, %sub3A : vector<2000x128xf32>
    %integer_pow3A = arith.mulf %sub3A_31, %sub3A_31 : vector<2000x128xf32>
    %reduce_sum3A_32 = arith.constant dense<0.000000e+00> : vector<2000xf32>
    %reduce_sum3A_33 = vector.multi_reduction <add>, %integer_pow3A, %reduce_sum3A_32 [1] : vector<2000x128xf32> to vector<2000xf32>
    %broadcast_in_dim3A_34 = vector.shape_cast %reduce_sum3A_33 : vector<2000xf32> to vector<2000x1xf32>
    %div3A_35 = arith.constant 1.280000e+02 : f32
    %div3A_36 = vector.broadcast %div3A_35 : f32 to vector<2000x1xf32>
    %div3A_37 = arith.divf %broadcast_in_dim3A_34, %div3A_36 : vector<2000x1xf32>
    %sub3A_38 = vector.broadcast %div3A_30 : vector<2000x1xf32> to vector<2000x128xf32>
    %sub3A_39 = arith.subf %add3A_21, %sub3A_38 : vector<2000x128xf32>
    %add3A_40 = arith.constant 9.99999974E-6 : f32
    %add3A_41 = vector.broadcast %add3A_40 : f32 to vector<2000x1xf32>
    %add3A_42 = arith.addf %div3A_37, %add3A_41 : vector<2000x1xf32>
    %sqrt3A = math.sqrt %add3A_42 : vector<2000x1xf32>
    %div3A_43 = vector.broadcast %sqrt3A : vector<2000x1xf32> to vector<2000x128xf32>
    %div3A_44 = arith.divf %sub3A_39, %div3A_43 : vector<2000x128xf32>
    %mul3A = vector.broadcast %get3A_24 : vector<1x128xf32> to vector<2000x128xf32>
    %mul3A_45 = arith.mulf %div3A_44, %mul3A : vector<2000x128xf32>
    %add3A_46 = vector.broadcast %get3A_27 : vector<1x128xf32> to vector<2000x128xf32>
    %add3A_47 = arith.addf %mul3A_45, %add3A_46 : vector<2000x128xf32>
    %max3A = arith.constant 0.000000e+00 : f32
    %max3A_48 = vector.broadcast %max3A : f32 to vector<2000x128xf32>
    %max3A_49 = arith.maximumf %add3A_47, %max3A_48 : vector<2000x128xf32>
    %get3A_50 = arith.constant 0 : index
    %get3A_51 = arith.constant 0 : index
    %get3A_52 = vector.load %arg8[%get3A_50, %get3A_51] : memref<128x128xf32, #tpu.memory_space<vmem>>, vector<128x128xf32>
    %dot_general3A_53 = arith.constant dense<0.000000e+00> : vector<2000x128xf32>
    %dot_general3A_54 = tpu.matmul %max3A_49, %get3A_52, %dot_general3A_53 {dimension_numbers = #tpu.dot_dimension_numbers<[1], [0], [0], [1], [0, 0, 1, 1], [], []>, transpose_lhs_hint = false} : vector<2000x128xf32>, vector<128x128xf32>, vector<2000x128xf32> -> vector<2000x128xf32>
    %get3A_55 = arith.constant 0 : index
    %get3A_56 = arith.constant 0 : index
    %get3A_57 = vector.load %arg9[%get3A_55, %get3A_56] : memref<1x128xf32, #tpu.memory_space<vmem>>, vector<1x128xf32>
    %add3A_58 = vector.broadcast %get3A_57 : vector<1x128xf32> to vector<2000x128xf32>
    %add3A_59 = arith.addf %dot_general3A_54, %add3A_58 : vector<2000x128xf32>
    %get3A_60 = arith.constant 0 : index
    %get3A_61 = arith.constant 0 : index
    %get3A_62 = vector.load %arg10[%get3A_60, %get3A_61] : memref<1x128xf32, #tpu.memory_space<vmem>>, vector<1x128xf32>
    %get3A_63 = arith.constant 0 : index
    %get3A_64 = arith.constant 0 : index
    %get3A_65 = vector.load %arg11[%get3A_63, %get3A_64] : memref<1x128xf32, #tpu.memory_space<vmem>>, vector<1x128xf32>
    %reduce_sum3A_66 = arith.constant dense<0.000000e+00> : vector<2000xf32>
    %reduce_sum3A_67 = vector.multi_reduction <add>, %add3A_59, %reduce_sum3A_66 [1] : vector<2000x128xf32> to vector<2000xf32>
    %broadcast_in_dim3A_68 = vector.shape_cast %reduce_sum3A_67 : vector<2000xf32> to vector<2000x1xf32>
    %div3A_69 = arith.constant 1.280000e+02 : f32
    %div3A_70 = vector.broadcast %div3A_69 : f32 to vector<2000x1xf32>
    %div3A_71 = arith.divf %broadcast_in_dim3A_68, %div3A_70 : vector<2000x1xf32>
    %sub3A_72 = vector.broadcast %div3A_71 : vector<2000x1xf32> to vector<2000x128xf32>
    %sub3A_73 = arith.subf %add3A_59, %sub3A_72 : vector<2000x128xf32>
    %integer_pow3A_74 = arith.mulf %sub3A_73, %sub3A_73 : vector<2000x128xf32>
    %reduce_sum3A_75 = arith.constant dense<0.000000e+00> : vector<2000xf32>
    %reduce_sum3A_76 = vector.multi_reduction <add>, %integer_pow3A_74, %reduce_sum3A_75 [1] : vector<2000x128xf32> to vector<2000xf32>
    %broadcast_in_dim3A_77 = vector.shape_cast %reduce_sum3A_76 : vector<2000xf32> to vector<2000x1xf32>
    %div3A_78 = arith.constant 1.280000e+02 : f32
    %div3A_79 = vector.broadcast %div3A_78 : f32 to vector<2000x1xf32>
    %div3A_80 = arith.divf %broadcast_in_dim3A_77, %div3A_79 : vector<2000x1xf32>
    %sub3A_81 = vector.broadcast %div3A_71 : vector<2000x1xf32> to vector<2000x128xf32>
    %sub3A_82 = arith.subf %add3A_59, %sub3A_81 : vector<2000x128xf32>
    %add3A_83 = arith.constant 9.99999974E-6 : f32
    %add3A_84 = vector.broadcast %add3A_83 : f32 to vector<2000x1xf32>
    %add3A_85 = arith.addf %div3A_80, %add3A_84 : vector<2000x1xf32>
    %sqrt3A_86 = math.sqrt %add3A_85 : vector<2000x1xf32>
    %div3A_87 = vector.broadcast %sqrt3A_86 : vector<2000x1xf32> to vector<2000x128xf32>
    %div3A_88 = arith.divf %sub3A_82, %div3A_87 : vector<2000x128xf32>
    %mul3A_89 = vector.broadcast %get3A_62 : vector<1x128xf32> to vector<2000x128xf32>
    %mul3A_90 = arith.mulf %div3A_88, %mul3A_89 : vector<2000x128xf32>
    %add3A_91 = vector.broadcast %get3A_65 : vector<1x128xf32> to vector<2000x128xf32>
    %add3A_92 = arith.addf %mul3A_90, %add3A_91 : vector<2000x128xf32>
    %max3A_93 = arith.constant 0.000000e+00 : f32
    %max3A_94 = vector.broadcast %max3A_93 : f32 to vector<2000x128xf32>
    %max3A_95 = arith.maximumf %add3A_92, %max3A_94 : vector<2000x128xf32>
    %get3A_96 = arith.constant 0 : index
    %get3A_97 = arith.constant 0 : index
    %get3A_98 = arith.constant 0 : index
    %get3A_99 = vector.load %arg3[%get3A_96, %get3A_97, %get3A_98] : memref<1x1x2000xi32, #tpu.memory_space<vmem>>, vector<1x1x2000xi32>
    %get3A_100 = vector.shape_cast %get3A_99 : vector<1x1x2000xi32> to vector<2000xi32>
    %broadcast_in_dim3A_101 = vector.shape_cast %get3A_100 : vector<2000xi32> to vector<2000x1xi32>
    %iota3A = tpu.iota {dimensions = array<i32: 1>} : vector<2000x256xi32>
    %eq3A = vector.broadcast %broadcast_in_dim3A_101 : vector<2000x1xi32> to vector<2000x256xi32>
    %eq3A_102 = arith.cmpi eq, %eq3A, %iota3A : vector<2000x256xi32>
    %convert_element_type3A = arith.extui %eq3A_102 : vector<2000x256xi1> to vector<2000x256xi32>
    %convert_element_type3A_103 = arith.sitofp %convert_element_type3A : vector<2000x256xi32> to vector<2000x256xf32>
    %dot_general3A_104 = arith.constant dense<0.000000e+00> : vector<256x128xf32>
    %dot_general3A_105 = tpu.matmul %convert_element_type3A_103, %max3A_95, %dot_general3A_104 {dimension_numbers = #tpu.dot_dimension_numbers<[0], [0], [1], [1], [0, 1, 1, 1], [], []>, transpose_lhs_hint = false} : vector<2000x256xf32>, vector<2000x128xf32>, vector<256x128xf32> -> vector<256x128xf32>
    %reduce_sum3A_106 = arith.constant dense<0.000000e+00> : vector<256xf32>
    %reduce_sum3A_107 = vector.multi_reduction <add>, %convert_element_type3A_103, %reduce_sum3A_106 [0] : vector<2000x256xf32> to vector<256xf32>
    %broadcast_in_dim3A_108 = vector.shape_cast %reduce_sum3A_107 : vector<256xf32> to vector<1x256xf32>
    %eq3A_109 = arith.constant 0 : i32
    %eq3A_110 = arith.cmpi eq, %arg0, %eq3A_109 : i32
    %convert_element_type3A_111 = arith.extui %eq3A_110 : i1 to i32
    %cond3A = arith.constant 0 : i32
    %cond3A_112 = arith.cmpi ne, %convert_element_type3A_111, %cond3A : i32
    scf.if %cond3A_112 {
      %broadcast_in_dim3A_131 = arith.constant 0.000000e+00 : f32
      %broadcast_in_dim3A_132 = vector.broadcast %broadcast_in_dim3A_131 : f32 to vector<256x128xf32>
      %swap3A_133 = arith.constant 0 : index
      %swap3A_134 = arith.constant 0 : index
      %swap3A_135 = vector.load %arg15[%swap3A_133, %swap3A_134] : memref<256x128xf32, #tpu.memory_space<vmem>>, vector<256x128xf32>
      tpu.vector_store %arg15[%swap3A_133, %swap3A_134], %broadcast_in_dim3A_132 {strides = array<i32>} : memref<256x128xf32, #tpu.memory_space<vmem>>, vector<256x128xf32>,
      %broadcast_in_dim3A_136 = arith.constant 0.000000e+00 : f32
      %broadcast_in_dim3A_137 = vector.broadcast %broadcast_in_dim3A_136 : f32 to vector<1x256xf32>
      %swap3A_138 = arith.constant 0 : index
      %swap3A_139 = arith.constant 0 : index
      %swap3A_140 = vector.load %arg16[%swap3A_138, %swap3A_139] : memref<1x256xf32, #tpu.memory_space<vmem>>, vector<1x256xf32>
      tpu.vector_store %arg16[%swap3A_138, %swap3A_139], %broadcast_in_dim3A_137 {strides = array<i32>} : memref<1x256xf32, #tpu.memory_space<vmem>>, vector<1x256xf32>,
    } else {
    }
    %get3A_113 = arith.constant 0 : index
    %get3A_114 = arith.constant 0 : index
    %get3A_115 = vector.load %arg15[%get3A_113, %get3A_114] : memref<256x128xf32, #tpu.memory_space<vmem>>, vector<256x128xf32>
    %add3A_116 = arith.addf %get3A_115, %dot_general3A_105 : vector<256x128xf32>
    %swap3A = arith.constant 0 : index
    %swap3A_117 = arith.constant 0 : index
    %swap3A_118 = vector.load %arg15[%swap3A, %swap3A_117] : memref<256x128xf32, #tpu.memory_space<vmem>>, vector<256x128xf32>
    tpu.vector_store %arg15[%swap3A, %swap3A_117], %add3A_116 {strides = array<i32>} : memref<256x128xf32, #tpu.memory_space<vmem>>, vector<256x128xf32>,
    %get3A_119 = arith.constant 0 : index
    %get3A_120 = arith.constant 0 : index
    %get3A_121 = vector.load %arg16[%get3A_119, %get3A_120] : memref<1x256xf32, #tpu.memory_space<vmem>>, vector<1x256xf32>
    %add3A_122 = arith.addf %get3A_121, %broadcast_in_dim3A_108 : vector<1x256xf32>
    %swap3A_123 = arith.constant 0 : index
    %swap3A_124 = arith.constant 0 : index
    %swap3A_125 = vector.load %arg16[%swap3A_123, %swap3A_124] : memref<1x256xf32, #tpu.memory_space<vmem>>, vector<1x256xf32>
    tpu.vector_store %arg16[%swap3A_123, %swap3A_124], %add3A_122 {strides = array<i32>} : memref<1x256xf32, #tpu.memory_space<vmem>>, vector<1x256xf32>,
    %eq3A_126 = arith.constant 4 : i32
    %eq3A_127 = arith.cmpi eq, %arg0, %eq3A_126 : i32
    %convert_element_type3A_128 = arith.extui %eq3A_127 : i1 to i32
    %cond3A_129 = arith.constant 0 : i32
    %cond3A_130 = arith.cmpi ne, %convert_element_type3A_128, %cond3A_129 : i32
    scf.if %cond3A_130 {
      %get3A_131 = arith.constant 0 : index
      %get3A_132 = arith.constant 0 : index
      %get3A_133 = vector.load %arg16[%get3A_131, %get3A_132] : memref<1x256xf32, #tpu.memory_space<vmem>>, vector<1x256xf32>
      %get3A_134 = vector.shape_cast %get3A_133 : vector<1x256xf32> to vector<256xf32>
      %max3A_135 = arith.constant 1.000000e+00 : f32
      %max3A_136 = vector.broadcast %max3A_135 : f32 to vector<256xf32>
      %max3A_137 = arith.maximumf %get3A_134, %max3A_136 : vector<256xf32>
      %get3A_138 = arith.constant 0 : index
      %get3A_139 = arith.constant 0 : index
      %get3A_140 = vector.load %arg15[%get3A_138, %get3A_139] : memref<256x128xf32, #tpu.memory_space<vmem>>, vector<256x128xf32>
      %get3A_141 = arith.constant 0 : index
      %get3A_142 = arith.constant 0 : index
      %get3A_143 = vector.load %arg12[%get3A_141, %get3A_142] : memref<128x128xf32, #tpu.memory_space<vmem>>, vector<128x128xf32>
      %dot_general3A_144 = arith.constant dense<0.000000e+00> : vector<256x128xf32>
      %dot_general3A_145 = tpu.matmul %get3A_140, %get3A_143, %dot_general3A_144 {dimension_numbers = #tpu.dot_dimension_numbers<[1], [0], [0], [1], [0, 0, 1, 1], [], []>, transpose_lhs_hint = false} : vector<256x128xf32>, vector<128x128xf32>, vector<256x128xf32> -> vector<256x128xf32>
      %broadcast_in_dim3A_146 = vector.shape_cast %max3A_137 : vector<256xf32> to vector<256x1xf32>
      %div3A_147 = vector.broadcast %broadcast_in_dim3A_146 : vector<256x1xf32> to vector<256x128xf32>
      %div3A_148 = arith.divf %dot_general3A_145, %div3A_147 : vector<256x128xf32>
      %get3A_149 = arith.constant 0 : index
      %get3A_150 = arith.constant 0 : index
      %get3A_151 = vector.load %arg13[%get3A_149, %get3A_150] : memref<1x128xf32, #tpu.memory_space<vmem>>, vector<1x128xf32>
      %add3A_152 = vector.broadcast %get3A_151 : vector<1x128xf32> to vector<256x128xf32>
      %add3A_153 = arith.addf %div3A_148, %add3A_152 : vector<256x128xf32>
      %swap3A_154 = arith.constant 0 : index
      %swap3A_155 = arith.constant 0 : index
      %swap3A_156 = vector.load %arg14[%swap3A_154, %swap3A_155] : memref<256x128xf32, #tpu.memory_space<vmem>>, vector<256x128xf32>
      tpu.vector_store %arg14[%swap3A_154, %swap3A_155], %add3A_153 {strides = array<i32>} : memref<256x128xf32, #tpu.memory_space<vmem>>, vector<256x128xf32>,
    } else {
    }
    return
  }
  func.func @transform_0(%arg0: i32) -> (i32, i32) {
    %c0_i32 = arith.constant 0 : i32
    %c0_i32_0 = arith.constant 0 : i32
    return %arg0, %c0_i32 : i32, i32
  }
  func.func @transform_1(%arg0: i32) -> (i32, i32, i32) {
    %c0_i32 = arith.constant 0 : i32
    %c0_i32_0 = arith.constant 0 : i32
    %c0_i32_1 = arith.constant 0 : i32
    return %c0_i32, %arg0, %c0_i32_0 : i32, i32, i32
  }
  func.func @transform_2(%arg0: i32) -> (i32, i32, i32) {
    %c0_i32 = arith.constant 0 : i32
    %c0_i32_0 = arith.constant 0 : i32
    %c0_i32_1 = arith.constant 0 : i32
    return %arg0, %c0_i32, %c0_i32_0 : i32, i32, i32
  }
  func.func @transform_3(%arg0: i32) -> (i32, i32) {
    %c0_i32 = arith.constant 0 : i32
    %c0_i32_0 = arith.constant 0 : i32
    %c0_i32_1 = arith.constant 0 : i32
    return %c0_i32, %c0_i32_0 : i32, i32
  }
  func.func @transform_4(%arg0: i32) -> (i32, i32) {
    %c0_i32 = arith.constant 0 : i32
    %c0_i32_0 = arith.constant 0 : i32
    %c0_i32_1 = arith.constant 0 : i32
    return %c0_i32, %c0_i32_0 : i32, i32
  }
  func.func @transform_5(%arg0: i32) -> (i32, i32) {
    %c0_i32 = arith.constant 0 : i32
    %c0_i32_0 = arith.constant 0 : i32
    %c0_i32_1 = arith.constant 0 : i32
    return %c0_i32, %c0_i32_0 : i32, i32
  }
  func.func @transform_6(%arg0: i32) -> (i32, i32) {
    %c0_i32 = arith.constant 0 : i32
    %c0_i32_0 = arith.constant 0 : i32
    %c0_i32_1 = arith.constant 0 : i32
    return %c0_i32, %c0_i32_0 : i32, i32
  }
  func.func @transform_7(%arg0: i32) -> (i32, i32) {
    %c0_i32 = arith.constant 0 : i32
    %c0_i32_0 = arith.constant 0 : i32
    %c0_i32_1 = arith.constant 0 : i32
    return %c0_i32, %c0_i32_0 : i32, i32
  }
  func.func @transform_8(%arg0: i32) -> (i32, i32) {
    %c0_i32 = arith.constant 0 : i32
    %c0_i32_0 = arith.constant 0 : i32
    %c0_i32_1 = arith.constant 0 : i32
    return %c0_i32, %c0_i32_0 : i32, i32
  }
  func.func @transform_9(%arg0: i32) -> (i32, i32) {
    %c0_i32 = arith.constant 0 : i32
    %c0_i32_0 = arith.constant 0 : i32
    %c0_i32_1 = arith.constant 0 : i32
    return %c0_i32, %c0_i32_0 : i32, i32
  }
  func.func @transform_10(%arg0: i32) -> (i32, i32) {
    %c0_i32 = arith.constant 0 : i32
    %c0_i32_0 = arith.constant 0 : i32
    %c0_i32_1 = arith.constant 0 : i32
    return %c0_i32, %c0_i32_0 : i32, i32
  }
  func.func @transform_11(%arg0: i32) -> (i32, i32) {
    %c0_i32 = arith.constant 0 : i32
    %c0_i32_0 = arith.constant 0 : i32
    %c0_i32_1 = arith.constant 0 : i32
    return %c0_i32, %c0_i32_0 : i32, i32
  }
  func.func @transform_12(%arg0: i32) -> (i32, i32) {
    %c0_i32 = arith.constant 0 : i32
    %c0_i32_0 = arith.constant 0 : i32
    %c0_i32_1 = arith.constant 0 : i32
    return %c0_i32, %c0_i32_0 : i32, i32
  }
  func.func @transform_13(%arg0: i32) -> (i32, i32) {
    %c0_i32 = arith.constant 0 : i32
    %c0_i32_0 = arith.constant 0 : i32
    %c0_i32_1 = arith.constant 0 : i32
    return %c0_i32, %c0_i32_0 : i32, i32
  }
}

</mosaic_0001>

<sc_bundles>
// kernel: kernel.10.cloned.1.call-start
scs
__scs_entry_jumppad:
0x0: {  	(pc) =	sbr.rel $0x88, $3  }
0x1: {  	(tag) =	ssettag $0x0;
	lr =	simm.s32 $0x1  }
0x2: {  	[smem:$0x3F87] =	sst lr;
	_ =	strace $0xD0000000  }
0x3: {  	_ = 	snop  }
0x4: {  	_ = 	snop  }
0x5: {  	_ = 	snop  }
0x6: {  	_ = 	snop  }
0x7: {  	_ = 	snop  }
__scs_overlays_trampoline_lowered:
0x8: {  	[smem:$0x3F96] =	sst s0  }
0x9: {  	[smem:$0x3F97] =	sst s1  }
0xa: {  	[smem:$0x3F98] =	sst s2  }
0xb: {  	[smem:$0x3F99] =	sst s3  }
0xc: {  	[smem:$0x3F9A] =	sst s4  }
0xd: {  	[smem:$0x3F9B] =	sst s5  }
0xe: {  	[smem:$0x3F9C] =	sst s6  }
0xf: {  	[smem:$0x3F9D] =	sst s7  }
0x10: {  	[smem:$0x3F9E] =	sst s8  }
0x11: {  	[smem:$0x3F9F] =	sst s9;
	s0 =	simm.s32 @!p0 $0x0  }
0x12: {  	s1 =	sld [smem:$0x3F85];
	s0 =	simm.s32 @p0 $0x1  }
0x13: {  	[smem:$0x3FA0] =	sst s0;
	s0 =	simm.s32 @!p1 $0x0  }
0x14: {  	s2 =	sld [smem:$0x3F84];
	s0 =	simm.s32 @p1 $0x1  }
0x15: {  	[smem:$0x3FA1] =	sst s0;
	s0 =	simm.s32 @!p2 $0x0  }
0x16: {  	s3 =	sld [smem:$0x3FDB];
	s0 =	simm.s32 @p2 $0x1  }
0x17: {  	s4 =	simm.s32 $0x1BF5;
	[smem:$0x3FA3] =	sst s0  }
0x18: {  	s0 =	sld [smem:$0x3F86];
	_ =	swait.ge [sflag:s4], $0x0  }
0x19: {  	s7 =	sld [smem:$0x3F87]  }
0x1a: {  	s8 =	sadd.s32 $0xFFFFE003, lr  }
0x1b: {  	s9 =	sadd.s32 $0xFFFFFEF7, lr;
	s5 =	simm.s32 $0xFFFFFFFF;
	p2 =	slt.u32 s8, $0xFFFFF086  }
0x1c: {  	p1 =	slt.u32 s9, $0xF7A;
	s5 =	simm.s32 @!p2 $0x0  }
0x1d: {  	s5 =	simm.s32 @p1 $0x1;
	p0 =	seq.s32 s7, s2  }
0x1e: {  	s7 =	smul.u32 @!p0 $0xF7A, s2;
	p2 =	seq.s32 @!p0 s5, $0x0  }
0x1f: {  	s9 =	smul.u32 $0xF7A, s1;
	s8 =	simm.s32 @!p0 $0x1BF5;
	p2 =	por !p2, p0  }
0x20: {  	[sflag:s8] =	ssyncset.s32 @!p0 $0xFFFFF086;
	s6 =	sadd.s32 @!p0 s3, s7;
	s7 =	simm.s32 @!p0 $0x108  }
0x21: {  	s3 =	sadd.s32 s3, s9;
	s6 =	sadd.s32 @!p0 $0x88, s6;
	s7 =	simm.s32 @p2 $0x1082  }
0x22: {  	[simem:s7], [sflag:s8] =	dma.local @!p0 [hbm:s6], $0xF7A  }
0x23: {  	s9 =	sor.u32 $0xD0000000, s2;
	s6 =	simm.s32 $0x108;
	_ =	swait.ge @!p0 [sflag:s8], $0x0  }
0x24: {  	s3 =	sadd.s32 $0x88, s3;
	s6 =	simm.s32 @!p1 $0x1082;
	[sflag:s4] =	ssyncset.s32 $0xFFFFF086  }
0x25: {  	[simem:s6], [sflag:s4] =	dma.local [hbm:s3], $0xF7A  }
0x26: {  	[smem:$0x3F87] =	sst s1;
	(tag) =	ssettag s2;
	_ =	strace s9  }
0x27: {  	s1 =	sld [smem:$0x3F97]  }
0x28: {  	s2 =	sld [smem:$0x3F98]  }
0x29: {  	s4 =	sld [smem:$0x3F9A]  }
0x2a: {  	p0 =	seq.s32 s5, $0x0;
	s5 =	sld [smem:$0x3F9B]  }
0x2b: {  	s6 =	sld [smem:$0x3F9C]  }
0x2c: {  	s7 =	sld [smem:$0x3F9D]  }
0x2d: {  	s3 =	simm.s32 $0x108;
	s8 =	sld [smem:$0x3F9E]  }
0x2e: {  	s3 =	simm.s32 @!p0 $0x1082;
	s9 =	sld [smem:$0x3F9F]  }
0x2f: {  	lr =	sadd.s32 s0, s3;
	s0 =	sld [smem:$0x3F96]  }
0x30: {  	s3 =	sld [smem:$0x3F99]  }
0x31: {  	[smem:$0x3FA2] =	sst s10  }
0x32: {  	s10 =	sld [smem:$0x3FA0];
	_ =	sdelay $0x3  }
0x33: {  	p0 =	seq.s32 s10, $0x1;
	s10 =	sld [smem:$0x3FA2];
	_ =	sdelay $0x3  }
0x34: {  	[smem:$0x3FA2] =	sst s10  }
0x35: {  	s10 =	sld [smem:$0x3FA1];
	_ =	sdelay $0x3  }
0x36: {  	p1 =	seq.s32 s10, $0x1;
	s10 =	sld [smem:$0x3FA2];
	_ =	sdelay $0x3  }
0x37: {  	[smem:$0x3FA2] =	sst s10  }
0x38: {  	s10 =	sld [smem:$0x3FA3]  }
0x39: {  	_ = 	snop;
	(pc) =	sbr.ind lr, $3  }
0x3a: {  	_ = 	snop  }
0x3b: {  	_ = 	snop  }
0x3c: {  	p2 =	seq.s32 s10, $0x1;
	s10 =	sld [smem:$0x3FA2]  }
0x3d: {  	_ =	shalt  }
0x3e: {  	_ =	shalt  }
0x3f: {  	_ =	shalt  }
0x40: {  	_ =	shalt  }
0x41: {  	_ =	shalt  }
0x42: {  	_ =	shalt  }
0x43: {  	_ =	shalt  }
0x44: {  	_ =	shalt  }
0x45: {  	_ =	shalt  }
0x46: {  	_ =	shalt  }
0x47: {  	_ =	shalt  }
0x48: {  	_ =	shalt  }
0x49: {  	_ =	shalt  }
0x4a: {  	_ =	shalt  }
0x4b: {  	_ =	shalt  }
0x4c: {  	_ =	shalt  }
0x4d: {  	_ =	shalt  }
0x4e: {  	_ =	shalt  }
0x4f: {  	_ =	shalt  }
0x50: {  	_ =	shalt  }
0x51: {  	_ =	shalt  }
0x52: {  	_ =	shalt  }
0x53: {  	_ =	shalt  }
0x54: {  	_ =	shalt  }
0x55: {  	_ =	shalt  }
0x56: {  	_ =	shalt  }
0x57: {  	_ =	shalt  }
0x58: {  	_ =	shalt  }
0x59: {  	_ =	shalt  }
0x5a: {  	_ =	shalt  }
0x5b: {  	_ =	shalt  }
0x5c: {  	_ =	shalt  }
0x5d: {  	_ =	shalt  }
0x5e: {  	_ =	shalt  }
0x5f: {  	_ =	shalt  }
0x60: {  	_ =	shalt  }
0x61: {  	_ =	shalt  }
0x62: {  	_ =	shalt  }
0x63: {  	_ =	shalt  }
0x64: {  	_ =	shalt  }
0x65: {  	_ =	shalt  }
0x66: {  	_ =	shalt  }
0x67: {  	_ =	shalt  }
0x68: {  	_ =	shalt  }
0x69: {  	_ =	shalt  }
0x6a: {  	_ =	shalt  }
0x6b: {  	_ =	shalt  }
0x6c: {  	_ =	shalt  }
0x6d: {  	_ =	shalt  }
0x6e: {  	_ =	shalt  }
0x6f: {  	_ =	shalt  }
0x70: {  	_ =	shalt  }
0x71: {  	_ =	shalt  }
0x72: {  	_ =	shalt  }
0x73: {  	_ =	shalt  }
0x74: {  	_ =	shalt  }
0x75: {  	_ =	shalt  }
0x76: {  	_ =	shalt  }
0x77: {  	_ =	shalt  }
0x78: {  	_ =	shalt  }
0x79: {  	_ =	shalt  }
0x7a: {  	_ =	shalt  }
0x7b: {  	_ =	shalt  }
0x7c: {  	_ =	shalt  }
0x7d: {  	_ =	shalt  }
0x7e: {  	_ =	shalt  }
0x7f: {  	_ =	shalt  }
0x80: {  	_ =	shalt  }
0x81: {  	_ =	shalt  }
0x82: {  	_ =	shalt  }
0x83: {  	_ =	shalt  }
0x84: {  	_ =	shalt  }
0x85: {  	_ =	shalt  }
0x86: {  	_ =	shalt  }
0x87: {  	_ =	shalt  }
.Lfunc_end0:
.L_simem_size_0:
called_computation.1_lowered:
.L_overlay_start_0:
0x88: {  	s2 =	sld [smem:$0x3FD9]  }
0x89: {  	s3 =	sld [smem:$0x3FFE];
	_ =	sdelay $0x1  }
0x8a: {  	s1 =	srdreg.scid  }
0x8b: {  	s0 =	sand.u32 $0x1, s1  }
0x8c: {  	s16 =	sshll.u32 s0, $0xA;
	s2 =	sadd.s32 s3, s2  }
0x8d: {  	s2 =	sadd.s32 s2, s16  }
0x8e: {  	[smem:$0x3FAE] =	sst s2  }
0x8f: {  	_ = 	snop  }
0x90: {  	(tm) =	ssettm $0x1  }
0x91: {  	s17 =	sld [smem:$0x3FFB];
	_ =	sdelay $0x3  }
0x92: {  	_ =	strace s17  }
0x93: {  	s2 =	sld [smem:$0x3FFC];
	_ =	sdelay $0x3  }
0x94: {  	_ =	strace s2  }
0x95: {  	s2 =	sld [smem:$0x3FFD];
	_ =	sdelay $0x3  }
0x96: {  	_ =	strace s2  }
0x97: {  	_ =	strace $0x8FFFFFFF  }
0x98: {  	s18 =	sld [smem:$0x3FDB];
	_ =	sdelay $0x1  }
0x99: {  	s19 =	simm.s32 $_scs_section_size  }
0x9a: {  	s4 =	simm.s32 $_size__tile_overlayer_lowered;
	s5 =	simm.s32 $_tile_overlayer_lowered  }
0x9b: {  	s22 =	simm.s32 $0x1BFF;
	s21 =	sshll.u32 s5, $0x1;
	s2 =	sadd.s32 s19, s18  }
0x9c: {  	s6 =	simm.s32 $0x0;
	s20 =	sshll.u32 s4, $0x1;
	s4 =	sadd.s32 s21, s2  }
0x9d: {  	[timem:s6], [sflag:s22] =	dma.local [hbm:s4], s20  }
0x9e: {  	_ =	swait.ge [sflag:s22], s20  }
0x9f: {  	s3 =	ssub.s32 $0x0, s20;
	[sflag:s22] =	ssyncset.done $0x0  }
0xa0: {  	[sflag:s22] =	ssyncadd.s32 s3;
	_ =	sdelay $0x1  }
0xa1: {  	s23 =	simm.s32 $0x1B8B  }
0xa2: {  	_ =	swait.ge [sflag:s23], $0x1  }
0xa3: {  	[sflag:s23] =	ssyncset.done $0x0  }
0xa4: {  	s25 =	simm.s32 $0x1B8E;
	s24 =	sld [smem:$0x3FFE];
	[sflag:s23] =	ssyncadd.s32 $0xFFFFFFFF  }
0xa5: {  	s26 =	simm.s32 $execute0_lowered;
	[smem:$0x3FD2] =	sst s25  }
0xa6: {  	s4 =	sshll.u32 s26, $0x1;
	_ =	strace $0x80000049;
	[dreg:$0x1] =	wrdreg $0xFFFFFFFF  }
0xa7: {  	s28 =	simm.s32 $_size_execute0_lowered;
	s2 =	sadd.s32 s2, s4;
	[dreg:$0x0] =	wrdreg $0x0  }
0xa8: {  	s4 =	sshll.u32 s28, $0x1;
	[dreg:$0x2] =	wrdreg s2  }
0xa9: {  	[dreg:$0x3] =	wrdreg s4  }
0xaa: {  	[dreg:$0x4] =	wrdreg $0xC0  }
0xab: {  	_ =	task [dreg:s6], $0x5FFFF  }
0xac: {  	[dreg:$0x1] =	wrdreg $0xFFFFFFFF  }
0xad: {  	[dreg:$0x0] =	wrdreg $0x60  }
0xae: {  	[dreg:$0x2] =	wrdreg s24  }
0xaf: {  	[dreg:$0x3] =	wrdreg $0xA8000  }
0xb0: {  	[dreg:$0x4] =	wrdreg $0x9  }
0xb1: {  	_ =	task.clear_ibuf [dreg:s6], $0x5FFFF;
	_ =	strace $0x90000049  }
0xb2: {  	s29 =	simm.s32 $0x9;
	_ =	strace $0x8000004B  }
0xb3: {  	_ =	swait.ge [sflag:s29], $0x1  }
0xb4: {  	[sflag:s29] =	ssyncadd.s32 $0xFFFFFFFF  }
0xb5: {  	_ =	strace $0x9000004B  }
0xb6: {  	_ =	sfence  }
0xb7: {  	s30 =	sld [smem:$0x0];
	_ =	sdelay $0x2  }
0xb8: {  	s31 =	sshll.u32 s1, $0xD;
	s1 =	sshrl.u32 s1, $0x2  }
0xb9: {  	s3 =	sand.u32 $0x4000, s31;
	s1 =	sadd.s32 s1, s30  }
0xba: {  	s0 =	sor.u32 s3, s0;
	s1 =	sshll.u32 s1, $0x11  }
0xbb: {  	s0 =	sor.u32 s1, s0  }
0xbc: {  	s0 =	sadd.s32 $0x8F2B, s0  }
0xbd: {  	[sflag:s0] =	ssyncadd.remote.s32 $0x1  }
0xbe: {  	_ =	sfence.sel $0xFFFF  }
0xbf: {  	[dreg:$0x0] =	wrdreg $0xFFFFFFFF;
	(pc) =	sbr.abs _section_cstart, $3  }
0xc0: {  	[dreg:$0x1] =	wrdreg $0xFFFFFFFF  }
0xc1: {  	_ =	task.clear_ibuf [dreg:s6], $0x2FFFF;
	_ =	strace $0x9FFFFFFF  }
0xc2: {  	(tm) =	ssettm $0x7FFFFFFF  }
0xc3: {  	_ =	shalt  }
tec
execute0_lowered:
.L_overlay_start_1:
0x0: {  	(tag) =	ssettag $0x1  }
0x1: {  	s8 =	rddreg [dreg:$0x0]  }
0x2: {  	s1 =	rddreg [dreg:$0x1]  }
0x3: {  	s0 =	rddreg [dreg:$0x2];
	s3 =	simm.s32 $0x0  }
0x4: {  	s2 =	srdreg.scid;
	s17 =	simm.s32 $0x2800;
	s18 =	simm.s32 $0x2  }
0x5: {  	s19 =	simm.s32 $0x1400;
	s20 =	simm.s32 $0x80;
	s21 =	simm.s32 $0x6800  }
0x6: {  	s22 =	simm.s32 $0x1;
	[smem:$0x7FF] =	sst s3;
	s9 =	sand.u32 $0x1, s2  }
0x7: {  	s2 =	stileid.u32;
	s5 =	sadd.s32 $0xEF9C00, s8;
	s7 =	smul.u32 $0x13C000, s9  }
0x8: {  	s4 =	sadd.s32 $0x3C00, s8;
	s6 =	sadd.s32 $0x4E5C00, s8;
	s10 =	smul.u32 $0x13C00, s2  }
0x9: {  	s11 =	smul.u32 $0x4F000, s2;
	s12 =	ssub.s32 $0x2, s9;
	s9 =	sshll.u32 s9, $0x4  }
0xa: {  	_ =	strace $0x8000004A;
	s30 =	sshrl.u32 s12, $0x1;
	s14 =	sor.u32 s2, s9  }
0xb: {  	s10 =	sadd.s32 s10, s7;
	s7 =	sadd.s32 $0x4EFC00, s8;
	s31 =	sshrl.u32 s11, $0x2  }
0xc: {  	s16 =	ssub.s32 s12, s30;
	s13 =	smul.u32 $0x2800, s14;
	s10 =	sshrl.u32 s10, $0x3  }
0xd: {  	s14 =	smul.u32 $0x140000, s14;
	s15 =	sadd.s32 s10, s8;
	s8 =	sadd.s32 s31, s1  }
0xe: {  	s16 =	smax.u32 s16, $0x1;
	s9 =	sadd.s32 $0x4000, s8;
	s10 =	sadd.s32 $0x8000, s8  }
0xf: {  	v0 =	vimm.f32 $0.0e+00;
	s11 =	sadd.s32 $0xC000, s8;
	s12 =	sadd.s32 $0x10000, s8;
	s15 =	sadd.s32 $0x2AE00, s15  }
.LBB2_1:
0x10: {  	s23 =	simm.s32 $0x0;
	s24 =	simm.s32 $0x200  }
.LBB2_2:
0x11: {  	p0 =	sne.s32 s24, $0xFE00;
	[tilespmem:s23+$0x2870] =	vst v0  }
0x12: {  	[tilespmem:s23+$0x2800] =	vst v0  }
0x13: {  	[tilespmem:s23+$0x2810] =	vst v0  }
.Ltmp0:
0x14: {  	[tilespmem:s23+$0x2820] =	vst v0;
	(pc) =	sbr.rel @p0 .LBB2_2-.Ltmp0, $4  }
0x15: {  	[tilespmem:s23+$0x2830] =	vst v0  }
0x16: {  	[tilespmem:s23+$0x2840] =	vst v0  }
0x17: {  	[tilespmem:s23+$0x2850] =	vst v0  }
0x18: {  	[tilespmem:s23+$0x2860] =	vst v0;
	s23 =	sshra.s32 s24, $0x2;
	s24 =	sadd.s32 $0x200, s24  }
0x19: {  	[tilespmem:s23+$0x2870] =	vst v0  }
0x1a: {  	[tilespmem:s23+$0x2800] =	vst v0  }
0x1b: {  	[tilespmem:s23+$0x2810] =	vst v0  }
0x1c: {  	[tilespmem:s23+$0x2820] =	vst v0  }
0x1d: {  	[tilespmem:s23+$0x2830] =	vst v0  }
0x1e: {  	[tilespmem:s23+$0x2840] =	vst v0  }
0x1f: {  	[tilespmem:s23+$0x2850] =	vst v0  }
0x20: {  	[tilespmem:s23+$0x2860] =	vst v0  }
0x21: {  	[spmem:s8] =	stream.linear.scatter [tilespmem:s17], [sflag:$0x2], $0x4000, $0x38;
	[tilespmem:$0x1E400] =	vst v63  }
0x22: {  	_ =	swait.ge [sflag:s18], $0x4000  }
0x23: {  	[sflag:s18] =	ssyncset.done $0x0  }
0x24: {  	[sflag:s18] =	ssyncadd.s32 $0xFFFFC000  }
0x25: {  	[spmem:s9] =	stream.linear.scatter [tilespmem:s17], [sflag:$0x2], $0x4000, $0x38;
	[tilespmem:$0x1E400] =	vst v63  }
0x26: {  	_ =	swait.ge [sflag:s18], $0x4000  }
0x27: {  	[sflag:s18] =	ssyncset.done $0x0  }
0x28: {  	[sflag:s18] =	ssyncadd.s32 $0xFFFFC000  }
0x29: {  	[spmem:s10] =	stream.linear.scatter [tilespmem:s17], [sflag:$0x2], $0x4000, $0x38;
	[tilespmem:$0x1E400] =	vst v63  }
0x2a: {  	_ =	swait.ge [sflag:s18], $0x4000  }
0x2b: {  	[sflag:s18] =	ssyncset.done $0x0  }
0x2c: {  	[sflag:s18] =	ssyncadd.s32 $0xFFFFC000  }
0x2d: {  	[spmem:s11] =	stream.linear.scatter [tilespmem:s17], [sflag:$0x2], $0x4000, $0x38;
	[tilespmem:$0x1E400] =	vst v63  }
0x2e: {  	_ =	swait.ge [sflag:s18], $0x4000  }
0x2f: {  	[sflag:s18] =	ssyncset.done $0x0  }
0x30: {  	[sflag:s18] =	ssyncadd.s32 $0xFFFFC000  }
0x31: {  	[spmem:s12] =	stream.linear.scatter [tilespmem:s17], [sflag:$0x2], $0x3C00, $0x38;
	[tilespmem:$0x1E400] =	vst v63  }
0x32: {  	_ =	swait.ge [sflag:s18], $0x3C00  }
0x33: {  	[sflag:s18] =	ssyncset.done $0x0  }
0x34: {  	s23 =	simm.s32 $0x0;
	[sflag:s18] =	ssyncadd.s32 $0xFFFFC400  }
0x35: {  	p1 =	por $0x1, $0x1;
	s24 =	simm.s32 $0x0;
	[bflag:$0x0] =	sbarrier.arrive $0xFFFF  }
.LBB2_4:
0x36: {  	s25 =	smul.u32 $0x1400, s24;
	_ =	sdelay $0x1  }
0x37: {  	s25 =	sadd.s32 s13, s25  }
0x38: {  	s25 =	sshrl.u32 s25, $0x3  }
0x39: {  	s26 =	sadd.s32 s6, s25  }
0x3a: {  	[tilespmem:s23], [sflag:$0x2] =	stream.linear.gather [hbm4b:s26+s23], $0x1400, $0x38;
	[tilespmem:$0x1E400] =	vst v63  }
0x3b: {  	_ =	swait.ge [sflag:s18], $0x1400  }
0x3c: {  	[sflag:s18] =	ssyncset.done $0x0  }
0x3d: {  	s25 =	sadd.s32 s7, s25;
	[sflag:s18] =	ssyncadd.s32 $0xFFFFEC00  }
0x3e: {  	[tilespmem:s19], [sflag:$0x2] =	stream.linear.gather [hbm4b:s25+s23], $0x1400, $0x38;
	[tilespmem:$0x1E400] =	vst v63  }
0x3f: {  	_ =	swait.ge [sflag:s18], $0x1400  }
0x40: {  	p0 =	por p1, p1;
	[sflag:s18] =	ssyncset.done $0x0  }
0x41: {  	s24 =	smul.u32 $0x28, s24;
	s25 =	simm.s32 $0x0;
	[sflag:s18] =	ssyncadd.s32 $0xFFFFEC00  }
.LBB2_5:
0x42: {  	s26 =	sshll.u32 s25, $0x7  }
0x43: {  	[tilespmem:s17], [sflag:$0x1] =	stream.indirect.gather [hbm4b:s4+s20], $0x80, s26, s20, $0xb8;
	[tilespmem:$0x1E400] =	vst v63  }
0x44: {  	s28 =	sadd.s32 s24, s25  }
0x45: {  	s28 =	sshll.u32 s28, $0xE  }
0x46: {  	s28 =	sadd.s32 s14, s28  }
0x47: {  	s28 =	sshrl.u32 s28, $0x3  }
0x48: {  	s29 =	simm.s32 $0x0;
	s28 =	sadd.s32 s5, s28  }
0x49: {  	[tilespmem:s21], [sflag:$0x2] =	stream.linear.gather [hbm4b:s28+s29], $0x4000, $0x38;
	[tilespmem:$0x1E400] =	vst v63  }
0x4a: {  	_ =	swait.ge [sflag:s18], $0x4000  }
0x4b: {  	[sflag:s18] =	ssyncset.done $0x0  }
0x4c: {  	[sflag:s18] =	ssyncadd.s32 $0xFFFFC000  }
0x4d: {  	_ =	swait.ge [sflag:s22], $0x4000  }
0x4e: {  	[sflag:s22] =	ssyncset.done $0x0  }
0x4f: {  	s28 =	simm.s32 $0x0;
	[sflag:s22] =	ssyncadd.s32 $0xFFFFC000  }
0x50: {  	v7 =	vld [tilespmem:s28+$0x2800]  }
0x51: {  	v8 =	vld [tilespmem:s28+$0x2810]  }
0x52: {  	v9 =	vld [tilespmem:s28+$0x2820]  }
0x53: {  	v10 =	vld [tilespmem:s28+$0x2830]  }
0x54: {  	v11 =	vld [tilespmem:s28+$0x2840]  }
0x55: {  	v12 =	vld [tilespmem:s28+$0x2850]  }
0x56: {  	v13 =	vld [tilespmem:s28+$0x2860]  }
0x57: {  	v14 =	vld [tilespmem:s28+$0x2870]  }
0x58: {  	v15 =	vld [tilespmem:s28+$0x2880]  }
0x59: {  	v16 =	vld [tilespmem:s28+$0x2890]  }
0x5a: {  	v17 =	vld [tilespmem:s28+$0x28A0]  }
0x5b: {  	v18 =	vld [tilespmem:s28+$0x28B0]  }
0x5c: {  	v19 =	vld [tilespmem:s28+$0x28C0]  }
0x5d: {  	v20 =	vld [tilespmem:s28+$0x28D0]  }
0x5e: {  	v21 =	vld [tilespmem:s28+$0x28E0]  }
0x5f: {  	v22 =	vld [tilespmem:s28+$0x28F0]  }
0x60: {  	v23 =	vld [tilespmem:s28+$0x2900]  }
0x61: {  	v24 =	vld [tilespmem:s28+$0x2910]  }
0x62: {  	v25 =	vld [tilespmem:s28+$0x2920]  }
0x63: {  	v26 =	vld [tilespmem:s28+$0x2930]  }
0x64: {  	v27 =	vld [tilespmem:s28+$0x2940]  }
0x65: {  	v33 =	vld [tilespmem:s28+$0x6800]  }
0x66: {  	v28 =	vld [tilespmem:s28+$0x2950]  }
0x67: {  	v34 =	vld [tilespmem:s28+$0x6810]  }
0x68: {  	v35 =	vld [tilespmem:s28+$0x6820]  }
0x69: {  	v29 =	vld [tilespmem:s28+$0x2960]  }
0x6a: {  	v36 =	vld [tilespmem:s28+$0x6830];
	v7 =	vadd.f32 v33, v7  }
0x6b: {  	v37 =	vld [tilespmem:s28+$0x6840]  }
0x6c: {  	v30 =	vld [tilespmem:s28+$0x2970];
	v8 =	vadd.f32 v34, v8;
	v7 =	vmax.f32 v7, $0.0e+00  }
0x6d: {  	v61 =	vld [tilespmem:s28+$0x6850];
	[tilespmem:s28+$0x6800] =	vst v7;
	v7 =	vadd.f32 v35, v9  }
0x6e: {  	v38 =	vld [tilespmem:s28+$0x6860];
	v8 =	vmax.f32 v8, $0.0e+00  }
0x6f: {  	v31 =	vld [tilespmem:s28+$0x2980];
	[tilespmem:s28+$0x6810] =	vst v8;
	v8 =	vadd.f32 v36, v10;
	v7 =	vmax.f32 v7, $0.0e+00  }
0x70: {  	v62 =	vld [tilespmem:s28+$0x6870];
	[tilespmem:s28+$0x6820] =	vst v7;
	v7 =	vadd.f32 v37, v11  }
0x71: {  	v9 =	vld [tilespmem:s28+$0x6880];
	v8 =	vmax.f32 v8, $0.0e+00  }
0x72: {  	v32 =	vld [tilespmem:s28+$0x2990];
	[tilespmem:s28+$0x6830] =	vst v8;
	v8 =	vadd.f32 v61, v12;
	v7 =	vmax.f32 v7, $0.0e+00  }
0x73: {  	v10 =	vld [tilespmem:s28+$0x6890];
	[tilespmem:s28+$0x6840] =	vst v7;
	v7 =	vadd.f32 v38, v13  }
0x74: {  	v11 =	vld [tilespmem:s28+$0x68A0];
	v8 =	vmax.f32 v8, $0.0e+00  }
0x75: {  	v6 =	vld [tilespmem:s28+$0x29A0];
	[tilespmem:s28+$0x6850] =	vst v8;
	v8 =	vadd.f32 v62, v14;
	v7 =	vmax.f32 v7, $0.0e+00  }
0x76: {  	v12 =	vld [tilespmem:s28+$0x68B0];
	[tilespmem:s28+$0x6860] =	vst v7;
	v7 =	vadd.f32 v9, v15  }
0x77: {  	v13 =	vld [tilespmem:s28+$0x68C0];
	v8 =	vmax.f32 v8, $0.0e+00  }
0x78: {  	v5 =	vld [tilespmem:s28+$0x29B0];
	[tilespmem:s28+$0x6870] =	vst v8;
	v8 =	vadd.f32 v10, v16;
	v7 =	vmax.f32 v7, $0.0e+00  }
0x79: {  	v14 =	vld [tilespmem:s28+$0x68D0];
	[tilespmem:s28+$0x6880] =	vst v7;
	v7 =	vadd.f32 v11, v17  }
0x7a: {  	v9 =	vld [tilespmem:s28+$0x68E0];
	v8 =	vmax.f32 v8, $0.0e+00  }
0x7b: {  	v4 =	vld [tilespmem:s28+$0x29C0];
	[tilespmem:s28+$0x6890] =	vst v8;
	v8 =	vadd.f32 v12, v18;
	v7 =	vmax.f32 v7, $0.0e+00  }
0x7c: {  	v10 =	vld [tilespmem:s28+$0x68F0];
	[tilespmem:s28+$0x68A0] =	vst v7;
	v7 =	vadd.f32 v13, v19  }
0x7d: {  	v11 =	vld [tilespmem:s28+$0x6900];
	v8 =	vmax.f32 v8, $0.0e+00  }
0x7e: {  	v3 =	vld [tilespmem:s28+$0x29D0];
	[tilespmem:s28+$0x68B0] =	vst v8;
	v8 =	vadd.f32 v14, v20;
	v7 =	vmax.f32 v7, $0.0e+00  }
0x7f: {  	v12 =	vld [tilespmem:s28+$0x6910];
	[tilespmem:s28+$0x68C0] =	vst v7;
	v7 =	vadd.f32 v9, v21  }
0x80: {  	v13 =	vld [tilespmem:s28+$0x6920];
	v8 =	vmax.f32 v8, $0.0e+00  }
0x81: {  	v2 =	vld [tilespmem:s28+$0x29E0];
	[tilespmem:s28+$0x68D0] =	vst v8;
	v8 =	vadd.f32 v10, v22;
	v7 =	vmax.f32 v7, $0.0e+00  }
0x82: {  	v14 =	vld [tilespmem:s28+$0x6930];
	[tilespmem:s28+$0x68E0] =	vst v7;
	v7 =	vadd.f32 v11, v23  }
0x83: {  	v9 =	vld [tilespmem:s28+$0x6940];
	v8 =	vmax.f32 v8, $0.0e+00  }
0x84: {  	v1 =	vld [tilespmem:s28+$0x29F0];
	[tilespmem:s28+$0x68F0] =	vst v8;
	v8 =	vadd.f32 v12, v24;
	v7 =	vmax.f32 v7, $0.0e+00  }
0x85: {  	v10 =	vld [tilespmem:s28+$0x6950];
	[tilespmem:s28+$0x6900] =	vst v7;
	v7 =	vadd.f32 v13, v25  }
0x86: {  	v15 =	vld [tilespmem:s28+$0x6960];
	v8 =	vmax.f32 v8, $0.0e+00  }
0x87: {  	v12 =	vld [tilespmem:s28+$0x6970];
	[tilespmem:s28+$0x6910] =	vst v8;
	v8 =	vadd.f32 v14, v26;
	v7 =	vmax.f32 v7, $0.0e+00  }
0x88: {  	v13 =	vld [tilespmem:s28+$0x6980];
	[tilespmem:s28+$0x6920] =	vst v7;
	v7 =	vadd.f32 v9, v27  }
0x89: {  	v63 =	vld [tilespmem:s28+$0x6990];
	v8 =	vmax.f32 v8, $0.0e+00  }
0x8a: {  	v11 =	vld [tilespmem:s28+$0x69A0];
	[tilespmem:s28+$0x6930] =	vst v8;
	v8 =	vadd.f32 v10, v28;
	v7 =	vmax.f32 v7, $0.0e+00  }
0x8b: {  	v10 =	vld [tilespmem:s28+$0x69B0];
	[tilespmem:s28+$0x6940] =	vst v7;
	v7 =	vadd.f32 v15, v29  }
0x8c: {  	v12 =	vadd.f32 v12, v30;
	v9 =	vld [tilespmem:s28+$0x69C0];
	v8 =	vmax.f32 v8, $0.0e+00  }
0x8d: {  	v13 =	vadd.f32 v13, v31;
	[tilespmem:s28+$0x6950] =	vst v8;
	v8 =	vld [tilespmem:s28+$0x69D0];
	v7 =	vmax.f32 v7, $0.0e+00  }
0x8e: {  	s29 =	simm.s32 $0x800;
	v14 =	vmax.f32 v12, $0.0e+00;
	v12 =	vadd.f32 v63, v32;
	[tilespmem:s28+$0x6960] =	vst v7;
	v7 =	vld [tilespmem:s28+$0x69E0]  }
.LBB2_6:
0x8f: {  	s30 =	sshra.s32 s29, $0x2;
	p1 =	sne.s32 s29, $0xF800;
	[tilespmem:s28+$0x6970] =	vst v14;
	v13 =	vmax.f32 v13, $0.0e+00;
	v6 =	vadd.f32 v11, v6;
	v11 =	vld [tilespmem:s28+$0x69F0]  }
0x90: {  	v14 =	vld [tilespmem:s30+$0x2800];
	[tilespmem:s28+$0x6980] =	vst v13;
	v12 =	vmax.f32 v12, $0.0e+00;
	v5 =	vadd.f32 v10, v5  }
0x91: {  	v13 =	vld [tilespmem:s30+$0x2810];
	[tilespmem:s28+$0x6990] =	vst v12;
	v6 =	vmax.f32 v6, $0.0e+00;
	v4 =	vadd.f32 v9, v4  }
0x92: {  	v15 =	vld [tilespmem:s30+$0x2820];
	[tilespmem:s28+$0x69A0] =	vst v6;
	v5 =	vmax.f32 v5, $0.0e+00;
	v3 =	vadd.f32 v8, v3  }
0x93: {  	v16 =	vld [tilespmem:s30+$0x2830];
	[tilespmem:s28+$0x69B0] =	vst v5;
	v4 =	vmax.f32 v4, $0.0e+00;
	v2 =	vadd.f32 v7, v2  }
0x94: {  	v17 =	vld [tilespmem:s30+$0x2840];
	[tilespmem:s28+$0x69C0] =	vst v4;
	v3 =	vmax.f32 v3, $0.0e+00;
	v1 =	vadd.f32 v11, v1  }
0x95: {  	v18 =	vld [tilespmem:s30+$0x2850];
	[tilespmem:s28+$0x69D0] =	vst v3;
	v2 =	vmax.f32 v2, $0.0e+00  }
0x96: {  	v19 =	vld [tilespmem:s30+$0x2860];
	[tilespmem:s28+$0x69E0] =	vst v2;
	v1 =	vmax.f32 v1, $0.0e+00  }
0x97: {  	v20 =	vld [tilespmem:s30+$0x2870];
	[tilespmem:s28+$0x69F0] =	vst v1;
	s28 =	smov.u32 s30  }
0x98: {  	v21 =	vld [tilespmem:s28+$0x2880]  }
0x99: {  	v22 =	vld [tilespmem:s28+$0x2890]  }
0x9a: {  	v23 =	vld [tilespmem:s28+$0x28A0]  }
0x9b: {  	v24 =	vld [tilespmem:s28+$0x28B0]  }
0x9c: {  	v25 =	vld [tilespmem:s28+$0x28C0]  }
0x9d: {  	v26 =	vld [tilespmem:s28+$0x28D0]  }
0x9e: {  	v27 =	vld [tilespmem:s28+$0x28E0]  }
0x9f: {  	v28 =	vld [tilespmem:s28+$0x28F0]  }
0xa0: {  	v29 =	vld [tilespmem:s28+$0x2900]  }
0xa1: {  	v30 =	vld [tilespmem:s28+$0x2910]  }
0xa2: {  	v31 =	vld [tilespmem:s28+$0x2920]  }
0xa3: {  	v32 =	vld [tilespmem:s28+$0x2930]  }
0xa4: {  	v12 =	vld [tilespmem:s28+$0x2940]  }
0xa5: {  	v11 =	vld [tilespmem:s28+$0x2950]  }
0xa6: {  	v10 =	vld [tilespmem:s28+$0x2960]  }
0xa7: {  	v9 =	vld [tilespmem:s28+$0x2970]  }
0xa8: {  	v8 =	vld [tilespmem:s28+$0x2980]  }
0xa9: {  	v7 =	vld [tilespmem:s28+$0x2990]  }
0xaa: {  	v6 =	vld [tilespmem:s28+$0x29A0]  }
0xab: {  	v5 =	vld [tilespmem:s28+$0x29B0]  }
0xac: {  	v4 =	vld [tilespmem:s28+$0x29C0]  }
0xad: {  	v3 =	vld [tilespmem:s28+$0x29D0]  }
0xae: {  	v2 =	vld [tilespmem:s28+$0x29E0]  }
0xaf: {  	v1 =	vld [tilespmem:s28+$0x29F0]  }
0xb0: {  	v33 =	vld [tilespmem:s28+$0x6800]  }
0xb1: {  	v34 =	vld [tilespmem:s28+$0x6810]  }
0xb2: {  	v35 =	vld [tilespmem:s28+$0x6820]  }
0xb3: {  	v36 =	vld [tilespmem:s28+$0x6830]  }
0xb4: {  	v37 =	vld [tilespmem:s28+$0x6840]  }
0xb5: {  	v14 =	vadd.f32 v33, v14;
	v33 =	vld [tilespmem:s28+$0x6850]  }
0xb6: {  	v13 =	vadd.f32 v34, v13;
	v34 =	vld [tilespmem:s28+$0x6860]  }
0xb7: {  	v14 =	vmax.f32 v14, $0.0e+00;
	v15 =	vadd.f32 v35, v15;
	v35 =	vld [tilespmem:s28+$0x6870]  }
0xb8: {  	[tilespmem:s28+$0x6800] =	vst v14;
	v13 =	vmax.f32 v13, $0.0e+00;
	v14 =	vadd.f32 v36, v16;
	v16 =	vld [tilespmem:s28+$0x6880]  }
0xb9: {  	[tilespmem:s28+$0x6810] =	vst v13;
	v13 =	vmax.f32 v15, $0.0e+00;
	v15 =	vadd.f32 v37, v17;
	v17 =	vld [tilespmem:s28+$0x6890]  }
0xba: {  	[tilespmem:s28+$0x6820] =	vst v13;
	v13 =	vmax.f32 v14, $0.0e+00;
	v14 =	vadd.f32 v33, v18;
	v18 =	vld [tilespmem:s28+$0x68A0]  }
0xbb: {  	[tilespmem:s28+$0x6830] =	vst v13;
	v13 =	vmax.f32 v15, $0.0e+00;
	v15 =	vadd.f32 v34, v19;
	v19 =	vld [tilespmem:s28+$0x68B0]  }
0xbc: {  	[tilespmem:s28+$0x6840] =	vst v13;
	v13 =	vmax.f32 v14, $0.0e+00;
	v14 =	vadd.f32 v35, v20;
	v20 =	vld [tilespmem:s28+$0x68C0]  }
0xbd: {  	[tilespmem:s28+$0x6850] =	vst v13;
	v13 =	vmax.f32 v15, $0.0e+00;
	v15 =	vadd.f32 v16, v21;
	v16 =	vld [tilespmem:s28+$0x68D0]  }
0xbe: {  	[tilespmem:s28+$0x6860] =	vst v13;
	v13 =	vmax.f32 v14, $0.0e+00;
	v14 =	vadd.f32 v17, v22;
	v17 =	vld [tilespmem:s28+$0x68E0]  }
0xbf: {  	[tilespmem:s28+$0x6870] =	vst v13;
	v13 =	vmax.f32 v15, $0.0e+00;
	v15 =	vadd.f32 v18, v23;
	v18 =	vld [tilespmem:s28+$0x68F0]  }
0xc0: {  	[tilespmem:s28+$0x6880] =	vst v13;
	v13 =	vmax.f32 v14, $0.0e+00;
	v14 =	vadd.f32 v19, v24;
	v19 =	vld [tilespmem:s28+$0x6900]  }
0xc1: {  	[tilespmem:s28+$0x6890] =	vst v13;
	v13 =	vmax.f32 v15, $0.0e+00;
	v15 =	vadd.f32 v20, v25;
	v20 =	vld [tilespmem:s28+$0x6910]  }
0xc2: {  	[tilespmem:s28+$0x68A0] =	vst v13;
	v13 =	vmax.f32 v14, $0.0e+00;
	v14 =	vadd.f32 v16, v26;
	v16 =	vld [tilespmem:s28+$0x6920]  }
0xc3: {  	[tilespmem:s28+$0x68B0] =	vst v13;
	v13 =	vmax.f32 v15, $0.0e+00;
	v15 =	vadd.f32 v17, v27;
	v17 =	vld [tilespmem:s28+$0x6930]  }
0xc4: {  	[tilespmem:s28+$0x68C0] =	vst v13;
	v13 =	vmax.f32 v14, $0.0e+00;
	v14 =	vadd.f32 v18, v28;
	v18 =	vld [tilespmem:s28+$0x6940]  }
0xc5: {  	[tilespmem:s28+$0x68D0] =	vst v13;
	v13 =	vmax.f32 v15, $0.0e+00;
	v15 =	vadd.f32 v19, v29;
	v19 =	vld [tilespmem:s28+$0x6950]  }
0xc6: {  	[tilespmem:s28+$0x68E0] =	vst v13;
	v13 =	vmax.f32 v14, $0.0e+00;
	v14 =	vadd.f32 v20, v30;
	v20 =	vld [tilespmem:s28+$0x6960]  }
0xc7: {  	[tilespmem:s28+$0x68F0] =	vst v13;
	v13 =	vmax.f32 v15, $0.0e+00;
	v15 =	vadd.f32 v16, v31;
	v16 =	vld [tilespmem:s28+$0x6970]  }
0xc8: {  	[tilespmem:s28+$0x6900] =	vst v13;
	v13 =	vmax.f32 v14, $0.0e+00;
	v14 =	vadd.f32 v17, v32;
	v17 =	vld [tilespmem:s28+$0x6980]  }
0xc9: {  	[tilespmem:s28+$0x6910] =	vst v13;
	v13 =	vmax.f32 v15, $0.0e+00;
	v12 =	vadd.f32 v18, v12;
	v15 =	vld [tilespmem:s28+$0x6990]  }
.Ltmp1:
0xca: {  	[tilespmem:s28+$0x6920] =	vst v13;
	v13 =	vmax.f32 v14, $0.0e+00;
	v14 =	vadd.f32 v19, v11;
	v11 =	vld [tilespmem:s28+$0x69A0];
	(pc) =	sbr.rel @p1 .LBB2_6-.Ltmp1, $4  }
0xcb: {  	[tilespmem:s28+$0x6930] =	vst v13;
	v12 =	vmax.f32 v12, $0.0e+00;
	v13 =	vadd.f32 v20, v10;
	v10 =	vld [tilespmem:s28+$0x69B0]  }
0xcc: {  	[tilespmem:s28+$0x6940] =	vst v12;
	v12 =	vmax.f32 v14, $0.0e+00;
	v14 =	vadd.f32 v16, v9;
	v9 =	vld [tilespmem:s28+$0x69C0]  }
0xcd: {  	[tilespmem:s28+$0x6950] =	vst v12;
	v12 =	vmax.f32 v13, $0.0e+00;
	v13 =	vadd.f32 v17, v8;
	v8 =	vld [tilespmem:s28+$0x69D0]  }
0xce: {  	s29 =	sadd.s32 $0x800, s29;
	[tilespmem:s28+$0x6960] =	vst v12;
	v14 =	vmax.f32 v14, $0.0e+00;
	v12 =	vadd.f32 v15, v7;
	v7 =	vld [tilespmem:s28+$0x69E0]  }
0xcf: {  	[tilespmem:s28+$0x6970] =	vst v14;
	v13 =	vmax.f32 v13, $0.0e+00;
	v6 =	vadd.f32 v11, v6;
	v63 =	vld [tilespmem:s28+$0x69F0]  }
0xd0: {  	[tilespmem:s28+$0x6980] =	vst v13;
	v12 =	vmax.f32 v12, $0.0e+00;
	v5 =	vadd.f32 v10, v5  }
0xd1: {  	[tilespmem:s28+$0x6990] =	vst v12;
	v6 =	vmax.f32 v6, $0.0e+00;
	v4 =	vadd.f32 v9, v4  }
0xd2: {  	[tilespmem:s28+$0x69A0] =	vst v6;
	v5 =	vmax.f32 v5, $0.0e+00;
	v3 =	vadd.f32 v8, v3  }
0xd3: {  	[tilespmem:s28+$0x69B0] =	vst v5;
	v4 =	vmax.f32 v4, $0.0e+00;
	v2 =	vadd.f32 v7, v2  }
0xd4: {  	[tilespmem:s28+$0x69C0] =	vst v4;
	v3 =	vmax.f32 v3, $0.0e+00;
	v1 =	vadd.f32 v63, v1  }
0xd5: {  	s25 =	sadd.s32 $0x1, s25;
	[tilespmem:s28+$0x69D0] =	vst v3;
	v2 =	vmax.f32 v2, $0.0e+00  }
0xd6: {  	p1 =	sne.s32 s25, $0x28;
	[tilespmem:s28+$0x69E0] =	vst v2;
	v1 =	vmax.f32 v1, $0.0e+00  }
.Ltmp2:
0xd7: {  	s26 =	sadd.s32 $0x1400, s26;
	[tilespmem:s28+$0x69F0] =	vst v1;
	(pc) =	sbr.rel @p1 .LBB2_5-.Ltmp2, $4  }
0xd8: {  	[spmem:s1] =	stream.indirect.scatter.add.f32 [tilespmem:s21], [sflag:$0x2], $0x80, s26, s20, $0xb8;
	[tilespmem:$0x1E400] =	vst v63  }
0xd9: {  	_ =	swait.ge [sflag:s18], $0x4000  }
0xda: {  	[sflag:s18] =	ssyncset.done $0x0  }
0xdb: {  	[sflag:s18] =	ssyncadd.s32 $0xFFFFC000  }
.Ltmp3:
0xdc: {  	(pc) =	sbr.rel @p0 .LBB2_4-.Ltmp3, $2  }
0xdd: {  	_ =	sdelay $0x2  }
0xde: {  	s24 =	simm.s32 $0x1;
	p1 =	por $0x0, $0x0  }
0xdf: {  	s3 =	sadd.s32 $0x1, s3  }
0xe0: {  	s23 =	sshll.u32 s2, $0x6;
	[bflag:$0x0] =	sbarrier.arrive $0xFFFF;
	p0 =	sne.s32 s3, s16  }
.Ltmp4:
0xe1: {  	s24 =	sshrl.u32 s8, $0x3;
	s23 =	sor.u32 $0x1C02, s23;
	(pc) =	sbr.rel @p0 .LBB2_1-.Ltmp4, $4  }
0xe2: {  	[hbm:s15], [sflag:s23] =	dma.local [spmem:s24], $0x2780  }
0xe3: {  	_ =	swait.ge [sflag:s18], $0x2780  }
0xe4: {  	[sflag:s18] =	ssyncset.done $0x0  }
0xe5: {  	[sflag:s18] =	ssyncadd.s32 $0xFFFFD880  }
0xe6: {  	_ =	sfence.sel $0x180000  }
0xe7: {  	[bflag:$0x0] =	sbarrier.arrive $0xFFFF  }
0xe8: {  	p0 =	sne.s32 s2, $0x0;
	_ =	strace $0x9000004A  }
0xe9: {  	s0 =	sadd.s32 @!p0 $0x100000, s0;
	[bflag:$0x2] =	sbarrier.arrive $0xFFFF  }
0xea: {  	[sflag:s0] =	ssyncadd.tile.s32 @!p0 $0x1;
	_ =	shalt  }
.Lfunc_end2:
_tile_overlayer_lowered:
.L_overlay_start_2:
0xeb: {  	(tag) =	ssettag $0x2  }
0xec: {  	s0 =	rddreg [dreg:$0x0];
	s2 =	stileid.u32  }
0xed: {  	s1 =	rddreg [dreg:$0x1];
	p0 =	sne.s32 s2, $0x0  }
0xee: {  	s3 =	rddreg [dreg:$0x2];
	[bflag:$0x3] =	sbarrier.arrive $0xFFFF;
	s2 =	simm.s32 @!p0 $0x1C02  }
0xef: {  	[timem:s3], [sflag:s2] =	dma.local @!p0 [hbm:s0], s1  }
0xf0: {  	s0 =	simm.s32 @!p0 $0x2  }
0xf1: {  	_ =	swait.ge @!p0 [sflag:s0], s1  }
0xf2: {  	s1 =	ssub.s32 @!p0 $0x0, s1;
	[sflag:s0] =	ssyncset.done @!p0 $0x0  }
0xf3: {  	[sflag:s0] =	ssyncadd.s32 @!p0 s1  }
0xf4: {  	[bflag:$0x3] =	sbarrier.arrive $0xFFFF  }
0xf5: {  	_ =	shalt  }

// kernel: kernel.7.cloned.1.call-start
scs
__scs_entry_jumppad:
0x0: {  	(pc) =	sbr.rel $0x88, $3  }
0x1: {  	(tag) =	ssettag $0x0;
	lr =	simm.s32 $0x1  }
0x2: {  	[smem:$0x3F87] =	sst lr;
	_ =	strace $0xD0000000  }
0x3: {  	_ = 	snop  }
0x4: {  	_ = 	snop  }
0x5: {  	_ = 	snop  }
0x6: {  	_ = 	snop  }
0x7: {  	_ = 	snop  }
__scs_overlays_trampoline_lowered:
0x8: {  	[smem:$0x3F96] =	sst s0  }
0x9: {  	[smem:$0x3F97] =	sst s1  }
0xa: {  	[smem:$0x3F98] =	sst s2  }
0xb: {  	[smem:$0x3F99] =	sst s3  }
0xc: {  	[smem:$0x3F9A] =	sst s4  }
0xd: {  	[smem:$0x3F9B] =	sst s5  }
0xe: {  	[smem:$0x3F9C] =	sst s6  }
0xf: {  	[smem:$0x3F9D] =	sst s7  }
0x10: {  	[smem:$0x3F9E] =	sst s8  }
0x11: {  	[smem:$0x3F9F] =	sst s9;
	s0 =	simm.s32 @!p0 $0x0  }
0x12: {  	s1 =	sld [smem:$0x3F85];
	s0 =	simm.s32 @p0 $0x1  }
0x13: {  	[smem:$0x3FA0] =	sst s0;
	s0 =	simm.s32 @!p1 $0x0  }
0x14: {  	s2 =	sld [smem:$0x3F84];
	s0 =	simm.s32 @p1 $0x1  }
0x15: {  	[smem:$0x3FA1] =	sst s0;
	s0 =	simm.s32 @!p2 $0x0  }
0x16: {  	s3 =	sld [smem:$0x3FDB];
	s0 =	simm.s32 @p2 $0x1  }
0x17: {  	s4 =	simm.s32 $0x1BF5;
	[smem:$0x3FA3] =	sst s0  }
0x18: {  	s0 =	sld [smem:$0x3F86];
	_ =	swait.ge [sflag:s4], $0x0  }
0x19: {  	s7 =	sld [smem:$0x3F87]  }
0x1a: {  	s8 =	sadd.s32 $0xFFFFE003, lr  }
0x1b: {  	s9 =	sadd.s32 $0xFFFFFEF7, lr;
	s5 =	simm.s32 $0xFFFFFFFF;
	p2 =	slt.u32 s8, $0xFFFFF086  }
0x1c: {  	p1 =	slt.u32 s9, $0xF7A;
	s5 =	simm.s32 @!p2 $0x0  }
0x1d: {  	s5 =	simm.s32 @p1 $0x1;
	p0 =	seq.s32 s7, s2  }
0x1e: {  	s7 =	smul.u32 @!p0 $0xF7A, s2;
	p2 =	seq.s32 @!p0 s5, $0x0  }
0x1f: {  	s9 =	smul.u32 $0xF7A, s1;
	s8 =	simm.s32 @!p0 $0x1BF5;
	p2 =	por !p2, p0  }
0x20: {  	[sflag:s8] =	ssyncset.s32 @!p0 $0xFFFFF086;
	s6 =	sadd.s32 @!p0 s3, s7;
	s7 =	simm.s32 @!p0 $0x108  }
0x21: {  	s3 =	sadd.s32 s3, s9;
	s6 =	sadd.s32 @!p0 $0x88, s6;
	s7 =	simm.s32 @p2 $0x1082  }
0x22: {  	[simem:s7], [sflag:s8] =	dma.local @!p0 [hbm:s6], $0xF7A  }
0x23: {  	s9 =	sor.u32 $0xD0000000, s2;
	s6 =	simm.s32 $0x108;
	_ =	swait.ge @!p0 [sflag:s8], $0x0  }
0x24: {  	s3 =	sadd.s32 $0x88, s3;
	s6 =	simm.s32 @!p1 $0x1082;
	[sflag:s4] =	ssyncset.s32 $0xFFFFF086  }
0x25: {  	[simem:s6], [sflag:s4] =	dma.local [hbm:s3], $0xF7A  }
0x26: {  	[smem:$0x3F87] =	sst s1;
	(tag) =	ssettag s2;
	_ =	strace s9  }
0x27: {  	s1 =	sld [smem:$0x3F97]  }
0x28: {  	s2 =	sld [smem:$0x3F98]  }
0x29: {  	s4 =	sld [smem:$0x3F9A]  }
0x2a: {  	p0 =	seq.s32 s5, $0x0;
	s5 =	sld [smem:$0x3F9B]  }
0x2b: {  	s6 =	sld [smem:$0x3F9C]  }
0x2c: {  	s7 =	sld [smem:$0x3F9D]  }
0x2d: {  	s3 =	simm.s32 $0x108;
	s8 =	sld [smem:$0x3F9E]  }
0x2e: {  	s3 =	simm.s32 @!p0 $0x1082;
	s9 =	sld [smem:$0x3F9F]  }
0x2f: {  	lr =	sadd.s32 s0, s3;
	s0 =	sld [smem:$0x3F96]  }
0x30: {  	s3 =	sld [smem:$0x3F99]  }
0x31: {  	[smem:$0x3FA2] =	sst s10  }
0x32: {  	s10 =	sld [smem:$0x3FA0];
	_ =	sdelay $0x3  }
0x33: {  	p0 =	seq.s32 s10, $0x1;
	s10 =	sld [smem:$0x3FA2];
	_ =	sdelay $0x3  }
0x34: {  	[smem:$0x3FA2] =	sst s10  }
0x35: {  	s10 =	sld [smem:$0x3FA1];
	_ =	sdelay $0x3  }
0x36: {  	p1 =	seq.s32 s10, $0x1;
	s10 =	sld [smem:$0x3FA2];
	_ =	sdelay $0x3  }
0x37: {  	[smem:$0x3FA2] =	sst s10  }
0x38: {  	s10 =	sld [smem:$0x3FA3]  }
0x39: {  	_ = 	snop;
	(pc) =	sbr.ind lr, $3  }
0x3a: {  	_ = 	snop  }
0x3b: {  	_ = 	snop  }
0x3c: {  	p2 =	seq.s32 s10, $0x1;
	s10 =	sld [smem:$0x3FA2]  }
0x3d: {  	_ =	shalt  }
0x3e: {  	_ =	shalt  }
0x3f: {  	_ =	shalt  }
0x40: {  	_ =	shalt  }
0x41: {  	_ =	shalt  }
0x42: {  	_ =	shalt  }
0x43: {  	_ =	shalt  }
0x44: {  	_ =	shalt  }
0x45: {  	_ =	shalt  }
0x46: {  	_ =	shalt  }
0x47: {  	_ =	shalt  }
0x48: {  	_ =	shalt  }
0x49: {  	_ =	shalt  }
0x4a: {  	_ =	shalt  }
0x4b: {  	_ =	shalt  }
0x4c: {  	_ =	shalt  }
0x4d: {  	_ =	shalt  }
0x4e: {  	_ =	shalt  }
0x4f: {  	_ =	shalt  }
0x50: {  	_ =	shalt  }
0x51: {  	_ =	shalt  }
0x52: {  	_ =	shalt  }
0x53: {  	_ =	shalt  }
0x54: {  	_ =	shalt  }
0x55: {  	_ =	shalt  }
0x56: {  	_ =	shalt  }
0x57: {  	_ =	shalt  }
0x58: {  	_ =	shalt  }
0x59: {  	_ =	shalt  }
0x5a: {  	_ =	shalt  }
0x5b: {  	_ =	shalt  }
0x5c: {  	_ =	shalt  }
0x5d: {  	_ =	shalt  }
0x5e: {  	_ =	shalt  }
0x5f: {  	_ =	shalt  }
0x60: {  	_ =	shalt  }
0x61: {  	_ =	shalt  }
0x62: {  	_ =	shalt  }
0x63: {  	_ =	shalt  }
0x64: {  	_ =	shalt  }
0x65: {  	_ =	shalt  }
0x66: {  	_ =	shalt  }
0x67: {  	_ =	shalt  }
0x68: {  	_ =	shalt  }
0x69: {  	_ =	shalt  }
0x6a: {  	_ =	shalt  }
0x6b: {  	_ =	shalt  }
0x6c: {  	_ =	shalt  }
0x6d: {  	_ =	shalt  }
0x6e: {  	_ =	shalt  }
0x6f: {  	_ =	shalt  }
0x70: {  	_ =	shalt  }
0x71: {  	_ =	shalt  }
0x72: {  	_ =	shalt  }
0x73: {  	_ =	shalt  }
0x74: {  	_ =	shalt  }
0x75: {  	_ =	shalt  }
0x76: {  	_ =	shalt  }
0x77: {  	_ =	shalt  }
0x78: {  	_ =	shalt  }
0x79: {  	_ =	shalt  }
0x7a: {  	_ =	shalt  }
0x7b: {  	_ =	shalt  }
0x7c: {  	_ =	shalt  }
0x7d: {  	_ =	shalt  }
0x7e: {  	_ =	shalt  }
0x7f: {  	_ =	shalt  }
0x80: {  	_ =	shalt  }
0x81: {  	_ =	shalt  }
0x82: {  	_ =	shalt  }
0x83: {  	_ =	shalt  }
0x84: {  	_ =	shalt  }
0x85: {  	_ =	shalt  }
0x86: {  	_ =	shalt  }
0x87: {  	_ =	shalt  }
.Lfunc_end0:
.L_simem_size_0:
called_computation_lowered:
.L_overlay_start_0:
0x88: {  	s2 =	sld [smem:$0x3FD9]  }
0x89: {  	s3 =	sld [smem:$0x3FFE];
	_ =	sdelay $0x1  }
0x8a: {  	s1 =	srdreg.scid  }
0x8b: {  	s0 =	sand.u32 $0x1, s1  }
0x8c: {  	s17 =	sshll.u32 s0, $0xA;
	s2 =	sadd.s32 s3, s2  }
0x8d: {  	s2 =	sadd.s32 s2, s17  }
0x8e: {  	[smem:$0x3FAE] =	sst s2  }
0x8f: {  	_ = 	snop  }
0x90: {  	s2 =	sld [smem:$0x3FC9];
	(tm) =	ssettm $0x1  }
0x91: {  	s18 =	sld [smem:$0x3FFB];
	_ =	sdelay $0x3  }
0x92: {  	_ =	strace s18  }
0x93: {  	s3 =	sld [smem:$0x3FFC];
	_ =	sdelay $0x3  }
0x94: {  	_ =	strace s3  }
0x95: {  	s3 =	sld [smem:$0x3FFD];
	_ =	sdelay $0x3  }
0x96: {  	_ =	strace s3  }
0x97: {  	_ =	strace $0x8FFFFFFF  }
0x98: {  	s19 =	sld [smem:$0x3FDB];
	_ =	sdelay $0x1  }
0x99: {  	s4 =	simm.s32 $_scs_section_size  }
0x9a: {  	s5 =	simm.s32 $_size__tile_overlayer_lowered;
	s6 =	simm.s32 $_tile_overlayer_lowered  }
0x9b: {  	s22 =	simm.s32 $0x1BFF;
	s21 =	sshll.u32 s6, $0x1;
	s3 =	sadd.s32 s4, s19  }
0x9c: {  	s7 =	simm.s32 $0x0;
	s20 =	sshll.u32 s5, $0x1;
	s5 =	sadd.s32 s21, s3  }
0x9d: {  	[timem:s7], [sflag:s22] =	dma.local [hbm:s5], s20  }
0x9e: {  	_ =	swait.ge [sflag:s22], s20  }
0x9f: {  	s4 =	ssub.s32 $0x0, s20;
	[sflag:s22] =	ssyncset.done $0x0  }
0xa0: {  	[sflag:s22] =	ssyncadd.s32 s4;
	_ =	sdelay $0x1  }
0xa1: {  	s23 =	simm.s32 $0x1B8B  }
0xa2: {  	_ =	swait.ge [sflag:s23], $0x1  }
0xa3: {  	[sflag:s23] =	ssyncset.done $0x0  }
0xa4: {  	s25 =	simm.s32 $0x1B8E;
	s24 =	sld [smem:$0x3FFE];
	[sflag:s23] =	ssyncadd.s32 $0xFFFFFFFF  }
0xa5: {  	s26 =	simm.s32 $execute0_lowered;
	[smem:$0x3FD2] =	sst s25  }
0xa6: {  	s5 =	sshll.u32 s26, $0x1;
	_ =	strace $0x80000046;
	[dreg:$0x1] =	wrdreg $0xFFFFFFFF  }
0xa7: {  	s28 =	simm.s32 $_size_execute0_lowered;
	s3 =	sadd.s32 s3, s5;
	[dreg:$0x0] =	wrdreg $0x0  }
0xa8: {  	s5 =	sshll.u32 s28, $0x1;
	[dreg:$0x2] =	wrdreg s3  }
0xa9: {  	[dreg:$0x3] =	wrdreg s5  }
0xaa: {  	[dreg:$0x4] =	wrdreg $0xC0  }
0xab: {  	_ =	task [dreg:s7], $0x5FFFF  }
0xac: {  	[dreg:$0x1] =	wrdreg $0xFFFFFFFF  }
0xad: {  	[dreg:$0x0] =	wrdreg $0x60  }
0xae: {  	[dreg:$0x2] =	wrdreg s2  }
0xaf: {  	[dreg:$0x3] =	wrdreg s24  }
0xb0: {  	[dreg:$0x4] =	wrdreg $0xA8000  }
0xb1: {  	[dreg:$0x5] =	wrdreg $0x9  }
0xb2: {  	_ =	task.clear_ibuf [dreg:s7], $0x6FFFF;
	_ =	strace $0x90000046  }
0xb3: {  	s29 =	simm.s32 $0x9;
	_ =	strace $0x80000048  }
0xb4: {  	_ =	swait.ge [sflag:s29], $0x1  }
0xb5: {  	[sflag:s29] =	ssyncadd.s32 $0xFFFFFFFF  }
0xb6: {  	_ =	strace $0x90000048  }
0xb7: {  	_ =	sfence  }
0xb8: {  	s30 =	sld [smem:$0x0];
	_ =	sdelay $0x2  }
0xb9: {  	s31 =	sshll.u32 s1, $0xD;
	s1 =	sshrl.u32 s1, $0x2  }
0xba: {  	s3 =	sand.u32 $0x4000, s31;
	s1 =	sadd.s32 s1, s30  }
0xbb: {  	s0 =	sor.u32 s3, s0;
	s1 =	sshll.u32 s1, $0x11  }
0xbc: {  	s0 =	sor.u32 s1, s0  }
0xbd: {  	s0 =	sadd.s32 $0x8F2B, s0  }
0xbe: {  	[sflag:s0] =	ssyncadd.remote.s32 $0x1  }
0xbf: {  	_ =	sfence.sel $0xFFFF  }
0xc0: {  	[dreg:$0x0] =	wrdreg $0xFFFFFFFF;
	(pc) =	sbr.abs _section_cstart, $3  }
0xc1: {  	[dreg:$0x1] =	wrdreg $0xFFFFFFFF  }
0xc2: {  	_ =	task.clear_ibuf [dreg:s7], $0x2FFFF;
	_ =	strace $0x9FFFFFFF  }
0xc3: {  	(tm) =	ssettm $0x7FFFFFFF  }
tec
execute0_lowered:
.L_overlay_start_1:
0x0: {  	(tag) =	ssettag $0x1  }
0x1: {  	s1 =	rddreg [dreg:$0x0]  }
0x2: {  	s8 =	rddreg [dreg:$0x1]  }
0x3: {  	s2 =	rddreg [dreg:$0x2];
	s3 =	srdreg.scid  }
0x4: {  	s0 =	rddreg [dreg:$0x3];
	s4 =	simm.s32 $0x0;
	s17 =	simm.s32 $0x2800  }
0x5: {  	s18 =	simm.s32 $0x2;
	s19 =	simm.s32 $0x1400;
	s20 =	simm.s32 $0x80  }
0x6: {  	s21 =	simm.s32 $0x6800;
	s22 =	simm.s32 $0x1;
	s9 =	sand.u32 $0x1, s3  }
0x7: {  	s3 =	stileid.u32;
	s5 =	sadd.s32 $0x9F9C00, s8;
	s7 =	smul.u32 $0x13C000, s9  }
0x8: {  	[smem:$0x7FF] =	sst s4;
	s6 =	sadd.s32 $0x4E5C00, s8;
	s10 =	smul.u32 $0x13C00, s3  }
0x9: {  	s11 =	smul.u32 $0x4F000, s3;
	s12 =	ssub.s32 $0x2, s9;
	s9 =	sshll.u32 s9, $0x4  }
0xa: {  	_ =	strace $0x80000047;
	s30 =	sshrl.u32 s12, $0x1;
	s14 =	sor.u32 s3, s9  }
0xb: {  	s10 =	sadd.s32 s10, s7;
	s7 =	sadd.s32 $0x4EFC00, s8;
	s31 =	sshrl.u32 s11, $0x2  }
0xc: {  	s16 =	ssub.s32 s12, s30;
	s13 =	smul.u32 $0x2800, s14;
	s10 =	sshrl.u32 s10, $0x3  }
0xd: {  	s14 =	smul.u32 $0x140000, s14;
	s15 =	sadd.s32 s10, s8;
	s8 =	sadd.s32 s31, s2  }
0xe: {  	s16 =	smax.u32 s16, $0x1;
	s9 =	sadd.s32 $0x4000, s8;
	s10 =	sadd.s32 $0x8000, s8  }
0xf: {  	v0 =	vimm.f32 $0.0e+00;
	s11 =	sadd.s32 $0xC000, s8;
	s12 =	sadd.s32 $0x10000, s8;
	s15 =	sadd.s32 $0x3C00, s15  }
.LBB2_1:
0x10: {  	s23 =	simm.s32 $0x0;
	s24 =	simm.s32 $0x200  }
.LBB2_2:
0x11: {  	p0 =	sne.s32 s24, $0xFE00;
	[tilespmem:s23+$0x2870] =	vst v0  }
0x12: {  	[tilespmem:s23+$0x2800] =	vst v0  }
0x13: {  	[tilespmem:s23+$0x2810] =	vst v0  }
.Ltmp0:
0x14: {  	[tilespmem:s23+$0x2820] =	vst v0;
	(pc) =	sbr.rel @p0 .LBB2_2-.Ltmp0, $4  }
0x15: {  	[tilespmem:s23+$0x2830] =	vst v0  }
0x16: {  	[tilespmem:s23+$0x2840] =	vst v0  }
0x17: {  	[tilespmem:s23+$0x2850] =	vst v0  }
0x18: {  	[tilespmem:s23+$0x2860] =	vst v0;
	s23 =	sshra.s32 s24, $0x2;
	s24 =	sadd.s32 $0x200, s24  }
0x19: {  	[tilespmem:s23+$0x2870] =	vst v0  }
0x1a: {  	[tilespmem:s23+$0x2800] =	vst v0  }
0x1b: {  	[tilespmem:s23+$0x2810] =	vst v0  }
0x1c: {  	[tilespmem:s23+$0x2820] =	vst v0  }
0x1d: {  	[tilespmem:s23+$0x2830] =	vst v0  }
0x1e: {  	[tilespmem:s23+$0x2840] =	vst v0  }
0x1f: {  	[tilespmem:s23+$0x2850] =	vst v0  }
0x20: {  	[tilespmem:s23+$0x2860] =	vst v0  }
0x21: {  	[spmem:s8] =	stream.linear.scatter [tilespmem:s17], [sflag:$0x2], $0x4000, $0x38;
	[tilespmem:$0x1E400] =	vst v63  }
0x22: {  	_ =	swait.ge [sflag:s18], $0x4000  }
0x23: {  	[sflag:s18] =	ssyncset.done $0x0  }
0x24: {  	[sflag:s18] =	ssyncadd.s32 $0xFFFFC000  }
0x25: {  	[spmem:s9] =	stream.linear.scatter [tilespmem:s17], [sflag:$0x2], $0x4000, $0x38;
	[tilespmem:$0x1E400] =	vst v63  }
0x26: {  	_ =	swait.ge [sflag:s18], $0x4000  }
0x27: {  	[sflag:s18] =	ssyncset.done $0x0  }
0x28: {  	[sflag:s18] =	ssyncadd.s32 $0xFFFFC000  }
0x29: {  	[spmem:s10] =	stream.linear.scatter [tilespmem:s17], [sflag:$0x2], $0x4000, $0x38;
	[tilespmem:$0x1E400] =	vst v63  }
0x2a: {  	_ =	swait.ge [sflag:s18], $0x4000  }
0x2b: {  	[sflag:s18] =	ssyncset.done $0x0  }
0x2c: {  	[sflag:s18] =	ssyncadd.s32 $0xFFFFC000  }
0x2d: {  	[spmem:s11] =	stream.linear.scatter [tilespmem:s17], [sflag:$0x2], $0x4000, $0x38;
	[tilespmem:$0x1E400] =	vst v63  }
0x2e: {  	_ =	swait.ge [sflag:s18], $0x4000  }
0x2f: {  	[sflag:s18] =	ssyncset.done $0x0  }
0x30: {  	[sflag:s18] =	ssyncadd.s32 $0xFFFFC000  }
0x31: {  	[spmem:s12] =	stream.linear.scatter [tilespmem:s17], [sflag:$0x2], $0x3C00, $0x38;
	[tilespmem:$0x1E400] =	vst v63  }
0x32: {  	_ =	swait.ge [sflag:s18], $0x3C00  }
0x33: {  	[sflag:s18] =	ssyncset.done $0x0  }
0x34: {  	s23 =	simm.s32 $0x0;
	[sflag:s18] =	ssyncadd.s32 $0xFFFFC400  }
0x35: {  	p1 =	por $0x1, $0x1;
	s24 =	simm.s32 $0x0;
	[bflag:$0x0] =	sbarrier.arrive $0xFFFF  }
.LBB2_4:
0x36: {  	s25 =	smul.u32 $0x1400, s24;
	_ =	sdelay $0x1  }
0x37: {  	s25 =	sadd.s32 s13, s25  }
0x38: {  	s25 =	sshrl.u32 s25, $0x3  }
0x39: {  	s26 =	sadd.s32 s6, s25  }
0x3a: {  	[tilespmem:s23], [sflag:$0x2] =	stream.linear.gather [hbm4b:s26+s23], $0x1400, $0x38;
	[tilespmem:$0x1E400] =	vst v63  }
0x3b: {  	_ =	swait.ge [sflag:s18], $0x1400  }
0x3c: {  	[sflag:s18] =	ssyncset.done $0x0  }
0x3d: {  	s25 =	sadd.s32 s7, s25;
	[sflag:s18] =	ssyncadd.s32 $0xFFFFEC00  }
0x3e: {  	[tilespmem:s19], [sflag:$0x2] =	stream.linear.gather [hbm4b:s25+s23], $0x1400, $0x38;
	[tilespmem:$0x1E400] =	vst v63  }
0x3f: {  	_ =	swait.ge [sflag:s18], $0x1400  }
0x40: {  	p0 =	por p1, p1;
	[sflag:s18] =	ssyncset.done $0x0  }
0x41: {  	s24 =	smul.u32 $0x28, s24;
	s25 =	simm.s32 $0x0;
	[sflag:s18] =	ssyncadd.s32 $0xFFFFEC00  }
.LBB2_5:
0x42: {  	s26 =	sshll.u32 s25, $0x7  }
0x43: {  	[tilespmem:s17], [sflag:$0x1] =	stream.indirect.gather [hbm4b:s1+s20], $0x80, s26, s20, $0xb8;
	[tilespmem:$0x1E400] =	vst v63  }
0x44: {  	s28 =	sadd.s32 s24, s25  }
0x45: {  	s28 =	sshll.u32 s28, $0xE  }
0x46: {  	s28 =	sadd.s32 s14, s28  }
0x47: {  	s28 =	sshrl.u32 s28, $0x3  }
0x48: {  	s29 =	simm.s32 $0x0;
	s28 =	sadd.s32 s5, s28  }
0x49: {  	[tilespmem:s21], [sflag:$0x2] =	stream.linear.gather [hbm4b:s28+s29], $0x4000, $0x38;
	[tilespmem:$0x1E400] =	vst v63  }
0x4a: {  	_ =	swait.ge [sflag:s18], $0x4000  }
0x4b: {  	[sflag:s18] =	ssyncset.done $0x0  }
0x4c: {  	[sflag:s18] =	ssyncadd.s32 $0xFFFFC000  }
0x4d: {  	_ =	swait.ge [sflag:s22], $0x4000  }
0x4e: {  	[sflag:s22] =	ssyncset.done $0x0  }
0x4f: {  	s28 =	simm.s32 $0x0;
	[sflag:s22] =	ssyncadd.s32 $0xFFFFC000  }
0x50: {  	v7 =	vld [tilespmem:s28+$0x2800]  }
0x51: {  	v8 =	vld [tilespmem:s28+$0x2810]  }
0x52: {  	v9 =	vld [tilespmem:s28+$0x2820]  }
0x53: {  	v10 =	vld [tilespmem:s28+$0x2830]  }
0x54: {  	v11 =	vld [tilespmem:s28+$0x2840]  }
0x55: {  	v12 =	vld [tilespmem:s28+$0x2850]  }
0x56: {  	v13 =	vld [tilespmem:s28+$0x2860]  }
0x57: {  	v14 =	vld [tilespmem:s28+$0x2870]  }
0x58: {  	v15 =	vld [tilespmem:s28+$0x2880]  }
0x59: {  	v16 =	vld [tilespmem:s28+$0x2890]  }
0x5a: {  	v17 =	vld [tilespmem:s28+$0x28A0]  }
0x5b: {  	v18 =	vld [tilespmem:s28+$0x28B0]  }
0x5c: {  	v19 =	vld [tilespmem:s28+$0x28C0]  }
0x5d: {  	v20 =	vld [tilespmem:s28+$0x28D0]  }
0x5e: {  	v21 =	vld [tilespmem:s28+$0x28E0]  }
0x5f: {  	v22 =	vld [tilespmem:s28+$0x28F0]  }
0x60: {  	v23 =	vld [tilespmem:s28+$0x2900]  }
0x61: {  	v24 =	vld [tilespmem:s28+$0x2910]  }
0x62: {  	v25 =	vld [tilespmem:s28+$0x2920]  }
0x63: {  	v26 =	vld [tilespmem:s28+$0x2930]  }
0x64: {  	v27 =	vld [tilespmem:s28+$0x2940]  }
0x65: {  	v33 =	vld [tilespmem:s28+$0x6800]  }
0x66: {  	v28 =	vld [tilespmem:s28+$0x2950]  }
0x67: {  	v34 =	vld [tilespmem:s28+$0x6810]  }
0x68: {  	v35 =	vld [tilespmem:s28+$0x6820]  }
0x69: {  	v29 =	vld [tilespmem:s28+$0x2960]  }
0x6a: {  	v36 =	vld [tilespmem:s28+$0x6830];
	v7 =	vadd.f32 v33, v7  }
0x6b: {  	v37 =	vld [tilespmem:s28+$0x6840]  }
0x6c: {  	v30 =	vld [tilespmem:s28+$0x2970];
	v8 =	vadd.f32 v34, v8;
	v7 =	vmax.f32 v7, $0.0e+00  }
0x6d: {  	v61 =	vld [tilespmem:s28+$0x6850];
	[tilespmem:s28+$0x6800] =	vst v7;
	v7 =	vadd.f32 v35, v9  }
0x6e: {  	v38 =	vld [tilespmem:s28+$0x6860];
	v8 =	vmax.f32 v8, $0.0e+00  }
0x6f: {  	v31 =	vld [tilespmem:s28+$0x2980];
	[tilespmem:s28+$0x6810] =	vst v8;
	v8 =	vadd.f32 v36, v10;
	v7 =	vmax.f32 v7, $0.0e+00  }
0x70: {  	v62 =	vld [tilespmem:s28+$0x6870];
	[tilespmem:s28+$0x6820] =	vst v7;
	v7 =	vadd.f32 v37, v11  }
0x71: {  	v9 =	vld [tilespmem:s28+$0x6880];
	v8 =	vmax.f32 v8, $0.0e+00  }
0x72: {  	v32 =	vld [tilespmem:s28+$0x2990];
	[tilespmem:s28+$0x6830] =	vst v8;
	v8 =	vadd.f32 v61, v12;
	v7 =	vmax.f32 v7, $0.0e+00  }
0x73: {  	v10 =	vld [tilespmem:s28+$0x6890];
	[tilespmem:s28+$0x6840] =	vst v7;
	v7 =	vadd.f32 v38, v13  }
0x74: {  	v11 =	vld [tilespmem:s28+$0x68A0];
	v8 =	vmax.f32 v8, $0.0e+00  }
0x75: {  	v6 =	vld [tilespmem:s28+$0x29A0];
	[tilespmem:s28+$0x6850] =	vst v8;
	v8 =	vadd.f32 v62, v14;
	v7 =	vmax.f32 v7, $0.0e+00  }
0x76: {  	v12 =	vld [tilespmem:s28+$0x68B0];
	[tilespmem:s28+$0x6860] =	vst v7;
	v7 =	vadd.f32 v9, v15  }
0x77: {  	v13 =	vld [tilespmem:s28+$0x68C0];
	v8 =	vmax.f32 v8, $0.0e+00  }
0x78: {  	v5 =	vld [tilespmem:s28+$0x29B0];
	[tilespmem:s28+$0x6870] =	vst v8;
	v8 =	vadd.f32 v10, v16;
	v7 =	vmax.f32 v7, $0.0e+00  }
0x79: {  	v14 =	vld [tilespmem:s28+$0x68D0];
	[tilespmem:s28+$0x6880] =	vst v7;
	v7 =	vadd.f32 v11, v17  }
0x7a: {  	v9 =	vld [tilespmem:s28+$0x68E0];
	v8 =	vmax.f32 v8, $0.0e+00  }
0x7b: {  	v4 =	vld [tilespmem:s28+$0x29C0];
	[tilespmem:s28+$0x6890] =	vst v8;
	v8 =	vadd.f32 v12, v18;
	v7 =	vmax.f32 v7, $0.0e+00  }
0x7c: {  	v10 =	vld [tilespmem:s28+$0x68F0];
	[tilespmem:s28+$0x68A0] =	vst v7;
	v7 =	vadd.f32 v13, v19  }
0x7d: {  	v11 =	vld [tilespmem:s28+$0x6900];
	v8 =	vmax.f32 v8, $0.0e+00  }
0x7e: {  	v3 =	vld [tilespmem:s28+$0x29D0];
	[tilespmem:s28+$0x68B0] =	vst v8;
	v8 =	vadd.f32 v14, v20;
	v7 =	vmax.f32 v7, $0.0e+00  }
0x7f: {  	v12 =	vld [tilespmem:s28+$0x6910];
	[tilespmem:s28+$0x68C0] =	vst v7;
	v7 =	vadd.f32 v9, v21  }
0x80: {  	v13 =	vld [tilespmem:s28+$0x6920];
	v8 =	vmax.f32 v8, $0.0e+00  }
0x81: {  	v2 =	vld [tilespmem:s28+$0x29E0];
	[tilespmem:s28+$0x68D0] =	vst v8;
	v8 =	vadd.f32 v10, v22;
	v7 =	vmax.f32 v7, $0.0e+00  }
0x82: {  	v14 =	vld [tilespmem:s28+$0x6930];
	[tilespmem:s28+$0x68E0] =	vst v7;
	v7 =	vadd.f32 v11, v23  }
0x83: {  	v9 =	vld [tilespmem:s28+$0x6940];
	v8 =	vmax.f32 v8, $0.0e+00  }
0x84: {  	v1 =	vld [tilespmem:s28+$0x29F0];
	[tilespmem:s28+$0x68F0] =	vst v8;
	v8 =	vadd.f32 v12, v24;
	v7 =	vmax.f32 v7, $0.0e+00  }
0x85: {  	v10 =	vld [tilespmem:s28+$0x6950];
	[tilespmem:s28+$0x6900] =	vst v7;
	v7 =	vadd.f32 v13, v25  }
0x86: {  	v15 =	vld [tilespmem:s28+$0x6960];
	v8 =	vmax.f32 v8, $0.0e+00  }
0x87: {  	v12 =	vld [tilespmem:s28+$0x6970];
	[tilespmem:s28+$0x6910] =	vst v8;
	v8 =	vadd.f32 v14, v26;
	v7 =	vmax.f32 v7, $0.0e+00  }
0x88: {  	v13 =	vld [tilespmem:s28+$0x6980];
	[tilespmem:s28+$0x6920] =	vst v7;
	v7 =	vadd.f32 v9, v27  }
0x89: {  	v63 =	vld [tilespmem:s28+$0x6990];
	v8 =	vmax.f32 v8, $0.0e+00  }
0x8a: {  	v11 =	vld [tilespmem:s28+$0x69A0];
	[tilespmem:s28+$0x6930] =	vst v8;
	v8 =	vadd.f32 v10, v28;
	v7 =	vmax.f32 v7, $0.0e+00  }
0x8b: {  	v10 =	vld [tilespmem:s28+$0x69B0];
	[tilespmem:s28+$0x6940] =	vst v7;
	v7 =	vadd.f32 v15, v29  }
0x8c: {  	v12 =	vadd.f32 v12, v30;
	v9 =	vld [tilespmem:s28+$0x69C0];
	v8 =	vmax.f32 v8, $0.0e+00  }
0x8d: {  	v13 =	vadd.f32 v13, v31;
	[tilespmem:s28+$0x6950] =	vst v8;
	v8 =	vld [tilespmem:s28+$0x69D0];
	v7 =	vmax.f32 v7, $0.0e+00  }
0x8e: {  	s29 =	simm.s32 $0x800;
	v14 =	vmax.f32 v12, $0.0e+00;
	v12 =	vadd.f32 v63, v32;
	[tilespmem:s28+$0x6960] =	vst v7;
	v7 =	vld [tilespmem:s28+$0x69E0]  }
.LBB2_6:
0x8f: {  	s30 =	sshra.s32 s29, $0x2;
	p1 =	sne.s32 s29, $0xF800;
	[tilespmem:s28+$0x6970] =	vst v14;
	v13 =	vmax.f32 v13, $0.0e+00;
	v6 =	vadd.f32 v11, v6;
	v11 =	vld [tilespmem:s28+$0x69F0]  }
0x90: {  	v14 =	vld [tilespmem:s30+$0x2800];
	[tilespmem:s28+$0x6980] =	vst v13;
	v12 =	vmax.f32 v12, $0.0e+00;
	v5 =	vadd.f32 v10, v5  }
0x91: {  	v13 =	vld [tilespmem:s30+$0x2810];
	[tilespmem:s28+$0x6990] =	vst v12;
	v6 =	vmax.f32 v6, $0.0e+00;
	v4 =	vadd.f32 v9, v4  }
0x92: {  	v15 =	vld [tilespmem:s30+$0x2820];
	[tilespmem:s28+$0x69A0] =	vst v6;
	v5 =	vmax.f32 v5, $0.0e+00;
	v3 =	vadd.f32 v8, v3  }
0x93: {  	v16 =	vld [tilespmem:s30+$0x2830];
	[tilespmem:s28+$0x69B0] =	vst v5;
	v4 =	vmax.f32 v4, $0.0e+00;
	v2 =	vadd.f32 v7, v2  }
0x94: {  	v17 =	vld [tilespmem:s30+$0x2840];
	[tilespmem:s28+$0x69C0] =	vst v4;
	v3 =	vmax.f32 v3, $0.0e+00;
	v1 =	vadd.f32 v11, v1  }
0x95: {  	v18 =	vld [tilespmem:s30+$0x2850];
	[tilespmem:s28+$0x69D0] =	vst v3;
	v2 =	vmax.f32 v2, $0.0e+00  }
0x96: {  	v19 =	vld [tilespmem:s30+$0x2860];
	[tilespmem:s28+$0x69E0] =	vst v2;
	v1 =	vmax.f32 v1, $0.0e+00  }
0x97: {  	v20 =	vld [tilespmem:s30+$0x2870];
	[tilespmem:s28+$0x69F0] =	vst v1;
	s28 =	smov.u32 s30  }
0x98: {  	v21 =	vld [tilespmem:s28+$0x2880]  }
0x99: {  	v22 =	vld [tilespmem:s28+$0x2890]  }
0x9a: {  	v23 =	vld [tilespmem:s28+$0x28A0]  }
0x9b: {  	v24 =	vld [tilespmem:s28+$0x28B0]  }
0x9c: {  	v25 =	vld [tilespmem:s28+$0x28C0]  }
0x9d: {  	v26 =	vld [tilespmem:s28+$0x28D0]  }
0x9e: {  	v27 =	vld [tilespmem:s28+$0x28E0]  }
0x9f: {  	v28 =	vld [tilespmem:s28+$0x28F0]  }
0xa0: {  	v29 =	vld [tilespmem:s28+$0x2900]  }
0xa1: {  	v30 =	vld [tilespmem:s28+$0x2910]  }
0xa2: {  	v31 =	vld [tilespmem:s28+$0x2920]  }
0xa3: {  	v32 =	vld [tilespmem:s28+$0x2930]  }
0xa4: {  	v12 =	vld [tilespmem:s28+$0x2940]  }
0xa5: {  	v11 =	vld [tilespmem:s28+$0x2950]  }
0xa6: {  	v10 =	vld [tilespmem:s28+$0x2960]  }
0xa7: {  	v9 =	vld [tilespmem:s28+$0x2970]  }
0xa8: {  	v8 =	vld [tilespmem:s28+$0x2980]  }
0xa9: {  	v7 =	vld [tilespmem:s28+$0x2990]  }
0xaa: {  	v6 =	vld [tilespmem:s28+$0x29A0]  }
0xab: {  	v5 =	vld [tilespmem:s28+$0x29B0]  }
0xac: {  	v4 =	vld [tilespmem:s28+$0x29C0]  }
0xad: {  	v3 =	vld [tilespmem:s28+$0x29D0]  }
0xae: {  	v2 =	vld [tilespmem:s28+$0x29E0]  }
0xaf: {  	v1 =	vld [tilespmem:s28+$0x29F0]  }
0xb0: {  	v33 =	vld [tilespmem:s28+$0x6800]  }
0xb1: {  	v34 =	vld [tilespmem:s28+$0x6810]  }
0xb2: {  	v35 =	vld [tilespmem:s28+$0x6820]  }
0xb3: {  	v36 =	vld [tilespmem:s28+$0x6830]  }
0xb4: {  	v37 =	vld [tilespmem:s28+$0x6840]  }
0xb5: {  	v14 =	vadd.f32 v33, v14;
	v33 =	vld [tilespmem:s28+$0x6850]  }
0xb6: {  	v13 =	vadd.f32 v34, v13;
	v34 =	vld [tilespmem:s28+$0x6860]  }
0xb7: {  	v14 =	vmax.f32 v14, $0.0e+00;
	v15 =	vadd.f32 v35, v15;
	v35 =	vld [tilespmem:s28+$0x6870]  }
0xb8: {  	[tilespmem:s28+$0x6800] =	vst v14;
	v13 =	vmax.f32 v13, $0.0e+00;
	v14 =	vadd.f32 v36, v16;
	v16 =	vld [tilespmem:s28+$0x6880]  }
0xb9: {  	[tilespmem:s28+$0x6810] =	vst v13;
	v13 =	vmax.f32 v15, $0.0e+00;
	v15 =	vadd.f32 v37, v17;
	v17 =	vld [tilespmem:s28+$0x6890]  }
0xba: {  	[tilespmem:s28+$0x6820] =	vst v13;
	v13 =	vmax.f32 v14, $0.0e+00;
	v14 =	vadd.f32 v33, v18;
	v18 =	vld [tilespmem:s28+$0x68A0]  }
0xbb: {  	[tilespmem:s28+$0x6830] =	vst v13;
	v13 =	vmax.f32 v15, $0.0e+00;
	v15 =	vadd.f32 v34, v19;
	v19 =	vld [tilespmem:s28+$0x68B0]  }
0xbc: {  	[tilespmem:s28+$0x6840] =	vst v13;
	v13 =	vmax.f32 v14, $0.0e+00;
	v14 =	vadd.f32 v35, v20;
	v20 =	vld [tilespmem:s28+$0x68C0]  }
0xbd: {  	[tilespmem:s28+$0x6850] =	vst v13;
	v13 =	vmax.f32 v15, $0.0e+00;
	v15 =	vadd.f32 v16, v21;
	v16 =	vld [tilespmem:s28+$0x68D0]  }
0xbe: {  	[tilespmem:s28+$0x6860] =	vst v13;
	v13 =	vmax.f32 v14, $0.0e+00;
	v14 =	vadd.f32 v17, v22;
	v17 =	vld [tilespmem:s28+$0x68E0]  }
0xbf: {  	[tilespmem:s28+$0x6870] =	vst v13;
	v13 =	vmax.f32 v15, $0.0e+00;
	v15 =	vadd.f32 v18, v23;
	v18 =	vld [tilespmem:s28+$0x68F0]  }
0xc0: {  	[tilespmem:s28+$0x6880] =	vst v13;
	v13 =	vmax.f32 v14, $0.0e+00;
	v14 =	vadd.f32 v19, v24;
	v19 =	vld [tilespmem:s28+$0x6900]  }
0xc1: {  	[tilespmem:s28+$0x6890] =	vst v13;
	v13 =	vmax.f32 v15, $0.0e+00;
	v15 =	vadd.f32 v20, v25;
	v20 =	vld [tilespmem:s28+$0x6910]  }
0xc2: {  	[tilespmem:s28+$0x68A0] =	vst v13;
	v13 =	vmax.f32 v14, $0.0e+00;
	v14 =	vadd.f32 v16, v26;
	v16 =	vld [tilespmem:s28+$0x6920]  }
0xc3: {  	[tilespmem:s28+$0x68B0] =	vst v13;
	v13 =	vmax.f32 v15, $0.0e+00;
	v15 =	vadd.f32 v17, v27;
	v17 =	vld [tilespmem:s28+$0x6930]  }
0xc4: {  	[tilespmem:s28+$0x68C0] =	vst v13;
	v13 =	vmax.f32 v14, $0.0e+00;
	v14 =	vadd.f32 v18, v28;
	v18 =	vld [tilespmem:s28+$0x6940]  }
0xc5: {  	[tilespmem:s28+$0x68D0] =	vst v13;
	v13 =	vmax.f32 v15, $0.0e+00;
	v15 =	vadd.f32 v19, v29;
	v19 =	vld [tilespmem:s28+$0x6950]  }
0xc6: {  	[tilespmem:s28+$0x68E0] =	vst v13;
	v13 =	vmax.f32 v14, $0.0e+00;
	v14 =	vadd.f32 v20, v30;
	v20 =	vld [tilespmem:s28+$0x6960]  }
0xc7: {  	[tilespmem:s28+$0x68F0] =	vst v13;
	v13 =	vmax.f32 v15, $0.0e+00;
	v15 =	vadd.f32 v16, v31;
	v16 =	vld [tilespmem:s28+$0x6970]  }
0xc8: {  	[tilespmem:s28+$0x6900] =	vst v13;
	v13 =	vmax.f32 v14, $0.0e+00;
	v14 =	vadd.f32 v17, v32;
	v17 =	vld [tilespmem:s28+$0x6980]  }
0xc9: {  	[tilespmem:s28+$0x6910] =	vst v13;
	v13 =	vmax.f32 v15, $0.0e+00;
	v12 =	vadd.f32 v18, v12;
	v15 =	vld [tilespmem:s28+$0x6990]  }
.Ltmp1:
0xca: {  	[tilespmem:s28+$0x6920] =	vst v13;
	v13 =	vmax.f32 v14, $0.0e+00;
	v14 =	vadd.f32 v19, v11;
	v11 =	vld [tilespmem:s28+$0x69A0];
	(pc) =	sbr.rel @p1 .LBB2_6-.Ltmp1, $4  }
0xcb: {  	[tilespmem:s28+$0x6930] =	vst v13;
	v12 =	vmax.f32 v12, $0.0e+00;
	v13 =	vadd.f32 v20, v10;
	v10 =	vld [tilespmem:s28+$0x69B0]  }
0xcc: {  	[tilespmem:s28+$0x6940] =	vst v12;
	v12 =	vmax.f32 v14, $0.0e+00;
	v14 =	vadd.f32 v16, v9;
	v9 =	vld [tilespmem:s28+$0x69C0]  }
0xcd: {  	[tilespmem:s28+$0x6950] =	vst v12;
	v12 =	vmax.f32 v13, $0.0e+00;
	v13 =	vadd.f32 v17, v8;
	v8 =	vld [tilespmem:s28+$0x69D0]  }
0xce: {  	s29 =	sadd.s32 $0x800, s29;
	[tilespmem:s28+$0x6960] =	vst v12;
	v14 =	vmax.f32 v14, $0.0e+00;
	v12 =	vadd.f32 v15, v7;
	v7 =	vld [tilespmem:s28+$0x69E0]  }
0xcf: {  	[tilespmem:s28+$0x6970] =	vst v14;
	v13 =	vmax.f32 v13, $0.0e+00;
	v6 =	vadd.f32 v11, v6;
	v63 =	vld [tilespmem:s28+$0x69F0]  }
0xd0: {  	[tilespmem:s28+$0x6980] =	vst v13;
	v12 =	vmax.f32 v12, $0.0e+00;
	v5 =	vadd.f32 v10, v5  }
0xd1: {  	[tilespmem:s28+$0x6990] =	vst v12;
	v6 =	vmax.f32 v6, $0.0e+00;
	v4 =	vadd.f32 v9, v4  }
0xd2: {  	[tilespmem:s28+$0x69A0] =	vst v6;
	v5 =	vmax.f32 v5, $0.0e+00;
	v3 =	vadd.f32 v8, v3  }
0xd3: {  	[tilespmem:s28+$0x69B0] =	vst v5;
	v4 =	vmax.f32 v4, $0.0e+00;
	v2 =	vadd.f32 v7, v2  }
0xd4: {  	[tilespmem:s28+$0x69C0] =	vst v4;
	v3 =	vmax.f32 v3, $0.0e+00;
	v1 =	vadd.f32 v63, v1  }
0xd5: {  	s25 =	sadd.s32 $0x1, s25;
	[tilespmem:s28+$0x69D0] =	vst v3;
	v2 =	vmax.f32 v2, $0.0e+00  }
0xd6: {  	p1 =	sne.s32 s25, $0x28;
	[tilespmem:s28+$0x69E0] =	vst v2;
	v1 =	vmax.f32 v1, $0.0e+00  }
.Ltmp2:
0xd7: {  	s26 =	sadd.s32 $0x1400, s26;
	[tilespmem:s28+$0x69F0] =	vst v1;
	(pc) =	sbr.rel @p1 .LBB2_5-.Ltmp2, $4  }
0xd8: {  	[spmem:s2] =	stream.indirect.scatter.add.f32 [tilespmem:s21], [sflag:$0x2], $0x80, s26, s20, $0xb8;
	[tilespmem:$0x1E400] =	vst v63  }
0xd9: {  	_ =	swait.ge [sflag:s18], $0x4000  }
0xda: {  	[sflag:s18] =	ssyncset.done $0x0  }
0xdb: {  	[sflag:s18] =	ssyncadd.s32 $0xFFFFC000  }
.Ltmp3:
0xdc: {  	(pc) =	sbr.rel @p0 .LBB2_4-.Ltmp3, $2  }
0xdd: {  	_ =	sdelay $0x2  }
0xde: {  	s24 =	simm.s32 $0x1;
	p1 =	por $0x0, $0x0  }
0xdf: {  	s4 =	sadd.s32 $0x1, s4  }
0xe0: {  	s23 =	sshll.u32 s3, $0x6;
	[bflag:$0x0] =	sbarrier.arrive $0xFFFF;
	p0 =	sne.s32 s4, s16  }
.Ltmp4:
0xe1: {  	s24 =	sshrl.u32 s8, $0x3;
	s23 =	sor.u32 $0x1C02, s23;
	(pc) =	sbr.rel @p0 .LBB2_1-.Ltmp4, $4  }
0xe2: {  	[hbm:s15], [sflag:s23] =	dma.local [spmem:s24], $0x2780  }
0xe3: {  	_ =	swait.ge [sflag:s18], $0x2780  }
0xe4: {  	[sflag:s18] =	ssyncset.done $0x0  }
0xe5: {  	[sflag:s18] =	ssyncadd.s32 $0xFFFFD880  }
0xe6: {  	_ =	sfence.sel $0x180000  }
0xe7: {  	[bflag:$0x0] =	sbarrier.arrive $0xFFFF  }
0xe8: {  	p0 =	sne.s32 s3, $0x0;
	_ =	strace $0x90000047  }
0xe9: {  	s0 =	sadd.s32 @!p0 $0x100000, s0;
	[bflag:$0x2] =	sbarrier.arrive $0xFFFF  }
0xea: {  	[sflag:s0] =	ssyncadd.tile.s32 @!p0 $0x1;
	_ =	shalt  }
.Lfunc_end2:
_tile_overlayer_lowered:
.L_overlay_start_2:
0xeb: {  	(tag) =	ssettag $0x2  }
0xec: {  	s0 =	rddreg [dreg:$0x0];
	s2 =	stileid.u32  }
0xed: {  	s1 =	rddreg [dreg:$0x1];
	p0 =	sne.s32 s2, $0x0  }
0xee: {  	s3 =	rddreg [dreg:$0x2];
	[bflag:$0x3] =	sbarrier.arrive $0xFFFF;
	s2 =	simm.s32 @!p0 $0x1C02  }
0xef: {  	[timem:s3], [sflag:s2] =	dma.local @!p0 [hbm:s0], s1  }
0xf0: {  	s0 =	simm.s32 @!p0 $0x2  }
0xf1: {  	_ =	swait.ge @!p0 [sflag:s0], s1  }
0xf2: {  	s1 =	ssub.s32 @!p0 $0x0, s1;
	[sflag:s0] =	ssyncset.done @!p0 $0x0  }
0xf3: {  	[sflag:s0] =	ssyncadd.s32 @!p0 s1  }
0xf4: {  	[bflag:$0x3] =	sbarrier.arrive $0xFFFF  }
0xf5: {  	_ =	shalt  }

</sc_bundles>
